<compile_context>
chip_gen: v7x
topology: tpu7x:2x2x1
jax: 0.10.2.dev20260603
libtpu: 0.0.44.dev20260713+nightly
codegen_flags: <defaults>
</compile_context>

<pallas_src>
import functools

import jax
import jax.numpy as jnp
from jax import lax
from jax.experimental import pallas as pl
from jax.experimental.pallas import tpu as pltpu
from jax.experimental.pallas import tpu_sc as plsc

_L = 16
_C = 16


@jax.jit
def _sc_lookup(inputs_flat, table):
    n = inputs_flat.shape[0]
    mesh = plsc.VectorSubcoreMesh(core_axis_name="c", subcore_axis_name="s")
    nw = mesh.num_cores * mesh.num_subcores
    npw = n // nw
    head = 256
    body = (npw - 2 * head) // (_C - 2) // 64 * 64
    sizes = [head] + [body] * (_C - 2) + [npw - head - body * (_C - 2)]
    offs = [sum(sizes[:c]) for c in range(_C)]
    assert all(s % 64 == 0 for s in sizes)

    @functools.partial(
        pl.kernel,
        out_type=jax.ShapeDtypeStruct((n,), jnp.float32),
        mesh=mesh,
        scratch_types=[
            pltpu.VMEM((npw,), jnp.int32),
            pltpu.VMEM((npw,), jnp.int32),
            pltpu.VMEM((npw,), jnp.float32),
        ] + [pltpu.SemaphoreType.DMA] * (_C + 1),
    )
    def k(idx_hbm, table_hbm, out_hbm, idx_v, rows_v, outf_v, *sems):
        gsems, osem = sems[:_C], sems[_C]
        sid = lax.axis_index("s")
        wid = sid * mesh.num_cores + lax.axis_index("c")
        base = wid * npw

        pltpu.sync_copy(idx_hbm.at[pl.ds(base, sizes[0])],
                        idx_v.at[pl.ds(0, sizes[0])])
        gcps = [pltpu.async_copy(table_hbm.at[idx_v.at[pl.ds(0, sizes[0])]],
                                 rows_v.at[pl.ds(0, sizes[0])], gsems[0])]
        rest = npw - sizes[0]
        pltpu.sync_copy(idx_hbm.at[pl.ds(base + sizes[0], rest)],
                        idx_v.at[pl.ds(sizes[0], rest)])
        gcps += [
            pltpu.async_copy(
                table_hbm.at[idx_v.at[pl.ds(offs[c], sizes[c])]],
                rows_v.at[pl.ds(offs[c], sizes[c])], gsems[c])
            for c in range(1, _C)
        ]

        ocps = []
        for c in range(_C):
            gcps[c].wait()

            @pl.loop(offs[c], offs[c] + sizes[c], step=4 * _L)
            def _(i):
                for u in range(4):
                    outf_v[pl.ds(i + u * _L, _L)] = (
                        rows_v[pl.ds(i + u * _L, _L)].astype(jnp.float32))

            ocps.append(pltpu.async_copy(
                outf_v.at[pl.ds(offs[c], sizes[c])],
                out_hbm.at[pl.ds(base + offs[c], sizes[c])], osem))

        for cp in ocps:
            cp.wait()

    return k(inputs_flat, table)


def kernel(inputs, table):
    out = _sc_lookup(inputs.reshape(-1), table)
    return out.reshape(inputs.shape)

# --- scband reference (transcript-rebuilt; emitter-appended) ---
"""Pipeline reference for scband-discrete-feature-encoder-60352880443652 (READ-ONLY COPY).

The authoritative reference and input builder live on the scoring server;
editing this copy changes nothing except your own understanding.
"""

import jax, jax.numpy as jnp
import numpy as np

V = 1000000  # IntegerLookup vocabulary size
B = 16384    # batch
F = 26       # sparse fields


def setup_inputs(seed: int = 0) -> dict:
    key = jax.random.key(seed)
    k1, k2 = jax.random.split(key)
    # IntegerLookup vocabulary: a permutation of raw integer ids -> vocab slots.
    vocab = jax.random.permutation(k1, jnp.arange(V, dtype=jnp.int32))
    # Inverse mapping table: raw value -> lookup index. Index 0 is reserved for OOV
    # (num_oov_indices=1), so in-vocab tokens map to 1..V.
    table = jnp.zeros((V,), dtype=jnp.int32).at[vocab].set(jnp.arange(V, dtype=jnp.int32) + 1)
    inputs = jax.random.randint(k2, (B, F), 0, V, dtype=jnp.int32)
    return {"inputs": inputs, "table": table}


def reference(inputs, table):
    # DiscreteFeatureEncoder.call: tf.cast(self.encoder(inputs), tf.float32)
    # where encoder is an IntegerLookup (raw integer value -> vocabulary index).
    # All sampled inputs are in-vocab (vocab is a full permutation), so no OOV hits.
    idx = jnp.take(table, inputs, axis=0)  # gather: memory-bound lookup
    return idx.astype(jnp.float32)

if __name__ == "__main__":
    import jax
    _d = setup_inputs()
    print(jax.jit(kernel)(*tuple(_d.values())))

</pallas_src>

<mosaic_0001>
#map = affine_map<(d0, d1) -> (0)>
module attributes {stable_mosaic.version = 14 : i64} {
  func.func @k(%arg0: i32, %arg1: i32, %arg2: memref<425984xi32, #tpu.memory_space<hbm>>, %arg3: memref<1000000xi32, #tpu.memory_space<hbm>>, %arg4: memref<425984xf32, #tpu.memory_space<hbm>>, %arg5: memref<13312xi32, #tpu.memory_space<vmem>>, %arg6: memref<13312xi32, #tpu.memory_space<vmem>>, %arg7: memref<13312xf32, #tpu.memory_space<vmem>>, %arg8: memref<!tpu.dma_semaphore, #tpu.memory_space<semaphore_mem>>, %arg9: memref<!tpu.dma_semaphore, #tpu.memory_space<semaphore_mem>>, %arg10: memref<!tpu.dma_semaphore, #tpu.memory_space<semaphore_mem>>, %arg11: memref<!tpu.dma_semaphore, #tpu.memory_space<semaphore_mem>>, %arg12: memref<!tpu.dma_semaphore, #tpu.memory_space<semaphore_mem>>, %arg13: memref<!tpu.dma_semaphore, #tpu.memory_space<semaphore_mem>>, %arg14: memref<!tpu.dma_semaphore, #tpu.memory_space<semaphore_mem>>, %arg15: memref<!tpu.dma_semaphore, #tpu.memory_space<semaphore_mem>>, %arg16: memref<!tpu.dma_semaphore, #tpu.memory_space<semaphore_mem>>, %arg17: memref<!tpu.dma_semaphore, #tpu.memory_space<semaphore_mem>>, %arg18: memref<!tpu.dma_semaphore, #tpu.memory_space<semaphore_mem>>, %arg19: memref<!tpu.dma_semaphore, #tpu.memory_space<semaphore_mem>>, %arg20: memref<!tpu.dma_semaphore, #tpu.memory_space<semaphore_mem>>, %arg21: memref<!tpu.dma_semaphore, #tpu.memory_space<semaphore_mem>>, %arg22: memref<!tpu.dma_semaphore, #tpu.memory_space<semaphore_mem>>, %arg23: memref<!tpu.dma_semaphore, #tpu.memory_space<semaphore_mem>>, %arg24: memref<!tpu.dma_semaphore, #tpu.memory_space<semaphore_mem>>) attributes {dimension_semantics = [#tpu.dimension_semantics<core_parallel>, #tpu.dimension_semantics<subcore_parallel>], iteration_bounds = array<i64: 2, 16>, scalar_prefetch = 0 : i64, scratch_operands = 20 : i64, tpu.core_type = #tpu.core_type<sc_vector_subcore>, window_params = [{transform_indices = #map}, {transform_indices = #map}, {transform_indices = #map}]} {
    %mul3A = arith.constant 2 : i32
    %mul3A_0 = arith.muli %arg1, %mul3A : i32
    %add3A = arith.addi %mul3A_0, %arg0 : i32
    %mul3A_1 = arith.constant 13312 : i32
    %mul3A_2 = arith.muli %add3A, %mul3A_1 : i32
    "tpu.region"() ({
      %run_scoped3A = tpu.sem_alloc : memref<!tpu.dma_semaphore, #tpu.memory_space<semaphore_mem>>
      %dma_start3A_498 = arith.constant 0 : i32
      %dma_start3A_499 = tpu.memref_slice %arg5[%dma_start3A_498] : memref<13312xi32, #tpu.memory_space<vmem>> -> memref<256xi32, #tpu.memory_space<vmem>>
      %dma_start3A_500 = tpu.memref_slice %arg2[%mul3A_2] : memref<425984xi32, #tpu.memory_space<hbm>> -> memref<256xi32, #tpu.memory_space<hbm>>
      %dma_start3A_501 = arith.constant 0 : i32
      %dma_start3A_502 = tpu.memref_slice %arg5[%dma_start3A_501] : memref<13312xi32, #tpu.memory_space<vmem>> -> memref<256xi32, #tpu.memory_space<vmem>>
      %dma_start3A_503 = tpu.memref_slice %arg2[%mul3A_2] : memref<425984xi32, #tpu.memory_space<hbm>> -> memref<256xi32, #tpu.memory_space<hbm>>
      tpu.enqueue_dma source(%dma_start3A_503 : memref<256xi32, #tpu.memory_space<hbm>>) target(%dma_start3A_502 : memref<256xi32, #tpu.memory_space<vmem>>) target_semaphore(%run_scoped3A : memref<!tpu.dma_semaphore, #tpu.memory_space<semaphore_mem>>)
      %dma_wait3A_504 = arith.constant 0 : i32
      %dma_wait3A_505 = tpu.memref_slice %arg5[%dma_wait3A_504] : memref<13312xi32, #tpu.memory_space<vmem>> -> memref<256xi32, #tpu.memory_space<vmem>>
      %dma_wait3A_506 = tpu.memref_slice %arg2[%mul3A_2] : memref<425984xi32, #tpu.memory_space<hbm>> -> memref<256xi32, #tpu.memory_space<hbm>>
      %dma_wait3A_507 = arith.constant 0 : i32
      %dma_wait3A_508 = tpu.memref_slice %arg5[%dma_wait3A_507] : memref<13312xi32, #tpu.memory_space<vmem>> -> memref<256xi32, #tpu.memory_space<vmem>>
      %dma_wait3A_509 = tpu.memref_slice %arg2[%mul3A_2] : memref<425984xi32, #tpu.memory_space<hbm>> -> memref<256xi32, #tpu.memory_space<hbm>>
      tpu.wait_dma2 semaphore(%run_scoped3A : memref<!tpu.dma_semaphore, #tpu.memory_space<semaphore_mem>>) src(%dma_wait3A_509 : memref<256xi32, #tpu.memory_space<hbm>>) dst(%dma_wait3A_508 : memref<256xi32, #tpu.memory_space<vmem>>)
      tpu.yield
    }) : () -> ()
    %dma_start3A = arith.constant 0 : i32
    %dma_start3A_3 = tpu.memref_slice %arg6[%dma_start3A] : memref<13312xi32, #tpu.memory_space<vmem>> -> memref<256xi32, #tpu.memory_space<vmem>>
    %dma_start3A_4 = arith.constant 0 : i32
    %dma_start3A_5 = tpu.memref_slice %arg5[%dma_start3A_4] : memref<13312xi32, #tpu.memory_space<vmem>> -> memref<256xi32, #tpu.memory_space<vmem>>
    %dma_start3A_6 = arith.constant 0 : i32
    %dma_start3A_7 = tpu.memref_slice %arg3[%dma_start3A_6] : memref<1000000xi32, #tpu.memory_space<hbm>> -> memref<1000000xi32, #tpu.memory_space<hbm>>
    tpu.enqueue_indirect_dma source(%dma_start3A_7 : memref<1000000xi32, #tpu.memory_space<hbm>>) target(%dma_start3A_3 : memref<256xi32, #tpu.memory_space<vmem>>) offsets(%dma_start3A_5 : memref<256xi32, #tpu.memory_space<vmem>>) semaphore(%arg8 : memref<!tpu.dma_semaphore, #tpu.memory_space<semaphore_mem>>)
    %add3A_8 = arith.constant 256 : i32
    %add3A_9 = arith.addi %mul3A_2, %add3A_8 : i32
    "tpu.region"() ({
      %run_scoped3A = tpu.sem_alloc : memref<!tpu.dma_semaphore, #tpu.memory_space<semaphore_mem>>
      %dma_start3A_498 = arith.constant 256 : i32
      %dma_start3A_499 = tpu.memref_slice %arg5[%dma_start3A_498] : memref<13312xi32, #tpu.memory_space<vmem>> -> memref<13056xi32, #tpu.memory_space<vmem>>
      %dma_start3A_500 = tpu.memref_slice %arg2[%add3A_9] : memref<425984xi32, #tpu.memory_space<hbm>> -> memref<13056xi32, #tpu.memory_space<hbm>>
      %dma_start3A_501 = arith.constant 256 : i32
      %dma_start3A_502 = tpu.memref_slice %arg5[%dma_start3A_501] : memref<13312xi32, #tpu.memory_space<vmem>> -> memref<13056xi32, #tpu.memory_space<vmem>>
      %dma_start3A_503 = tpu.memref_slice %arg2[%add3A_9] : memref<425984xi32, #tpu.memory_space<hbm>> -> memref<13056xi32, #tpu.memory_space<hbm>>
      tpu.enqueue_dma source(%dma_start3A_503 : memref<13056xi32, #tpu.memory_space<hbm>>) target(%dma_start3A_502 : memref<13056xi32, #tpu.memory_space<vmem>>) target_semaphore(%run_scoped3A : memref<!tpu.dma_semaphore, #tpu.memory_space<semaphore_mem>>)
      %dma_wait3A_504 = arith.constant 256 : i32
      %dma_wait3A_505 = tpu.memref_slice %arg5[%dma_wait3A_504] : memref<13312xi32, #tpu.memory_space<vmem>> -> memref<13056xi32, #tpu.memory_space<vmem>>
      %dma_wait3A_506 = tpu.memref_slice %arg2[%add3A_9] : memref<425984xi32, #tpu.memory_space<hbm>> -> memref<13056xi32, #tpu.memory_space<hbm>>
      %dma_wait3A_507 = arith.constant 256 : i32
      %dma_wait3A_508 = tpu.memref_slice %arg5[%dma_wait3A_507] : memref<13312xi32, #tpu.memory_space<vmem>> -> memref<13056xi32, #tpu.memory_space<vmem>>
      %dma_wait3A_509 = tpu.memref_slice %arg2[%add3A_9] : memref<425984xi32, #tpu.memory_space<hbm>> -> memref<13056xi32, #tpu.memory_space<hbm>>
      tpu.wait_dma2 semaphore(%run_scoped3A : memref<!tpu.dma_semaphore, #tpu.memory_space<semaphore_mem>>) src(%dma_wait3A_509 : memref<13056xi32, #tpu.memory_space<hbm>>) dst(%dma_wait3A_508 : memref<13056xi32, #tpu.memory_space<vmem>>)
      tpu.yield
    }) : () -> ()
    %dma_start3A_10 = arith.constant 256 : i32
    %dma_start3A_11 = tpu.memref_slice %arg6[%dma_start3A_10] : memref<13312xi32, #tpu.memory_space<vmem>> -> memref<896xi32, #tpu.memory_space<vmem>>
    %dma_start3A_12 = arith.constant 256 : i32
    %dma_start3A_13 = tpu.memref_slice %arg5[%dma_start3A_12] : memref<13312xi32, #tpu.memory_space<vmem>> -> memref<896xi32, #tpu.memory_space<vmem>>
    %dma_start3A_14 = arith.constant 0 : i32
    %dma_start3A_15 = tpu.memref_slice %arg3[%dma_start3A_14] : memref<1000000xi32, #tpu.memory_space<hbm>> -> memref<1000000xi32, #tpu.memory_space<hbm>>
    tpu.enqueue_indirect_dma source(%dma_start3A_15 : memref<1000000xi32, #tpu.memory_space<hbm>>) target(%dma_start3A_11 : memref<896xi32, #tpu.memory_space<vmem>>) offsets(%dma_start3A_13 : memref<896xi32, #tpu.memory_space<vmem>>) semaphore(%arg9 : memref<!tpu.dma_semaphore, #tpu.memory_space<semaphore_mem>>)
    %dma_start3A_16 = arith.constant 1152 : i32
    %dma_start3A_17 = tpu.memref_slice %arg6[%dma_start3A_16] : memref<13312xi32, #tpu.memory_space<vmem>> -> memref<896xi32, #tpu.memory_space<vmem>>
    %dma_start3A_18 = arith.constant 1152 : i32
    %dma_start3A_19 = tpu.memref_slice %arg5[%dma_start3A_18] : memref<13312xi32, #tpu.memory_space<vmem>> -> memref<896xi32, #tpu.memory_space<vmem>>
    %dma_start3A_20 = arith.constant 0 : i32
    %dma_start3A_21 = tpu.memref_slice %arg3[%dma_start3A_20] : memref<1000000xi32, #tpu.memory_space<hbm>> -> memref<1000000xi32, #tpu.memory_space<hbm>>
    tpu.enqueue_indirect_dma source(%dma_start3A_21 : memref<1000000xi32, #tpu.memory_space<hbm>>) target(%dma_start3A_17 : memref<896xi32, #tpu.memory_space<vmem>>) offsets(%dma_start3A_19 : memref<896xi32, #tpu.memory_space<vmem>>) semaphore(%arg10 : memref<!tpu.dma_semaphore, #tpu.memory_space<semaphore_mem>>)
    %dma_start3A_22 = arith.constant 2048 : i32
    %dma_start3A_23 = tpu.memref_slice %arg6[%dma_start3A_22] : memref<13312xi32, #tpu.memory_space<vmem>> -> memref<896xi32, #tpu.memory_space<vmem>>
    %dma_start3A_24 = arith.constant 2048 : i32
    %dma_start3A_25 = tpu.memref_slice %arg5[%dma_start3A_24] : memref<13312xi32, #tpu.memory_space<vmem>> -> memref<896xi32, #tpu.memory_space<vmem>>
    %dma_start3A_26 = arith.constant 0 : i32
    %dma_start3A_27 = tpu.memref_slice %arg3[%dma_start3A_26] : memref<1000000xi32, #tpu.memory_space<hbm>> -> memref<1000000xi32, #tpu.memory_space<hbm>>
    tpu.enqueue_indirect_dma source(%dma_start3A_27 : memref<1000000xi32, #tpu.memory_space<hbm>>) target(%dma_start3A_23 : memref<896xi32, #tpu.memory_space<vmem>>) offsets(%dma_start3A_25 : memref<896xi32, #tpu.memory_space<vmem>>) semaphore(%arg11 : memref<!tpu.dma_semaphore, #tpu.memory_space<semaphore_mem>>)
    %dma_start3A_28 = arith.constant 2944 : i32
    %dma_start3A_29 = tpu.memref_slice %arg6[%dma_start3A_28] : memref<13312xi32, #tpu.memory_space<vmem>> -> memref<896xi32, #tpu.memory_space<vmem>>
    %dma_start3A_30 = arith.constant 2944 : i32
    %dma_start3A_31 = tpu.memref_slice %arg5[%dma_start3A_30] : memref<13312xi32, #tpu.memory_space<vmem>> -> memref<896xi32, #tpu.memory_space<vmem>>
    %dma_start3A_32 = arith.constant 0 : i32
    %dma_start3A_33 = tpu.memref_slice %arg3[%dma_start3A_32] : memref<1000000xi32, #tpu.memory_space<hbm>> -> memref<1000000xi32, #tpu.memory_space<hbm>>
    tpu.enqueue_indirect_dma source(%dma_start3A_33 : memref<1000000xi32, #tpu.memory_space<hbm>>) target(%dma_start3A_29 : memref<896xi32, #tpu.memory_space<vmem>>) offsets(%dma_start3A_31 : memref<896xi32, #tpu.memory_space<vmem>>) semaphore(%arg12 : memref<!tpu.dma_semaphore, #tpu.memory_space<semaphore_mem>>)
    %dma_start3A_34 = arith.constant 3840 : i32
    %dma_start3A_35 = tpu.memref_slice %arg6[%dma_start3A_34] : memref<13312xi32, #tpu.memory_space<vmem>> -> memref<896xi32, #tpu.memory_space<vmem>>
    %dma_start3A_36 = arith.constant 3840 : i32
    %dma_start3A_37 = tpu.memref_slice %arg5[%dma_start3A_36] : memref<13312xi32, #tpu.memory_space<vmem>> -> memref<896xi32, #tpu.memory_space<vmem>>
    %dma_start3A_38 = arith.constant 0 : i32
    %dma_start3A_39 = tpu.memref_slice %arg3[%dma_start3A_38] : memref<1000000xi32, #tpu.memory_space<hbm>> -> memref<1000000xi32, #tpu.memory_space<hbm>>
    tpu.enqueue_indirect_dma source(%dma_start3A_39 : memref<1000000xi32, #tpu.memory_space<hbm>>) target(%dma_start3A_35 : memref<896xi32, #tpu.memory_space<vmem>>) offsets(%dma_start3A_37 : memref<896xi32, #tpu.memory_space<vmem>>) semaphore(%arg13 : memref<!tpu.dma_semaphore, #tpu.memory_space<semaphore_mem>>)
    %dma_start3A_40 = arith.constant 4736 : i32
    %dma_start3A_41 = tpu.memref_slice %arg6[%dma_start3A_40] : memref<13312xi32, #tpu.memory_space<vmem>> -> memref<896xi32, #tpu.memory_space<vmem>>
    %dma_start3A_42 = arith.constant 4736 : i32
    %dma_start3A_43 = tpu.memref_slice %arg5[%dma_start3A_42] : memref<13312xi32, #tpu.memory_space<vmem>> -> memref<896xi32, #tpu.memory_space<vmem>>
    %dma_start3A_44 = arith.constant 0 : i32
    %dma_start3A_45 = tpu.memref_slice %arg3[%dma_start3A_44] : memref<1000000xi32, #tpu.memory_space<hbm>> -> memref<1000000xi32, #tpu.memory_space<hbm>>
    tpu.enqueue_indirect_dma source(%dma_start3A_45 : memref<1000000xi32, #tpu.memory_space<hbm>>) target(%dma_start3A_41 : memref<896xi32, #tpu.memory_space<vmem>>) offsets(%dma_start3A_43 : memref<896xi32, #tpu.memory_space<vmem>>) semaphore(%arg14 : memref<!tpu.dma_semaphore, #tpu.memory_space<semaphore_mem>>)
    %dma_start3A_46 = arith.constant 5632 : i32
    %dma_start3A_47 = tpu.memref_slice %arg6[%dma_start3A_46] : memref<13312xi32, #tpu.memory_space<vmem>> -> memref<896xi32, #tpu.memory_space<vmem>>
    %dma_start3A_48 = arith.constant 5632 : i32
    %dma_start3A_49 = tpu.memref_slice %arg5[%dma_start3A_48] : memref<13312xi32, #tpu.memory_space<vmem>> -> memref<896xi32, #tpu.memory_space<vmem>>
    %dma_start3A_50 = arith.constant 0 : i32
    %dma_start3A_51 = tpu.memref_slice %arg3[%dma_start3A_50] : memref<1000000xi32, #tpu.memory_space<hbm>> -> memref<1000000xi32, #tpu.memory_space<hbm>>
    tpu.enqueue_indirect_dma source(%dma_start3A_51 : memref<1000000xi32, #tpu.memory_space<hbm>>) target(%dma_start3A_47 : memref<896xi32, #tpu.memory_space<vmem>>) offsets(%dma_start3A_49 : memref<896xi32, #tpu.memory_space<vmem>>) semaphore(%arg15 : memref<!tpu.dma_semaphore, #tpu.memory_space<semaphore_mem>>)
    %dma_start3A_52 = arith.constant 6528 : i32
    %dma_start3A_53 = tpu.memref_slice %arg6[%dma_start3A_52] : memref<13312xi32, #tpu.memory_space<vmem>> -> memref<896xi32, #tpu.memory_space<vmem>>
    %dma_start3A_54 = arith.constant 6528 : i32
    %dma_start3A_55 = tpu.memref_slice %arg5[%dma_start3A_54] : memref<13312xi32, #tpu.memory_space<vmem>> -> memref<896xi32, #tpu.memory_space<vmem>>
    %dma_start3A_56 = arith.constant 0 : i32
    %dma_start3A_57 = tpu.memref_slice %arg3[%dma_start3A_56] : memref<1000000xi32, #tpu.memory_space<hbm>> -> memref<1000000xi32, #tpu.memory_space<hbm>>
    tpu.enqueue_indirect_dma source(%dma_start3A_57 : memref<1000000xi32, #tpu.memory_space<hbm>>) target(%dma_start3A_53 : memref<896xi32, #tpu.memory_space<vmem>>) offsets(%dma_start3A_55 : memref<896xi32, #tpu.memory_space<vmem>>) semaphore(%arg16 : memref<!tpu.dma_semaphore, #tpu.memory_space<semaphore_mem>>)
    %dma_start3A_58 = arith.constant 7424 : i32
    %dma_start3A_59 = tpu.memref_slice %arg6[%dma_start3A_58] : memref<13312xi32, #tpu.memory_space<vmem>> -> memref<896xi32, #tpu.memory_space<vmem>>
    %dma_start3A_60 = arith.constant 7424 : i32
    %dma_start3A_61 = tpu.memref_slice %arg5[%dma_start3A_60] : memref<13312xi32, #tpu.memory_space<vmem>> -> memref<896xi32, #tpu.memory_space<vmem>>
    %dma_start3A_62 = arith.constant 0 : i32
    %dma_start3A_63 = tpu.memref_slice %arg3[%dma_start3A_62] : memref<1000000xi32, #tpu.memory_space<hbm>> -> memref<1000000xi32, #tpu.memory_space<hbm>>
    tpu.enqueue_indirect_dma source(%dma_start3A_63 : memref<1000000xi32, #tpu.memory_space<hbm>>) target(%dma_start3A_59 : memref<896xi32, #tpu.memory_space<vmem>>) offsets(%dma_start3A_61 : memref<896xi32, #tpu.memory_space<vmem>>) semaphore(%arg17 : memref<!tpu.dma_semaphore, #tpu.memory_space<semaphore_mem>>)
    %dma_start3A_64 = arith.constant 8320 : i32
    %dma_start3A_65 = tpu.memref_slice %arg6[%dma_start3A_64] : memref<13312xi32, #tpu.memory_space<vmem>> -> memref<896xi32, #tpu.memory_space<vmem>>
    %dma_start3A_66 = arith.constant 8320 : i32
    %dma_start3A_67 = tpu.memref_slice %arg5[%dma_start3A_66] : memref<13312xi32, #tpu.memory_space<vmem>> -> memref<896xi32, #tpu.memory_space<vmem>>
    %dma_start3A_68 = arith.constant 0 : i32
    %dma_start3A_69 = tpu.memref_slice %arg3[%dma_start3A_68] : memref<1000000xi32, #tpu.memory_space<hbm>> -> memref<1000000xi32, #tpu.memory_space<hbm>>
    tpu.enqueue_indirect_dma source(%dma_start3A_69 : memref<1000000xi32, #tpu.memory_space<hbm>>) target(%dma_start3A_65 : memref<896xi32, #tpu.memory_space<vmem>>) offsets(%dma_start3A_67 : memref<896xi32, #tpu.memory_space<vmem>>) semaphore(%arg18 : memref<!tpu.dma_semaphore, #tpu.memory_space<semaphore_mem>>)
    %dma_start3A_70 = arith.constant 9216 : i32
    %dma_start3A_71 = tpu.memref_slice %arg6[%dma_start3A_70] : memref<13312xi32, #tpu.memory_space<vmem>> -> memref<896xi32, #tpu.memory_space<vmem>>
    %dma_start3A_72 = arith.constant 9216 : i32
    %dma_start3A_73 = tpu.memref_slice %arg5[%dma_start3A_72] : memref<13312xi32, #tpu.memory_space<vmem>> -> memref<896xi32, #tpu.memory_space<vmem>>
    %dma_start3A_74 = arith.constant 0 : i32
    %dma_start3A_75 = tpu.memref_slice %arg3[%dma_start3A_74] : memref<1000000xi32, #tpu.memory_space<hbm>> -> memref<1000000xi32, #tpu.memory_space<hbm>>
    tpu.enqueue_indirect_dma source(%dma_start3A_75 : memref<1000000xi32, #tpu.memory_space<hbm>>) target(%dma_start3A_71 : memref<896xi32, #tpu.memory_space<vmem>>) offsets(%dma_start3A_73 : memref<896xi32, #tpu.memory_space<vmem>>) semaphore(%arg19 : memref<!tpu.dma_semaphore, #tpu.memory_space<semaphore_mem>>)
    %dma_start3A_76 = arith.constant 10112 : i32
    %dma_start3A_77 = tpu.memref_slice %arg6[%dma_start3A_76] : memref<13312xi32, #tpu.memory_space<vmem>> -> memref<896xi32, #tpu.memory_space<vmem>>
    %dma_start3A_78 = arith.constant 10112 : i32
    %dma_start3A_79 = tpu.memref_slice %arg5[%dma_start3A_78] : memref<13312xi32, #tpu.memory_space<vmem>> -> memref<896xi32, #tpu.memory_space<vmem>>
    %dma_start3A_80 = arith.constant 0 : i32
    %dma_start3A_81 = tpu.memref_slice %arg3[%dma_start3A_80] : memref<1000000xi32, #tpu.memory_space<hbm>> -> memref<1000000xi32, #tpu.memory_space<hbm>>
    tpu.enqueue_indirect_dma source(%dma_start3A_81 : memref<1000000xi32, #tpu.memory_space<hbm>>) target(%dma_start3A_77 : memref<896xi32, #tpu.memory_space<vmem>>) offsets(%dma_start3A_79 : memref<896xi32, #tpu.memory_space<vmem>>) semaphore(%arg20 : memref<!tpu.dma_semaphore, #tpu.memory_space<semaphore_mem>>)
    %dma_start3A_82 = arith.constant 11008 : i32
    %dma_start3A_83 = tpu.memref_slice %arg6[%dma_start3A_82] : memref<13312xi32, #tpu.memory_space<vmem>> -> memref<896xi32, #tpu.memory_space<vmem>>
    %dma_start3A_84 = arith.constant 11008 : i32
    %dma_start3A_85 = tpu.memref_slice %arg5[%dma_start3A_84] : memref<13312xi32, #tpu.memory_space<vmem>> -> memref<896xi32, #tpu.memory_space<vmem>>
    %dma_start3A_86 = arith.constant 0 : i32
    %dma_start3A_87 = tpu.memref_slice %arg3[%dma_start3A_86] : memref<1000000xi32, #tpu.memory_space<hbm>> -> memref<1000000xi32, #tpu.memory_space<hbm>>
    tpu.enqueue_indirect_dma source(%dma_start3A_87 : memref<1000000xi32, #tpu.memory_space<hbm>>) target(%dma_start3A_83 : memref<896xi32, #tpu.memory_space<vmem>>) offsets(%dma_start3A_85 : memref<896xi32, #tpu.memory_space<vmem>>) semaphore(%arg21 : memref<!tpu.dma_semaphore, #tpu.memory_space<semaphore_mem>>)
    %dma_start3A_88 = arith.constant 11904 : i32
    %dma_start3A_89 = tpu.memref_slice %arg6[%dma_start3A_88] : memref<13312xi32, #tpu.memory_space<vmem>> -> memref<896xi32, #tpu.memory_space<vmem>>
    %dma_start3A_90 = arith.constant 11904 : i32
    %dma_start3A_91 = tpu.memref_slice %arg5[%dma_start3A_90] : memref<13312xi32, #tpu.memory_space<vmem>> -> memref<896xi32, #tpu.memory_space<vmem>>
    %dma_start3A_92 = arith.constant 0 : i32
    %dma_start3A_93 = tpu.memref_slice %arg3[%dma_start3A_92] : memref<1000000xi32, #tpu.memory_space<hbm>> -> memref<1000000xi32, #tpu.memory_space<hbm>>
    tpu.enqueue_indirect_dma source(%dma_start3A_93 : memref<1000000xi32, #tpu.memory_space<hbm>>) target(%dma_start3A_89 : memref<896xi32, #tpu.memory_space<vmem>>) offsets(%dma_start3A_91 : memref<896xi32, #tpu.memory_space<vmem>>) semaphore(%arg22 : memref<!tpu.dma_semaphore, #tpu.memory_space<semaphore_mem>>)
    %dma_start3A_94 = arith.constant 12800 : i32
    %dma_start3A_95 = tpu.memref_slice %arg6[%dma_start3A_94] : memref<13312xi32, #tpu.memory_space<vmem>> -> memref<512xi32, #tpu.memory_space<vmem>>
    %dma_start3A_96 = arith.constant 12800 : i32
    %dma_start3A_97 = tpu.memref_slice %arg5[%dma_start3A_96] : memref<13312xi32, #tpu.memory_space<vmem>> -> memref<512xi32, #tpu.memory_space<vmem>>
    %dma_start3A_98 = arith.constant 0 : i32
    %dma_start3A_99 = tpu.memref_slice %arg3[%dma_start3A_98] : memref<1000000xi32, #tpu.memory_space<hbm>> -> memref<1000000xi32, #tpu.memory_space<hbm>>
    tpu.enqueue_indirect_dma source(%dma_start3A_99 : memref<1000000xi32, #tpu.memory_space<hbm>>) target(%dma_start3A_95 : memref<512xi32, #tpu.memory_space<vmem>>) offsets(%dma_start3A_97 : memref<512xi32, #tpu.memory_space<vmem>>) semaphore(%arg23 : memref<!tpu.dma_semaphore, #tpu.memory_space<semaphore_mem>>)
    %dma_wait3A = arith.constant 0 : i32
    %dma_wait3A_100 = tpu.memref_slice %arg6[%dma_wait3A] : memref<13312xi32, #tpu.memory_space<vmem>> -> memref<256xi32, #tpu.memory_space<vmem>>
    %dma_wait3A_101 = arith.constant 0 : i32
    %dma_wait3A_102 = tpu.memref_slice %arg5[%dma_wait3A_101] : memref<13312xi32, #tpu.memory_space<vmem>> -> memref<256xi32, #tpu.memory_space<vmem>>
    %dma_wait3A_103 = arith.constant 0 : i32
    %dma_wait3A_104 = tpu.memref_slice %arg3[%dma_wait3A_103] : memref<1000000xi32, #tpu.memory_space<hbm>> -> memref<1000000xi32, #tpu.memory_space<hbm>>
    tpu.wait_indirect_dma semaphore(%arg8 : memref<!tpu.dma_semaphore, #tpu.memory_space<semaphore_mem>>) src(%dma_wait3A_104 : memref<1000000xi32, #tpu.memory_space<hbm>>) dst(%dma_wait3A_100 : memref<256xi32, #tpu.memory_space<vmem>>)
    %scan3A = arith.constant 0 : i32
    %scan3A_105 = arith.constant 4 : i32
    %scan3A_106 = arith.addi %scan3A, %scan3A_105 : i32
    %scan3A_107 = arith.constant 1 : i32
    scf.for %scan3A_498 = %scan3A to %scan3A_106 step %scan3A_107  : i32 {
      %mul3A_499 = arith.constant 64 : i32
      %mul3A_500 = arith.muli %scan3A_498, %mul3A_499 : i32
      %add3A_501 = arith.constant 0 : i32
      %add3A_502 = arith.addi %add3A_501, %mul3A_500 : i32
      %add3A_503 = arith.constant 0 : i32
      %add3A_504 = arith.addi %add3A_502, %add3A_503 : i32
      %get3A = arith.index_cast %add3A_504 : i32 to index
      %get3A_505 = tpu.vector_load %arg6[%get3A] {strides = array<i32>} : memref<13312xi32, #tpu.memory_space<vmem>>, vector<16xi32>,
      %get3A_506 = vector.shape_cast %get3A_505 : vector<16xi32> to vector<16xi32>
      %convert_element_type3A = arith.sitofp %get3A_506 : vector<16xi32> to vector<16xf32>
      %add3A_507 = arith.constant 0 : i32
      %add3A_508 = arith.addi %add3A_502, %add3A_507 : i32
      %swap3A = arith.index_cast %add3A_508 : i32 to index
      %swap3A_509 = tpu.vector_load %arg7[%swap3A] {strides = array<i32>} : memref<13312xf32, #tpu.memory_space<vmem>>, vector<16xf32>,
      %swap3A_510 = vector.shape_cast %swap3A_509 : vector<16xf32> to vector<16xf32>
      %swap3A_511 = vector.shape_cast %convert_element_type3A : vector<16xf32> to vector<16xf32>
      tpu.vector_store %arg7[%swap3A], %swap3A_511 {strides = array<i32>} : memref<13312xf32, #tpu.memory_space<vmem>>, vector<16xf32>,
      %add3A_512 = arith.constant 16 : i32
      %add3A_513 = arith.addi %add3A_502, %add3A_512 : i32
      %get3A_514 = arith.index_cast %add3A_513 : i32 to index
      %get3A_515 = tpu.vector_load %arg6[%get3A_514] {strides = array<i32>} : memref<13312xi32, #tpu.memory_space<vmem>>, vector<16xi32>,
      %get3A_516 = vector.shape_cast %get3A_515 : vector<16xi32> to vector<16xi32>
      %convert_element_type3A_517 = arith.sitofp %get3A_516 : vector<16xi32> to vector<16xf32>
      %add3A_518 = arith.constant 16 : i32
      %add3A_519 = arith.addi %add3A_502, %add3A_518 : i32
      %swap3A_520 = arith.index_cast %add3A_519 : i32 to index
      %swap3A_521 = tpu.vector_load %arg7[%swap3A_520] {strides = array<i32>} : memref<13312xf32, #tpu.memory_space<vmem>>, vector<16xf32>,
      %swap3A_522 = vector.shape_cast %swap3A_521 : vector<16xf32> to vector<16xf32>
      %swap3A_523 = vector.shape_cast %convert_element_type3A_517 : vector<16xf32> to vector<16xf32>
      tpu.vector_store %arg7[%swap3A_520], %swap3A_523 {strides = array<i32>} : memref<13312xf32, #tpu.memory_space<vmem>>, vector<16xf32>,
      %add3A_524 = arith.constant 32 : i32
      %add3A_525 = arith.addi %add3A_502, %add3A_524 : i32
      %get3A_526 = arith.index_cast %add3A_525 : i32 to index
      %get3A_527 = tpu.vector_load %arg6[%get3A_526] {strides = array<i32>} : memref<13312xi32, #tpu.memory_space<vmem>>, vector<16xi32>,
      %get3A_528 = vector.shape_cast %get3A_527 : vector<16xi32> to vector<16xi32>
      %convert_element_type3A_529 = arith.sitofp %get3A_528 : vector<16xi32> to vector<16xf32>
      %add3A_530 = arith.constant 32 : i32
      %add3A_531 = arith.addi %add3A_502, %add3A_530 : i32
      %swap3A_532 = arith.index_cast %add3A_531 : i32 to index
      %swap3A_533 = tpu.vector_load %arg7[%swap3A_532] {strides = array<i32>} : memref<13312xf32, #tpu.memory_space<vmem>>, vector<16xf32>,
      %swap3A_534 = vector.shape_cast %swap3A_533 : vector<16xf32> to vector<16xf32>
      %swap3A_535 = vector.shape_cast %convert_element_type3A_529 : vector<16xf32> to vector<16xf32>
      tpu.vector_store %arg7[%swap3A_532], %swap3A_535 {strides = array<i32>} : memref<13312xf32, #tpu.memory_space<vmem>>, vector<16xf32>,
      %add3A_536 = arith.constant 48 : i32
      %add3A_537 = arith.addi %add3A_502, %add3A_536 : i32
      %get3A_538 = arith.index_cast %add3A_537 : i32 to index
      %get3A_539 = tpu.vector_load %arg6[%get3A_538] {strides = array<i32>} : memref<13312xi32, #tpu.memory_space<vmem>>, vector<16xi32>,
      %get3A_540 = vector.shape_cast %get3A_539 : vector<16xi32> to vector<16xi32>
      %convert_element_type3A_541 = arith.sitofp %get3A_540 : vector<16xi32> to vector<16xf32>
      %add3A_542 = arith.constant 48 : i32
      %add3A_543 = arith.addi %add3A_502, %add3A_542 : i32
      %swap3A_544 = arith.index_cast %add3A_543 : i32 to index
      %swap3A_545 = tpu.vector_load %arg7[%swap3A_544] {strides = array<i32>} : memref<13312xf32, #tpu.memory_space<vmem>>, vector<16xf32>,
      %swap3A_546 = vector.shape_cast %swap3A_545 : vector<16xf32> to vector<16xf32>
      %swap3A_547 = vector.shape_cast %convert_element_type3A_541 : vector<16xf32> to vector<16xf32>
      tpu.vector_store %arg7[%swap3A_544], %swap3A_547 {strides = array<i32>} : memref<13312xf32, #tpu.memory_space<vmem>>, vector<16xf32>,
    }
    %scan3A_108 = arith.constant 4 : i32
    %add3A_109 = arith.constant 0 : i32
    %add3A_110 = arith.addi %mul3A_2, %add3A_109 : i32
    %dma_start3A_111 = arith.constant 0 : i32
    %dma_start3A_112 = tpu.memref_slice %arg7[%dma_start3A_111] : memref<13312xf32, #tpu.memory_space<vmem>> -> memref<256xf32, #tpu.memory_space<vmem>>
    %dma_start3A_113 = tpu.memref_slice %arg4[%add3A_110] : memref<425984xf32, #tpu.memory_space<hbm>> -> memref<256xf32, #tpu.memory_space<hbm>>
    %dma_start3A_114 = tpu.memref_slice %arg4[%add3A_110] : memref<425984xf32, #tpu.memory_space<hbm>> -> memref<256xf32, #tpu.memory_space<hbm>>
    %dma_start3A_115 = arith.constant 0 : i32
    %dma_start3A_116 = tpu.memref_slice %arg7[%dma_start3A_115] : memref<13312xf32, #tpu.memory_space<vmem>> -> memref<256xf32, #tpu.memory_space<vmem>>
    tpu.enqueue_dma source(%dma_start3A_116 : memref<256xf32, #tpu.memory_space<vmem>>) target(%dma_start3A_114 : memref<256xf32, #tpu.memory_space<hbm>>) target_semaphore(%arg24 : memref<!tpu.dma_semaphore, #tpu.memory_space<semaphore_mem>>)
    %dma_wait3A_117 = arith.constant 256 : i32
    %dma_wait3A_118 = tpu.memref_slice %arg6[%dma_wait3A_117] : memref<13312xi32, #tpu.memory_space<vmem>> -> memref<896xi32, #tpu.memory_space<vmem>>
    %dma_wait3A_119 = arith.constant 256 : i32
    %dma_wait3A_120 = tpu.memref_slice %arg5[%dma_wait3A_119] : memref<13312xi32, #tpu.memory_space<vmem>> -> memref<896xi32, #tpu.memory_space<vmem>>
    %dma_wait3A_121 = arith.constant 0 : i32
    %dma_wait3A_122 = tpu.memref_slice %arg3[%dma_wait3A_121] : memref<1000000xi32, #tpu.memory_space<hbm>> -> memref<1000000xi32, #tpu.memory_space<hbm>>
    tpu.wait_indirect_dma semaphore(%arg9 : memref<!tpu.dma_semaphore, #tpu.memory_space<semaphore_mem>>) src(%dma_wait3A_122 : memref<1000000xi32, #tpu.memory_space<hbm>>) dst(%dma_wait3A_118 : memref<896xi32, #tpu.memory_space<vmem>>)
    %scan3A_123 = arith.constant 0 : i32
    %scan3A_124 = arith.constant 14 : i32
    %scan3A_125 = arith.addi %scan3A_123, %scan3A_124 : i32
    %scan3A_126 = arith.constant 1 : i32
    scf.for %scan3A_498 = %scan3A_123 to %scan3A_125 step %scan3A_126  : i32 {
      %mul3A_499 = arith.constant 64 : i32
      %mul3A_500 = arith.muli %scan3A_498, %mul3A_499 : i32
      %add3A_501 = arith.constant 256 : i32
      %add3A_502 = arith.addi %add3A_501, %mul3A_500 : i32
      %add3A_503 = arith.constant 0 : i32
      %add3A_504 = arith.addi %add3A_502, %add3A_503 : i32
      %get3A = arith.index_cast %add3A_504 : i32 to index
      %get3A_505 = tpu.vector_load %arg6[%get3A] {strides = array<i32>} : memref<13312xi32, #tpu.memory_space<vmem>>, vector<16xi32>,
      %get3A_506 = vector.shape_cast %get3A_505 : vector<16xi32> to vector<16xi32>
      %convert_element_type3A = arith.sitofp %get3A_506 : vector<16xi32> to vector<16xf32>
      %add3A_507 = arith.constant 0 : i32
      %add3A_508 = arith.addi %add3A_502, %add3A_507 : i32
      %swap3A = arith.index_cast %add3A_508 : i32 to index
      %swap3A_509 = tpu.vector_load %arg7[%swap3A] {strides = array<i32>} : memref<13312xf32, #tpu.memory_space<vmem>>, vector<16xf32>,
      %swap3A_510 = vector.shape_cast %swap3A_509 : vector<16xf32> to vector<16xf32>
      %swap3A_511 = vector.shape_cast %convert_element_type3A : vector<16xf32> to vector<16xf32>
      tpu.vector_store %arg7[%swap3A], %swap3A_511 {strides = array<i32>} : memref<13312xf32, #tpu.memory_space<vmem>>, vector<16xf32>,
      %add3A_512 = arith.constant 16 : i32
      %add3A_513 = arith.addi %add3A_502, %add3A_512 : i32
      %get3A_514 = arith.index_cast %add3A_513 : i32 to index
      %get3A_515 = tpu.vector_load %arg6[%get3A_514] {strides = array<i32>} : memref<13312xi32, #tpu.memory_space<vmem>>, vector<16xi32>,
      %get3A_516 = vector.shape_cast %get3A_515 : vector<16xi32> to vector<16xi32>
      %convert_element_type3A_517 = arith.sitofp %get3A_516 : vector<16xi32> to vector<16xf32>
      %add3A_518 = arith.constant 16 : i32
      %add3A_519 = arith.addi %add3A_502, %add3A_518 : i32
      %swap3A_520 = arith.index_cast %add3A_519 : i32 to index
      %swap3A_521 = tpu.vector_load %arg7[%swap3A_520] {strides = array<i32>} : memref<13312xf32, #tpu.memory_space<vmem>>, vector<16xf32>,
      %swap3A_522 = vector.shape_cast %swap3A_521 : vector<16xf32> to vector<16xf32>
      %swap3A_523 = vector.shape_cast %convert_element_type3A_517 : vector<16xf32> to vector<16xf32>
      tpu.vector_store %arg7[%swap3A_520], %swap3A_523 {strides = array<i32>} : memref<13312xf32, #tpu.memory_space<vmem>>, vector<16xf32>,
      %add3A_524 = arith.constant 32 : i32
      %add3A_525 = arith.addi %add3A_502, %add3A_524 : i32
      %get3A_526 = arith.index_cast %add3A_525 : i32 to index
      %get3A_527 = tpu.vector_load %arg6[%get3A_526] {strides = array<i32>} : memref<13312xi32, #tpu.memory_space<vmem>>, vector<16xi32>,
      %get3A_528 = vector.shape_cast %get3A_527 : vector<16xi32> to vector<16xi32>
      %convert_element_type3A_529 = arith.sitofp %get3A_528 : vector<16xi32> to vector<16xf32>
      %add3A_530 = arith.constant 32 : i32
      %add3A_531 = arith.addi %add3A_502, %add3A_530 : i32
      %swap3A_532 = arith.index_cast %add3A_531 : i32 to index
      %swap3A_533 = tpu.vector_load %arg7[%swap3A_532] {strides = array<i32>} : memref<13312xf32, #tpu.memory_space<vmem>>, vector<16xf32>,
      %swap3A_534 = vector.shape_cast %swap3A_533 : vector<16xf32> to vector<16xf32>
      %swap3A_535 = vector.shape_cast %convert_element_type3A_529 : vector<16xf32> to vector<16xf32>
      tpu.vector_store %arg7[%swap3A_532], %swap3A_535 {strides = array<i32>} : memref<13312xf32, #tpu.memory_space<vmem>>, vector<16xf32>,
      %add3A_536 = arith.constant 48 : i32
      %add3A_537 = arith.addi %add3A_502, %add3A_536 : i32
      %get3A_538 = arith.index_cast %add3A_537 : i32 to index
      %get3A_539 = tpu.vector_load %arg6[%get3A_538] {strides = array<i32>} : memref<13312xi32, #tpu.memory_space<vmem>>, vector<16xi32>,
      %get3A_540 = vector.shape_cast %get3A_539 : vector<16xi32> to vector<16xi32>
      %convert_element_type3A_541 = arith.sitofp %get3A_540 : vector<16xi32> to vector<16xf32>
      %add3A_542 = arith.constant 48 : i32
      %add3A_543 = arith.addi %add3A_502, %add3A_542 : i32
      %swap3A_544 = arith.index_cast %add3A_543 : i32 to index
      %swap3A_545 = tpu.vector_load %arg7[%swap3A_544] {strides = array<i32>} : memref<13312xf32, #tpu.memory_space<vmem>>, vector<16xf32>,
      %swap3A_546 = vector.shape_cast %swap3A_545 : vector<16xf32> to vector<16xf32>
      %swap3A_547 = vector.shape_cast %convert_element_type3A_541 : vector<16xf32> to vector<16xf32>
      tpu.vector_store %arg7[%swap3A_544], %swap3A_547 {strides = array<i32>} : memref<13312xf32, #tpu.memory_space<vmem>>, vector<16xf32>,
    }
    %scan3A_127 = arith.constant 14 : i32
    %add3A_128 = arith.constant 256 : i32
    %add3A_129 = arith.addi %mul3A_2, %add3A_128 : i32
    %dma_start3A_130 = arith.constant 256 : i32
    %dma_start3A_131 = tpu.memref_slice %arg7[%dma_start3A_130] : memref<13312xf32, #tpu.memory_space<vmem>> -> memref<896xf32, #tpu.memory_space<vmem>>
    %dma_start3A_132 = tpu.memref_slice %arg4[%add3A_129] : memref<425984xf32, #tpu.memory_space<hbm>> -> memref<896xf32, #tpu.memory_space<hbm>>
    %dma_start3A_133 = tpu.memref_slice %arg4[%add3A_129] : memref<425984xf32, #tpu.memory_space<hbm>> -> memref<896xf32, #tpu.memory_space<hbm>>
    %dma_start3A_134 = arith.constant 256 : i32
    %dma_start3A_135 = tpu.memref_slice %arg7[%dma_start3A_134] : memref<13312xf32, #tpu.memory_space<vmem>> -> memref<896xf32, #tpu.memory_space<vmem>>
    tpu.enqueue_dma source(%dma_start3A_135 : memref<896xf32, #tpu.memory_space<vmem>>) target(%dma_start3A_133 : memref<896xf32, #tpu.memory_space<hbm>>) target_semaphore(%arg24 : memref<!tpu.dma_semaphore, #tpu.memory_space<semaphore_mem>>)
    %dma_wait3A_136 = arith.constant 1152 : i32
    %dma_wait3A_137 = tpu.memref_slice %arg6[%dma_wait3A_136] : memref<13312xi32, #tpu.memory_space<vmem>> -> memref<896xi32, #tpu.memory_space<vmem>>
    %dma_wait3A_138 = arith.constant 1152 : i32
    %dma_wait3A_139 = tpu.memref_slice %arg5[%dma_wait3A_138] : memref<13312xi32, #tpu.memory_space<vmem>> -> memref<896xi32, #tpu.memory_space<vmem>>
    %dma_wait3A_140 = arith.constant 0 : i32
    %dma_wait3A_141 = tpu.memref_slice %arg3[%dma_wait3A_140] : memref<1000000xi32, #tpu.memory_space<hbm>> -> memref<1000000xi32, #tpu.memory_space<hbm>>
    tpu.wait_indirect_dma semaphore(%arg10 : memref<!tpu.dma_semaphore, #tpu.memory_space<semaphore_mem>>) src(%dma_wait3A_141 : memref<1000000xi32, #tpu.memory_space<hbm>>) dst(%dma_wait3A_137 : memref<896xi32, #tpu.memory_space<vmem>>)
    %scan3A_142 = arith.constant 0 : i32
    %scan3A_143 = arith.constant 14 : i32
    %scan3A_144 = arith.addi %scan3A_142, %scan3A_143 : i32
    %scan3A_145 = arith.constant 1 : i32
    scf.for %scan3A_498 = %scan3A_142 to %scan3A_144 step %scan3A_145  : i32 {
      %mul3A_499 = arith.constant 64 : i32
      %mul3A_500 = arith.muli %scan3A_498, %mul3A_499 : i32
      %add3A_501 = arith.constant 1152 : i32
      %add3A_502 = arith.addi %add3A_501, %mul3A_500 : i32
      %add3A_503 = arith.constant 0 : i32
      %add3A_504 = arith.addi %add3A_502, %add3A_503 : i32
      %get3A = arith.index_cast %add3A_504 : i32 to index
      %get3A_505 = tpu.vector_load %arg6[%get3A] {strides = array<i32>} : memref<13312xi32, #tpu.memory_space<vmem>>, vector<16xi32>,
      %get3A_506 = vector.shape_cast %get3A_505 : vector<16xi32> to vector<16xi32>
      %convert_element_type3A = arith.sitofp %get3A_506 : vector<16xi32> to vector<16xf32>
      %add3A_507 = arith.constant 0 : i32
      %add3A_508 = arith.addi %add3A_502, %add3A_507 : i32
      %swap3A = arith.index_cast %add3A_508 : i32 to index
      %swap3A_509 = tpu.vector_load %arg7[%swap3A] {strides = array<i32>} : memref<13312xf32, #tpu.memory_space<vmem>>, vector<16xf32>,
      %swap3A_510 = vector.shape_cast %swap3A_509 : vector<16xf32> to vector<16xf32>
      %swap3A_511 = vector.shape_cast %convert_element_type3A : vector<16xf32> to vector<16xf32>
      tpu.vector_store %arg7[%swap3A], %swap3A_511 {strides = array<i32>} : memref<13312xf32, #tpu.memory_space<vmem>>, vector<16xf32>,
      %add3A_512 = arith.constant 16 : i32
      %add3A_513 = arith.addi %add3A_502, %add3A_512 : i32
      %get3A_514 = arith.index_cast %add3A_513 : i32 to index
      %get3A_515 = tpu.vector_load %arg6[%get3A_514] {strides = array<i32>} : memref<13312xi32, #tpu.memory_space<vmem>>, vector<16xi32>,
      %get3A_516 = vector.shape_cast %get3A_515 : vector<16xi32> to vector<16xi32>
      %convert_element_type3A_517 = arith.sitofp %get3A_516 : vector<16xi32> to vector<16xf32>
      %add3A_518 = arith.constant 16 : i32
      %add3A_519 = arith.addi %add3A_502, %add3A_518 : i32
      %swap3A_520 = arith.index_cast %add3A_519 : i32 to index
      %swap3A_521 = tpu.vector_load %arg7[%swap3A_520] {strides = array<i32>} : memref<13312xf32, #tpu.memory_space<vmem>>, vector<16xf32>,
      %swap3A_522 = vector.shape_cast %swap3A_521 : vector<16xf32> to vector<16xf32>
      %swap3A_523 = vector.shape_cast %convert_element_type3A_517 : vector<16xf32> to vector<16xf32>
      tpu.vector_store %arg7[%swap3A_520], %swap3A_523 {strides = array<i32>} : memref<13312xf32, #tpu.memory_space<vmem>>, vector<16xf32>,
      %add3A_524 = arith.constant 32 : i32
      %add3A_525 = arith.addi %add3A_502, %add3A_524 : i32
      %get3A_526 = arith.index_cast %add3A_525 : i32 to index
      %get3A_527 = tpu.vector_load %arg6[%get3A_526] {strides = array<i32>} : memref<13312xi32, #tpu.memory_space<vmem>>, vector<16xi32>,
      %get3A_528 = vector.shape_cast %get3A_527 : vector<16xi32> to vector<16xi32>
      %convert_element_type3A_529 = arith.sitofp %get3A_528 : vector<16xi32> to vector<16xf32>
      %add3A_530 = arith.constant 32 : i32
      %add3A_531 = arith.addi %add3A_502, %add3A_530 : i32
      %swap3A_532 = arith.index_cast %add3A_531 : i32 to index
      %swap3A_533 = tpu.vector_load %arg7[%swap3A_532] {strides = array<i32>} : memref<13312xf32, #tpu.memory_space<vmem>>, vector<16xf32>,
      %swap3A_534 = vector.shape_cast %swap3A_533 : vector<16xf32> to vector<16xf32>
      %swap3A_535 = vector.shape_cast %convert_element_type3A_529 : vector<16xf32> to vector<16xf32>
      tpu.vector_store %arg7[%swap3A_532], %swap3A_535 {strides = array<i32>} : memref<13312xf32, #tpu.memory_space<vmem>>, vector<16xf32>,
      %add3A_536 = arith.constant 48 : i32
      %add3A_537 = arith.addi %add3A_502, %add3A_536 : i32
      %get3A_538 = arith.index_cast %add3A_537 : i32 to index
      %get3A_539 = tpu.vector_load %arg6[%get3A_538] {strides = array<i32>} : memref<13312xi32, #tpu.memory_space<vmem>>, vector<16xi32>,
      %get3A_540 = vector.shape_cast %get3A_539 : vector<16xi32> to vector<16xi32>
      %convert_element_type3A_541 = arith.sitofp %get3A_540 : vector<16xi32> to vector<16xf32>
      %add3A_542 = arith.constant 48 : i32
      %add3A_543 = arith.addi %add3A_502, %add3A_542 : i32
      %swap3A_544 = arith.index_cast %add3A_543 : i32 to index
      %swap3A_545 = tpu.vector_load %arg7[%swap3A_544] {strides = array<i32>} : memref<13312xf32, #tpu.memory_space<vmem>>, vector<16xf32>,
      %swap3A_546 = vector.shape_cast %swap3A_545 : vector<16xf32> to vector<16xf32>
      %swap3A_547 = vector.shape_cast %convert_element_type3A_541 : vector<16xf32> to vector<16xf32>
      tpu.vector_store %arg7[%swap3A_544], %swap3A_547 {strides = array<i32>} : memref<13312xf32, #tpu.memory_space<vmem>>, vector<16xf32>,
    }
    %scan3A_146 = arith.constant 14 : i32
    %add3A_147 = arith.constant 1152 : i32
    %add3A_148 = arith.addi %mul3A_2, %add3A_147 : i32
    %dma_start3A_149 = arith.constant 1152 : i32
    %dma_start3A_150 = tpu.memref_slice %arg7[%dma_start3A_149] : memref<13312xf32, #tpu.memory_space<vmem>> -> memref<896xf32, #tpu.memory_space<vmem>>
    %dma_start3A_151 = tpu.memref_slice %arg4[%add3A_148] : memref<425984xf32, #tpu.memory_space<hbm>> -> memref<896xf32, #tpu.memory_space<hbm>>
    %dma_start3A_152 = tpu.memref_slice %arg4[%add3A_148] : memref<425984xf32, #tpu.memory_space<hbm>> -> memref<896xf32, #tpu.memory_space<hbm>>
    %dma_start3A_153 = arith.constant 1152 : i32
    %dma_start3A_154 = tpu.memref_slice %arg7[%dma_start3A_153] : memref<13312xf32, #tpu.memory_space<vmem>> -> memref<896xf32, #tpu.memory_space<vmem>>
    tpu.enqueue_dma source(%dma_start3A_154 : memref<896xf32, #tpu.memory_space<vmem>>) target(%dma_start3A_152 : memref<896xf32, #tpu.memory_space<hbm>>) target_semaphore(%arg24 : memref<!tpu.dma_semaphore, #tpu.memory_space<semaphore_mem>>)
    %dma_wait3A_155 = arith.constant 2048 : i32
    %dma_wait3A_156 = tpu.memref_slice %arg6[%dma_wait3A_155] : memref<13312xi32, #tpu.memory_space<vmem>> -> memref<896xi32, #tpu.memory_space<vmem>>
    %dma_wait3A_157 = arith.constant 2048 : i32
    %dma_wait3A_158 = tpu.memref_slice %arg5[%dma_wait3A_157] : memref<13312xi32, #tpu.memory_space<vmem>> -> memref<896xi32, #tpu.memory_space<vmem>>
    %dma_wait3A_159 = arith.constant 0 : i32
    %dma_wait3A_160 = tpu.memref_slice %arg3[%dma_wait3A_159] : memref<1000000xi32, #tpu.memory_space<hbm>> -> memref<1000000xi32, #tpu.memory_space<hbm>>
    tpu.wait_indirect_dma semaphore(%arg11 : memref<!tpu.dma_semaphore, #tpu.memory_space<semaphore_mem>>) src(%dma_wait3A_160 : memref<1000000xi32, #tpu.memory_space<hbm>>) dst(%dma_wait3A_156 : memref<896xi32, #tpu.memory_space<vmem>>)
    %scan3A_161 = arith.constant 0 : i32
    %scan3A_162 = arith.constant 14 : i32
    %scan3A_163 = arith.addi %scan3A_161, %scan3A_162 : i32
    %scan3A_164 = arith.constant 1 : i32
    scf.for %scan3A_498 = %scan3A_161 to %scan3A_163 step %scan3A_164  : i32 {
      %mul3A_499 = arith.constant 64 : i32
      %mul3A_500 = arith.muli %scan3A_498, %mul3A_499 : i32
      %add3A_501 = arith.constant 2048 : i32
      %add3A_502 = arith.addi %add3A_501, %mul3A_500 : i32
      %add3A_503 = arith.constant 0 : i32
      %add3A_504 = arith.addi %add3A_502, %add3A_503 : i32
      %get3A = arith.index_cast %add3A_504 : i32 to index
      %get3A_505 = tpu.vector_load %arg6[%get3A] {strides = array<i32>} : memref<13312xi32, #tpu.memory_space<vmem>>, vector<16xi32>,
      %get3A_506 = vector.shape_cast %get3A_505 : vector<16xi32> to vector<16xi32>
      %convert_element_type3A = arith.sitofp %get3A_506 : vector<16xi32> to vector<16xf32>
      %add3A_507 = arith.constant 0 : i32
      %add3A_508 = arith.addi %add3A_502, %add3A_507 : i32
      %swap3A = arith.index_cast %add3A_508 : i32 to index
      %swap3A_509 = tpu.vector_load %arg7[%swap3A] {strides = array<i32>} : memref<13312xf32, #tpu.memory_space<vmem>>, vector<16xf32>,
      %swap3A_510 = vector.shape_cast %swap3A_509 : vector<16xf32> to vector<16xf32>
      %swap3A_511 = vector.shape_cast %convert_element_type3A : vector<16xf32> to vector<16xf32>
      tpu.vector_store %arg7[%swap3A], %swap3A_511 {strides = array<i32>} : memref<13312xf32, #tpu.memory_space<vmem>>, vector<16xf32>,
      %add3A_512 = arith.constant 16 : i32
      %add3A_513 = arith.addi %add3A_502, %add3A_512 : i32
      %get3A_514 = arith.index_cast %add3A_513 : i32 to index
      %get3A_515 = tpu.vector_load %arg6[%get3A_514] {strides = array<i32>} : memref<13312xi32, #tpu.memory_space<vmem>>, vector<16xi32>,
      %get3A_516 = vector.shape_cast %get3A_515 : vector<16xi32> to vector<16xi32>
      %convert_element_type3A_517 = arith.sitofp %get3A_516 : vector<16xi32> to vector<16xf32>
      %add3A_518 = arith.constant 16 : i32
      %add3A_519 = arith.addi %add3A_502, %add3A_518 : i32
      %swap3A_520 = arith.index_cast %add3A_519 : i32 to index
      %swap3A_521 = tpu.vector_load %arg7[%swap3A_520] {strides = array<i32>} : memref<13312xf32, #tpu.memory_space<vmem>>, vector<16xf32>,
      %swap3A_522 = vector.shape_cast %swap3A_521 : vector<16xf32> to vector<16xf32>
      %swap3A_523 = vector.shape_cast %convert_element_type3A_517 : vector<16xf32> to vector<16xf32>
      tpu.vector_store %arg7[%swap3A_520], %swap3A_523 {strides = array<i32>} : memref<13312xf32, #tpu.memory_space<vmem>>, vector<16xf32>,
      %add3A_524 = arith.constant 32 : i32
      %add3A_525 = arith.addi %add3A_502, %add3A_524 : i32
      %get3A_526 = arith.index_cast %add3A_525 : i32 to index
      %get3A_527 = tpu.vector_load %arg6[%get3A_526] {strides = array<i32>} : memref<13312xi32, #tpu.memory_space<vmem>>, vector<16xi32>,
      %get3A_528 = vector.shape_cast %get3A_527 : vector<16xi32> to vector<16xi32>
      %convert_element_type3A_529 = arith.sitofp %get3A_528 : vector<16xi32> to vector<16xf32>
      %add3A_530 = arith.constant 32 : i32
      %add3A_531 = arith.addi %add3A_502, %add3A_530 : i32
      %swap3A_532 = arith.index_cast %add3A_531 : i32 to index
      %swap3A_533 = tpu.vector_load %arg7[%swap3A_532] {strides = array<i32>} : memref<13312xf32, #tpu.memory_space<vmem>>, vector<16xf32>,
      %swap3A_534 = vector.shape_cast %swap3A_533 : vector<16xf32> to vector<16xf32>
      %swap3A_535 = vector.shape_cast %convert_element_type3A_529 : vector<16xf32> to vector<16xf32>
      tpu.vector_store %arg7[%swap3A_532], %swap3A_535 {strides = array<i32>} : memref<13312xf32, #tpu.memory_space<vmem>>, vector<16xf32>,
      %add3A_536 = arith.constant 48 : i32
      %add3A_537 = arith.addi %add3A_502, %add3A_536 : i32
      %get3A_538 = arith.index_cast %add3A_537 : i32 to index
      %get3A_539 = tpu.vector_load %arg6[%get3A_538] {strides = array<i32>} : memref<13312xi32, #tpu.memory_space<vmem>>, vector<16xi32>,
      %get3A_540 = vector.shape_cast %get3A_539 : vector<16xi32> to vector<16xi32>
      %convert_element_type3A_541 = arith.sitofp %get3A_540 : vector<16xi32> to vector<16xf32>
      %add3A_542 = arith.constant 48 : i32
      %add3A_543 = arith.addi %add3A_502, %add3A_542 : i32
      %swap3A_544 = arith.index_cast %add3A_543 : i32 to index
      %swap3A_545 = tpu.vector_load %arg7[%swap3A_544] {strides = array<i32>} : memref<13312xf32, #tpu.memory_space<vmem>>, vector<16xf32>,
      %swap3A_546 = vector.shape_cast %swap3A_545 : vector<16xf32> to vector<16xf32>
      %swap3A_547 = vector.shape_cast %convert_element_type3A_541 : vector<16xf32> to vector<16xf32>
      tpu.vector_store %arg7[%swap3A_544], %swap3A_547 {strides = array<i32>} : memref<13312xf32, #tpu.memory_space<vmem>>, vector<16xf32>,
    }
    %scan3A_165 = arith.constant 14 : i32
    %add3A_166 = arith.constant 2048 : i32
    %add3A_167 = arith.addi %mul3A_2, %add3A_166 : i32
    %dma_start3A_168 = arith.constant 2048 : i32
    %dma_start3A_169 = tpu.memref_slice %arg7[%dma_start3A_168] : memref<13312xf32, #tpu.memory_space<vmem>> -> memref<896xf32, #tpu.memory_space<vmem>>
    %dma_start3A_170 = tpu.memref_slice %arg4[%add3A_167] : memref<425984xf32, #tpu.memory_space<hbm>> -> memref<896xf32, #tpu.memory_space<hbm>>
    %dma_start3A_171 = tpu.memref_slice %arg4[%add3A_167] : memref<425984xf32, #tpu.memory_space<hbm>> -> memref<896xf32, #tpu.memory_space<hbm>>
    %dma_start3A_172 = arith.constant 2048 : i32
    %dma_start3A_173 = tpu.memref_slice %arg7[%dma_start3A_172] : memref<13312xf32, #tpu.memory_space<vmem>> -> memref<896xf32, #tpu.memory_space<vmem>>
    tpu.enqueue_dma source(%dma_start3A_173 : memref<896xf32, #tpu.memory_space<vmem>>) target(%dma_start3A_171 : memref<896xf32, #tpu.memory_space<hbm>>) target_semaphore(%arg24 : memref<!tpu.dma_semaphore, #tpu.memory_space<semaphore_mem>>)
    %dma_wait3A_174 = arith.constant 2944 : i32
    %dma_wait3A_175 = tpu.memref_slice %arg6[%dma_wait3A_174] : memref<13312xi32, #tpu.memory_space<vmem>> -> memref<896xi32, #tpu.memory_space<vmem>>
    %dma_wait3A_176 = arith.constant 2944 : i32
    %dma_wait3A_177 = tpu.memref_slice %arg5[%dma_wait3A_176] : memref<13312xi32, #tpu.memory_space<vmem>> -> memref<896xi32, #tpu.memory_space<vmem>>
    %dma_wait3A_178 = arith.constant 0 : i32
    %dma_wait3A_179 = tpu.memref_slice %arg3[%dma_wait3A_178] : memref<1000000xi32, #tpu.memory_space<hbm>> -> memref<1000000xi32, #tpu.memory_space<hbm>>
    tpu.wait_indirect_dma semaphore(%arg12 : memref<!tpu.dma_semaphore, #tpu.memory_space<semaphore_mem>>) src(%dma_wait3A_179 : memref<1000000xi32, #tpu.memory_space<hbm>>) dst(%dma_wait3A_175 : memref<896xi32, #tpu.memory_space<vmem>>)
    %scan3A_180 = arith.constant 0 : i32
    %scan3A_181 = arith.constant 14 : i32
    %scan3A_182 = arith.addi %scan3A_180, %scan3A_181 : i32
    %scan3A_183 = arith.constant 1 : i32
    scf.for %scan3A_498 = %scan3A_180 to %scan3A_182 step %scan3A_183  : i32 {
      %mul3A_499 = arith.constant 64 : i32
      %mul3A_500 = arith.muli %scan3A_498, %mul3A_499 : i32
      %add3A_501 = arith.constant 2944 : i32
      %add3A_502 = arith.addi %add3A_501, %mul3A_500 : i32
      %add3A_503 = arith.constant 0 : i32
      %add3A_504 = arith.addi %add3A_502, %add3A_503 : i32
      %get3A = arith.index_cast %add3A_504 : i32 to index
      %get3A_505 = tpu.vector_load %arg6[%get3A] {strides = array<i32>} : memref<13312xi32, #tpu.memory_space<vmem>>, vector<16xi32>,
      %get3A_506 = vector.shape_cast %get3A_505 : vector<16xi32> to vector<16xi32>
      %convert_element_type3A = arith.sitofp %get3A_506 : vector<16xi32> to vector<16xf32>
      %add3A_507 = arith.constant 0 : i32
      %add3A_508 = arith.addi %add3A_502, %add3A_507 : i32
      %swap3A = arith.index_cast %add3A_508 : i32 to index
      %swap3A_509 = tpu.vector_load %arg7[%swap3A] {strides = array<i32>} : memref<13312xf32, #tpu.memory_space<vmem>>, vector<16xf32>,
      %swap3A_510 = vector.shape_cast %swap3A_509 : vector<16xf32> to vector<16xf32>
      %swap3A_511 = vector.shape_cast %convert_element_type3A : vector<16xf32> to vector<16xf32>
      tpu.vector_store %arg7[%swap3A], %swap3A_511 {strides = array<i32>} : memref<13312xf32, #tpu.memory_space<vmem>>, vector<16xf32>,
      %add3A_512 = arith.constant 16 : i32
      %add3A_513 = arith.addi %add3A_502, %add3A_512 : i32
      %get3A_514 = arith.index_cast %add3A_513 : i32 to index
      %get3A_515 = tpu.vector_load %arg6[%get3A_514] {strides = array<i32>} : memref<13312xi32, #tpu.memory_space<vmem>>, vector<16xi32>,
      %get3A_516 = vector.shape_cast %get3A_515 : vector<16xi32> to vector<16xi32>
      %convert_element_type3A_517 = arith.sitofp %get3A_516 : vector<16xi32> to vector<16xf32>
      %add3A_518 = arith.constant 16 : i32
      %add3A_519 = arith.addi %add3A_502, %add3A_518 : i32
      %swap3A_520 = arith.index_cast %add3A_519 : i32 to index
      %swap3A_521 = tpu.vector_load %arg7[%swap3A_520] {strides = array<i32>} : memref<13312xf32, #tpu.memory_space<vmem>>, vector<16xf32>,
      %swap3A_522 = vector.shape_cast %swap3A_521 : vector<16xf32> to vector<16xf32>
      %swap3A_523 = vector.shape_cast %convert_element_type3A_517 : vector<16xf32> to vector<16xf32>
      tpu.vector_store %arg7[%swap3A_520], %swap3A_523 {strides = array<i32>} : memref<13312xf32, #tpu.memory_space<vmem>>, vector<16xf32>,
      %add3A_524 = arith.constant 32 : i32
      %add3A_525 = arith.addi %add3A_502, %add3A_524 : i32
      %get3A_526 = arith.index_cast %add3A_525 : i32 to index
      %get3A_527 = tpu.vector_load %arg6[%get3A_526] {strides = array<i32>} : memref<13312xi32, #tpu.memory_space<vmem>>, vector<16xi32>,
      %get3A_528 = vector.shape_cast %get3A_527 : vector<16xi32> to vector<16xi32>
      %convert_element_type3A_529 = arith.sitofp %get3A_528 : vector<16xi32> to vector<16xf32>
      %add3A_530 = arith.constant 32 : i32
      %add3A_531 = arith.addi %add3A_502, %add3A_530 : i32
      %swap3A_532 = arith.index_cast %add3A_531 : i32 to index
      %swap3A_533 = tpu.vector_load %arg7[%swap3A_532] {strides = array<i32>} : memref<13312xf32, #tpu.memory_space<vmem>>, vector<16xf32>,
      %swap3A_534 = vector.shape_cast %swap3A_533 : vector<16xf32> to vector<16xf32>
      %swap3A_535 = vector.shape_cast %convert_element_type3A_529 : vector<16xf32> to vector<16xf32>
      tpu.vector_store %arg7[%swap3A_532], %swap3A_535 {strides = array<i32>} : memref<13312xf32, #tpu.memory_space<vmem>>, vector<16xf32>,
      %add3A_536 = arith.constant 48 : i32
      %add3A_537 = arith.addi %add3A_502, %add3A_536 : i32
      %get3A_538 = arith.index_cast %add3A_537 : i32 to index
      %get3A_539 = tpu.vector_load %arg6[%get3A_538] {strides = array<i32>} : memref<13312xi32, #tpu.memory_space<vmem>>, vector<16xi32>,
      %get3A_540 = vector.shape_cast %get3A_539 : vector<16xi32> to vector<16xi32>
      %convert_element_type3A_541 = arith.sitofp %get3A_540 : vector<16xi32> to vector<16xf32>
      %add3A_542 = arith.constant 48 : i32
      %add3A_543 = arith.addi %add3A_502, %add3A_542 : i32
      %swap3A_544 = arith.index_cast %add3A_543 : i32 to index
      %swap3A_545 = tpu.vector_load %arg7[%swap3A_544] {strides = array<i32>} : memref<13312xf32, #tpu.memory_space<vmem>>, vector<16xf32>,
      %swap3A_546 = vector.shape_cast %swap3A_545 : vector<16xf32> to vector<16xf32>
      %swap3A_547 = vector.shape_cast %convert_element_type3A_541 : vector<16xf32> to vector<16xf32>
      tpu.vector_store %arg7[%swap3A_544], %swap3A_547 {strides = array<i32>} : memref<13312xf32, #tpu.memory_space<vmem>>, vector<16xf32>,
    }
    %scan3A_184 = arith.constant 14 : i32
    %add3A_185 = arith.constant 2944 : i32
    %add3A_186 = arith.addi %mul3A_2, %add3A_185 : i32
    %dma_start3A_187 = arith.constant 2944 : i32
    %dma_start3A_188 = tpu.memref_slice %arg7[%dma_start3A_187] : memref<13312xf32, #tpu.memory_space<vmem>> -> memref<896xf32, #tpu.memory_space<vmem>>
    %dma_start3A_189 = tpu.memref_slice %arg4[%add3A_186] : memref<425984xf32, #tpu.memory_space<hbm>> -> memref<896xf32, #tpu.memory_space<hbm>>
    %dma_start3A_190 = tpu.memref_slice %arg4[%add3A_186] : memref<425984xf32, #tpu.memory_space<hbm>> -> memref<896xf32, #tpu.memory_space<hbm>>
    %dma_start3A_191 = arith.constant 2944 : i32
    %dma_start3A_192 = tpu.memref_slice %arg7[%dma_start3A_191] : memref<13312xf32, #tpu.memory_space<vmem>> -> memref<896xf32, #tpu.memory_space<vmem>>
    tpu.enqueue_dma source(%dma_start3A_192 : memref<896xf32, #tpu.memory_space<vmem>>) target(%dma_start3A_190 : memref<896xf32, #tpu.memory_space<hbm>>) target_semaphore(%arg24 : memref<!tpu.dma_semaphore, #tpu.memory_space<semaphore_mem>>)
    %dma_wait3A_193 = arith.constant 3840 : i32
    %dma_wait3A_194 = tpu.memref_slice %arg6[%dma_wait3A_193] : memref<13312xi32, #tpu.memory_space<vmem>> -> memref<896xi32, #tpu.memory_space<vmem>>
    %dma_wait3A_195 = arith.constant 3840 : i32
    %dma_wait3A_196 = tpu.memref_slice %arg5[%dma_wait3A_195] : memref<13312xi32, #tpu.memory_space<vmem>> -> memref<896xi32, #tpu.memory_space<vmem>>
    %dma_wait3A_197 = arith.constant 0 : i32
    %dma_wait3A_198 = tpu.memref_slice %arg3[%dma_wait3A_197] : memref<1000000xi32, #tpu.memory_space<hbm>> -> memref<1000000xi32, #tpu.memory_space<hbm>>
    tpu.wait_indirect_dma semaphore(%arg13 : memref<!tpu.dma_semaphore, #tpu.memory_space<semaphore_mem>>) src(%dma_wait3A_198 : memref<1000000xi32, #tpu.memory_space<hbm>>) dst(%dma_wait3A_194 : memref<896xi32, #tpu.memory_space<vmem>>)
    %scan3A_199 = arith.constant 0 : i32
    %scan3A_200 = arith.constant 14 : i32
    %scan3A_201 = arith.addi %scan3A_199, %scan3A_200 : i32
    %scan3A_202 = arith.constant 1 : i32
    scf.for %scan3A_498 = %scan3A_199 to %scan3A_201 step %scan3A_202  : i32 {
      %mul3A_499 = arith.constant 64 : i32
      %mul3A_500 = arith.muli %scan3A_498, %mul3A_499 : i32
      %add3A_501 = arith.constant 3840 : i32
      %add3A_502 = arith.addi %add3A_501, %mul3A_500 : i32
      %add3A_503 = arith.constant 0 : i32
      %add3A_504 = arith.addi %add3A_502, %add3A_503 : i32
      %get3A = arith.index_cast %add3A_504 : i32 to index
      %get3A_505 = tpu.vector_load %arg6[%get3A] {strides = array<i32>} : memref<13312xi32, #tpu.memory_space<vmem>>, vector<16xi32>,
      %get3A_506 = vector.shape_cast %get3A_505 : vector<16xi32> to vector<16xi32>
      %convert_element_type3A = arith.sitofp %get3A_506 : vector<16xi32> to vector<16xf32>
      %add3A_507 = arith.constant 0 : i32
      %add3A_508 = arith.addi %add3A_502, %add3A_507 : i32
      %swap3A = arith.index_cast %add3A_508 : i32 to index
      %swap3A_509 = tpu.vector_load %arg7[%swap3A] {strides = array<i32>} : memref<13312xf32, #tpu.memory_space<vmem>>, vector<16xf32>,
      %swap3A_510 = vector.shape_cast %swap3A_509 : vector<16xf32> to vector<16xf32>
      %swap3A_511 = vector.shape_cast %convert_element_type3A : vector<16xf32> to vector<16xf32>
      tpu.vector_store %arg7[%swap3A], %swap3A_511 {strides = array<i32>} : memref<13312xf32, #tpu.memory_space<vmem>>, vector<16xf32>,
      %add3A_512 = arith.constant 16 : i32
      %add3A_513 = arith.addi %add3A_502, %add3A_512 : i32
      %get3A_514 = arith.index_cast %add3A_513 : i32 to index
      %get3A_515 = tpu.vector_load %arg6[%get3A_514] {strides = array<i32>} : memref<13312xi32, #tpu.memory_space<vmem>>, vector<16xi32>,
      %get3A_516 = vector.shape_cast %get3A_515 : vector<16xi32> to vector<16xi32>
      %convert_element_type3A_517 = arith.sitofp %get3A_516 : vector<16xi32> to vector<16xf32>
      %add3A_518 = arith.constant 16 : i32
      %add3A_519 = arith.addi %add3A_502, %add3A_518 : i32
      %swap3A_520 = arith.index_cast %add3A_519 : i32 to index
      %swap3A_521 = tpu.vector_load %arg7[%swap3A_520] {strides = array<i32>} : memref<13312xf32, #tpu.memory_space<vmem>>, vector<16xf32>,
      %swap3A_522 = vector.shape_cast %swap3A_521 : vector<16xf32> to vector<16xf32>
      %swap3A_523 = vector.shape_cast %convert_element_type3A_517 : vector<16xf32> to vector<16xf32>
      tpu.vector_store %arg7[%swap3A_520], %swap3A_523 {strides = array<i32>} : memref<13312xf32, #tpu.memory_space<vmem>>, vector<16xf32>,
      %add3A_524 = arith.constant 32 : i32
      %add3A_525 = arith.addi %add3A_502, %add3A_524 : i32
      %get3A_526 = arith.index_cast %add3A_525 : i32 to index
      %get3A_527 = tpu.vector_load %arg6[%get3A_526] {strides = array<i32>} : memref<13312xi32, #tpu.memory_space<vmem>>, vector<16xi32>,
      %get3A_528 = vector.shape_cast %get3A_527 : vector<16xi32> to vector<16xi32>
      %convert_element_type3A_529 = arith.sitofp %get3A_528 : vector<16xi32> to vector<16xf32>
      %add3A_530 = arith.constant 32 : i32
      %add3A_531 = arith.addi %add3A_502, %add3A_530 : i32
      %swap3A_532 = arith.index_cast %add3A_531 : i32 to index
      %swap3A_533 = tpu.vector_load %arg7[%swap3A_532] {strides = array<i32>} : memref<13312xf32, #tpu.memory_space<vmem>>, vector<16xf32>,
      %swap3A_534 = vector.shape_cast %swap3A_533 : vector<16xf32> to vector<16xf32>
      %swap3A_535 = vector.shape_cast %convert_element_type3A_529 : vector<16xf32> to vector<16xf32>
      tpu.vector_store %arg7[%swap3A_532], %swap3A_535 {strides = array<i32>} : memref<13312xf32, #tpu.memory_space<vmem>>, vector<16xf32>,
      %add3A_536 = arith.constant 48 : i32
      %add3A_537 = arith.addi %add3A_502, %add3A_536 : i32
      %get3A_538 = arith.index_cast %add3A_537 : i32 to index
      %get3A_539 = tpu.vector_load %arg6[%get3A_538] {strides = array<i32>} : memref<13312xi32, #tpu.memory_space<vmem>>, vector<16xi32>,
      %get3A_540 = vector.shape_cast %get3A_539 : vector<16xi32> to vector<16xi32>
      %convert_element_type3A_541 = arith.sitofp %get3A_540 : vector<16xi32> to vector<16xf32>
      %add3A_542 = arith.constant 48 : i32
      %add3A_543 = arith.addi %add3A_502, %add3A_542 : i32
      %swap3A_544 = arith.index_cast %add3A_543 : i32 to index
      %swap3A_545 = tpu.vector_load %arg7[%swap3A_544] {strides = array<i32>} : memref<13312xf32, #tpu.memory_space<vmem>>, vector<16xf32>,
      %swap3A_546 = vector.shape_cast %swap3A_545 : vector<16xf32> to vector<16xf32>
      %swap3A_547 = vector.shape_cast %convert_element_type3A_541 : vector<16xf32> to vector<16xf32>
      tpu.vector_store %arg7[%swap3A_544], %swap3A_547 {strides = array<i32>} : memref<13312xf32, #tpu.memory_space<vmem>>, vector<16xf32>,
    }
    %scan3A_203 = arith.constant 14 : i32
    %add3A_204 = arith.constant 3840 : i32
    %add3A_205 = arith.addi %mul3A_2, %add3A_204 : i32
    %dma_start3A_206 = arith.constant 3840 : i32
    %dma_start3A_207 = tpu.memref_slice %arg7[%dma_start3A_206] : memref<13312xf32, #tpu.memory_space<vmem>> -> memref<896xf32, #tpu.memory_space<vmem>>
    %dma_start3A_208 = tpu.memref_slice %arg4[%add3A_205] : memref<425984xf32, #tpu.memory_space<hbm>> -> memref<896xf32, #tpu.memory_space<hbm>>
    %dma_start3A_209 = tpu.memref_slice %arg4[%add3A_205] : memref<425984xf32, #tpu.memory_space<hbm>> -> memref<896xf32, #tpu.memory_space<hbm>>
    %dma_start3A_210 = arith.constant 3840 : i32
    %dma_start3A_211 = tpu.memref_slice %arg7[%dma_start3A_210] : memref<13312xf32, #tpu.memory_space<vmem>> -> memref<896xf32, #tpu.memory_space<vmem>>
    tpu.enqueue_dma source(%dma_start3A_211 : memref<896xf32, #tpu.memory_space<vmem>>) target(%dma_start3A_209 : memref<896xf32, #tpu.memory_space<hbm>>) target_semaphore(%arg24 : memref<!tpu.dma_semaphore, #tpu.memory_space<semaphore_mem>>)
    %dma_wait3A_212 = arith.constant 4736 : i32
    %dma_wait3A_213 = tpu.memref_slice %arg6[%dma_wait3A_212] : memref<13312xi32, #tpu.memory_space<vmem>> -> memref<896xi32, #tpu.memory_space<vmem>>
    %dma_wait3A_214 = arith.constant 4736 : i32
    %dma_wait3A_215 = tpu.memref_slice %arg5[%dma_wait3A_214] : memref<13312xi32, #tpu.memory_space<vmem>> -> memref<896xi32, #tpu.memory_space<vmem>>
    %dma_wait3A_216 = arith.constant 0 : i32
    %dma_wait3A_217 = tpu.memref_slice %arg3[%dma_wait3A_216] : memref<1000000xi32, #tpu.memory_space<hbm>> -> memref<1000000xi32, #tpu.memory_space<hbm>>
    tpu.wait_indirect_dma semaphore(%arg14 : memref<!tpu.dma_semaphore, #tpu.memory_space<semaphore_mem>>) src(%dma_wait3A_217 : memref<1000000xi32, #tpu.memory_space<hbm>>) dst(%dma_wait3A_213 : memref<896xi32, #tpu.memory_space<vmem>>)
    %scan3A_218 = arith.constant 0 : i32
    %scan3A_219 = arith.constant 14 : i32
    %scan3A_220 = arith.addi %scan3A_218, %scan3A_219 : i32
    %scan3A_221 = arith.constant 1 : i32
    scf.for %scan3A_498 = %scan3A_218 to %scan3A_220 step %scan3A_221  : i32 {
      %mul3A_499 = arith.constant 64 : i32
      %mul3A_500 = arith.muli %scan3A_498, %mul3A_499 : i32
      %add3A_501 = arith.constant 4736 : i32
      %add3A_502 = arith.addi %add3A_501, %mul3A_500 : i32
      %add3A_503 = arith.constant 0 : i32
      %add3A_504 = arith.addi %add3A_502, %add3A_503 : i32
      %get3A = arith.index_cast %add3A_504 : i32 to index
      %get3A_505 = tpu.vector_load %arg6[%get3A] {strides = array<i32>} : memref<13312xi32, #tpu.memory_space<vmem>>, vector<16xi32>,
      %get3A_506 = vector.shape_cast %get3A_505 : vector<16xi32> to vector<16xi32>
      %convert_element_type3A = arith.sitofp %get3A_506 : vector<16xi32> to vector<16xf32>
      %add3A_507 = arith.constant 0 : i32
      %add3A_508 = arith.addi %add3A_502, %add3A_507 : i32
      %swap3A = arith.index_cast %add3A_508 : i32 to index
      %swap3A_509 = tpu.vector_load %arg7[%swap3A] {strides = array<i32>} : memref<13312xf32, #tpu.memory_space<vmem>>, vector<16xf32>,
      %swap3A_510 = vector.shape_cast %swap3A_509 : vector<16xf32> to vector<16xf32>
      %swap3A_511 = vector.shape_cast %convert_element_type3A : vector<16xf32> to vector<16xf32>
      tpu.vector_store %arg7[%swap3A], %swap3A_511 {strides = array<i32>} : memref<13312xf32, #tpu.memory_space<vmem>>, vector<16xf32>,
      %add3A_512 = arith.constant 16 : i32
      %add3A_513 = arith.addi %add3A_502, %add3A_512 : i32
      %get3A_514 = arith.index_cast %add3A_513 : i32 to index
      %get3A_515 = tpu.vector_load %arg6[%get3A_514] {strides = array<i32>} : memref<13312xi32, #tpu.memory_space<vmem>>, vector<16xi32>,
      %get3A_516 = vector.shape_cast %get3A_515 : vector<16xi32> to vector<16xi32>
      %convert_element_type3A_517 = arith.sitofp %get3A_516 : vector<16xi32> to vector<16xf32>
      %add3A_518 = arith.constant 16 : i32
      %add3A_519 = arith.addi %add3A_502, %add3A_518 : i32
      %swap3A_520 = arith.index_cast %add3A_519 : i32 to index
      %swap3A_521 = tpu.vector_load %arg7[%swap3A_520] {strides = array<i32>} : memref<13312xf32, #tpu.memory_space<vmem>>, vector<16xf32>,
      %swap3A_522 = vector.shape_cast %swap3A_521 : vector<16xf32> to vector<16xf32>
      %swap3A_523 = vector.shape_cast %convert_element_type3A_517 : vector<16xf32> to vector<16xf32>
      tpu.vector_store %arg7[%swap3A_520], %swap3A_523 {strides = array<i32>} : memref<13312xf32, #tpu.memory_space<vmem>>, vector<16xf32>,
      %add3A_524 = arith.constant 32 : i32
      %add3A_525 = arith.addi %add3A_502, %add3A_524 : i32
      %get3A_526 = arith.index_cast %add3A_525 : i32 to index
      %get3A_527 = tpu.vector_load %arg6[%get3A_526] {strides = array<i32>} : memref<13312xi32, #tpu.memory_space<vmem>>, vector<16xi32>,
      %get3A_528 = vector.shape_cast %get3A_527 : vector<16xi32> to vector<16xi32>
      %convert_element_type3A_529 = arith.sitofp %get3A_528 : vector<16xi32> to vector<16xf32>
      %add3A_530 = arith.constant 32 : i32
      %add3A_531 = arith.addi %add3A_502, %add3A_530 : i32
      %swap3A_532 = arith.index_cast %add3A_531 : i32 to index
      %swap3A_533 = tpu.vector_load %arg7[%swap3A_532] {strides = array<i32>} : memref<13312xf32, #tpu.memory_space<vmem>>, vector<16xf32>,
      %swap3A_534 = vector.shape_cast %swap3A_533 : vector<16xf32> to vector<16xf32>
      %swap3A_535 = vector.shape_cast %convert_element_type3A_529 : vector<16xf32> to vector<16xf32>
      tpu.vector_store %arg7[%swap3A_532], %swap3A_535 {strides = array<i32>} : memref<13312xf32, #tpu.memory_space<vmem>>, vector<16xf32>,
      %add3A_536 = arith.constant 48 : i32
      %add3A_537 = arith.addi %add3A_502, %add3A_536 : i32
      %get3A_538 = arith.index_cast %add3A_537 : i32 to index
      %get3A_539 = tpu.vector_load %arg6[%get3A_538] {strides = array<i32>} : memref<13312xi32, #tpu.memory_space<vmem>>, vector<16xi32>,
      %get3A_540 = vector.shape_cast %get3A_539 : vector<16xi32> to vector<16xi32>
      %convert_element_type3A_541 = arith.sitofp %get3A_540 : vector<16xi32> to vector<16xf32>
      %add3A_542 = arith.constant 48 : i32
      %add3A_543 = arith.addi %add3A_502, %add3A_542 : i32
      %swap3A_544 = arith.index_cast %add3A_543 : i32 to index
      %swap3A_545 = tpu.vector_load %arg7[%swap3A_544] {strides = array<i32>} : memref<13312xf32, #tpu.memory_space<vmem>>, vector<16xf32>,
      %swap3A_546 = vector.shape_cast %swap3A_545 : vector<16xf32> to vector<16xf32>
      %swap3A_547 = vector.shape_cast %convert_element_type3A_541 : vector<16xf32> to vector<16xf32>
      tpu.vector_store %arg7[%swap3A_544], %swap3A_547 {strides = array<i32>} : memref<13312xf32, #tpu.memory_space<vmem>>, vector<16xf32>,
    }
    %scan3A_222 = arith.constant 14 : i32
    %add3A_223 = arith.constant 4736 : i32
    %add3A_224 = arith.addi %mul3A_2, %add3A_223 : i32
    %dma_start3A_225 = arith.constant 4736 : i32
    %dma_start3A_226 = tpu.memref_slice %arg7[%dma_start3A_225] : memref<13312xf32, #tpu.memory_space<vmem>> -> memref<896xf32, #tpu.memory_space<vmem>>
    %dma_start3A_227 = tpu.memref_slice %arg4[%add3A_224] : memref<425984xf32, #tpu.memory_space<hbm>> -> memref<896xf32, #tpu.memory_space<hbm>>
    %dma_start3A_228 = tpu.memref_slice %arg4[%add3A_224] : memref<425984xf32, #tpu.memory_space<hbm>> -> memref<896xf32, #tpu.memory_space<hbm>>
    %dma_start3A_229 = arith.constant 4736 : i32
    %dma_start3A_230 = tpu.memref_slice %arg7[%dma_start3A_229] : memref<13312xf32, #tpu.memory_space<vmem>> -> memref<896xf32, #tpu.memory_space<vmem>>
    tpu.enqueue_dma source(%dma_start3A_230 : memref<896xf32, #tpu.memory_space<vmem>>) target(%dma_start3A_228 : memref<896xf32, #tpu.memory_space<hbm>>) target_semaphore(%arg24 : memref<!tpu.dma_semaphore, #tpu.memory_space<semaphore_mem>>)
    %dma_wait3A_231 = arith.constant 5632 : i32
    %dma_wait3A_232 = tpu.memref_slice %arg6[%dma_wait3A_231] : memref<13312xi32, #tpu.memory_space<vmem>> -> memref<896xi32, #tpu.memory_space<vmem>>
    %dma_wait3A_233 = arith.constant 5632 : i32
    %dma_wait3A_234 = tpu.memref_slice %arg5[%dma_wait3A_233] : memref<13312xi32, #tpu.memory_space<vmem>> -> memref<896xi32, #tpu.memory_space<vmem>>
    %dma_wait3A_235 = arith.constant 0 : i32
    %dma_wait3A_236 = tpu.memref_slice %arg3[%dma_wait3A_235] : memref<1000000xi32, #tpu.memory_space<hbm>> -> memref<1000000xi32, #tpu.memory_space<hbm>>
    tpu.wait_indirect_dma semaphore(%arg15 : memref<!tpu.dma_semaphore, #tpu.memory_space<semaphore_mem>>) src(%dma_wait3A_236 : memref<1000000xi32, #tpu.memory_space<hbm>>) dst(%dma_wait3A_232 : memref<896xi32, #tpu.memory_space<vmem>>)
    %scan3A_237 = arith.constant 0 : i32
    %scan3A_238 = arith.constant 14 : i32
    %scan3A_239 = arith.addi %scan3A_237, %scan3A_238 : i32
    %scan3A_240 = arith.constant 1 : i32
    scf.for %scan3A_498 = %scan3A_237 to %scan3A_239 step %scan3A_240  : i32 {
      %mul3A_499 = arith.constant 64 : i32
      %mul3A_500 = arith.muli %scan3A_498, %mul3A_499 : i32
      %add3A_501 = arith.constant 5632 : i32
      %add3A_502 = arith.addi %add3A_501, %mul3A_500 : i32
      %add3A_503 = arith.constant 0 : i32
      %add3A_504 = arith.addi %add3A_502, %add3A_503 : i32
      %get3A = arith.index_cast %add3A_504 : i32 to index
      %get3A_505 = tpu.vector_load %arg6[%get3A] {strides = array<i32>} : memref<13312xi32, #tpu.memory_space<vmem>>, vector<16xi32>,
      %get3A_506 = vector.shape_cast %get3A_505 : vector<16xi32> to vector<16xi32>
      %convert_element_type3A = arith.sitofp %get3A_506 : vector<16xi32> to vector<16xf32>
      %add3A_507 = arith.constant 0 : i32
      %add3A_508 = arith.addi %add3A_502, %add3A_507 : i32
      %swap3A = arith.index_cast %add3A_508 : i32 to index
      %swap3A_509 = tpu.vector_load %arg7[%swap3A] {strides = array<i32>} : memref<13312xf32, #tpu.memory_space<vmem>>, vector<16xf32>,
      %swap3A_510 = vector.shape_cast %swap3A_509 : vector<16xf32> to vector<16xf32>
      %swap3A_511 = vector.shape_cast %convert_element_type3A : vector<16xf32> to vector<16xf32>
      tpu.vector_store %arg7[%swap3A], %swap3A_511 {strides = array<i32>} : memref<13312xf32, #tpu.memory_space<vmem>>, vector<16xf32>,
      %add3A_512 = arith.constant 16 : i32
      %add3A_513 = arith.addi %add3A_502, %add3A_512 : i32
      %get3A_514 = arith.index_cast %add3A_513 : i32 to index
      %get3A_515 = tpu.vector_load %arg6[%get3A_514] {strides = array<i32>} : memref<13312xi32, #tpu.memory_space<vmem>>, vector<16xi32>,
      %get3A_516 = vector.shape_cast %get3A_515 : vector<16xi32> to vector<16xi32>
      %convert_element_type3A_517 = arith.sitofp %get3A_516 : vector<16xi32> to vector<16xf32>
      %add3A_518 = arith.constant 16 : i32
      %add3A_519 = arith.addi %add3A_502, %add3A_518 : i32
      %swap3A_520 = arith.index_cast %add3A_519 : i32 to index
      %swap3A_521 = tpu.vector_load %arg7[%swap3A_520] {strides = array<i32>} : memref<13312xf32, #tpu.memory_space<vmem>>, vector<16xf32>,
      %swap3A_522 = vector.shape_cast %swap3A_521 : vector<16xf32> to vector<16xf32>
      %swap3A_523 = vector.shape_cast %convert_element_type3A_517 : vector<16xf32> to vector<16xf32>
      tpu.vector_store %arg7[%swap3A_520], %swap3A_523 {strides = array<i32>} : memref<13312xf32, #tpu.memory_space<vmem>>, vector<16xf32>,
      %add3A_524 = arith.constant 32 : i32
      %add3A_525 = arith.addi %add3A_502, %add3A_524 : i32
      %get3A_526 = arith.index_cast %add3A_525 : i32 to index
      %get3A_527 = tpu.vector_load %arg6[%get3A_526] {strides = array<i32>} : memref<13312xi32, #tpu.memory_space<vmem>>, vector<16xi32>,
      %get3A_528 = vector.shape_cast %get3A_527 : vector<16xi32> to vector<16xi32>
      %convert_element_type3A_529 = arith.sitofp %get3A_528 : vector<16xi32> to vector<16xf32>
      %add3A_530 = arith.constant 32 : i32
      %add3A_531 = arith.addi %add3A_502, %add3A_530 : i32
      %swap3A_532 = arith.index_cast %add3A_531 : i32 to index
      %swap3A_533 = tpu.vector_load %arg7[%swap3A_532] {strides = array<i32>} : memref<13312xf32, #tpu.memory_space<vmem>>, vector<16xf32>,
      %swap3A_534 = vector.shape_cast %swap3A_533 : vector<16xf32> to vector<16xf32>
      %swap3A_535 = vector.shape_cast %convert_element_type3A_529 : vector<16xf32> to vector<16xf32>
      tpu.vector_store %arg7[%swap3A_532], %swap3A_535 {strides = array<i32>} : memref<13312xf32, #tpu.memory_space<vmem>>, vector<16xf32>,
      %add3A_536 = arith.constant 48 : i32
      %add3A_537 = arith.addi %add3A_502, %add3A_536 : i32
      %get3A_538 = arith.index_cast %add3A_537 : i32 to index
      %get3A_539 = tpu.vector_load %arg6[%get3A_538] {strides = array<i32>} : memref<13312xi32, #tpu.memory_space<vmem>>, vector<16xi32>,
      %get3A_540 = vector.shape_cast %get3A_539 : vector<16xi32> to vector<16xi32>
      %convert_element_type3A_541 = arith.sitofp %get3A_540 : vector<16xi32> to vector<16xf32>
      %add3A_542 = arith.constant 48 : i32
      %add3A_543 = arith.addi %add3A_502, %add3A_542 : i32
      %swap3A_544 = arith.index_cast %add3A_543 : i32 to index
      %swap3A_545 = tpu.vector_load %arg7[%swap3A_544] {strides = array<i32>} : memref<13312xf32, #tpu.memory_space<vmem>>, vector<16xf32>,
      %swap3A_546 = vector.shape_cast %swap3A_545 : vector<16xf32> to vector<16xf32>
      %swap3A_547 = vector.shape_cast %convert_element_type3A_541 : vector<16xf32> to vector<16xf32>
      tpu.vector_store %arg7[%swap3A_544], %swap3A_547 {strides = array<i32>} : memref<13312xf32, #tpu.memory_space<vmem>>, vector<16xf32>,
    }
    %scan3A_241 = arith.constant 14 : i32
    %add3A_242 = arith.constant 5632 : i32
    %add3A_243 = arith.addi %mul3A_2, %add3A_242 : i32
    %dma_start3A_244 = arith.constant 5632 : i32
    %dma_start3A_245 = tpu.memref_slice %arg7[%dma_start3A_244] : memref<13312xf32, #tpu.memory_space<vmem>> -> memref<896xf32, #tpu.memory_space<vmem>>
    %dma_start3A_246 = tpu.memref_slice %arg4[%add3A_243] : memref<425984xf32, #tpu.memory_space<hbm>> -> memref<896xf32, #tpu.memory_space<hbm>>
    %dma_start3A_247 = tpu.memref_slice %arg4[%add3A_243] : memref<425984xf32, #tpu.memory_space<hbm>> -> memref<896xf32, #tpu.memory_space<hbm>>
    %dma_start3A_248 = arith.constant 5632 : i32
    %dma_start3A_249 = tpu.memref_slice %arg7[%dma_start3A_248] : memref<13312xf32, #tpu.memory_space<vmem>> -> memref<896xf32, #tpu.memory_space<vmem>>
    tpu.enqueue_dma source(%dma_start3A_249 : memref<896xf32, #tpu.memory_space<vmem>>) target(%dma_start3A_247 : memref<896xf32, #tpu.memory_space<hbm>>) target_semaphore(%arg24 : memref<!tpu.dma_semaphore, #tpu.memory_space<semaphore_mem>>)
    %dma_wait3A_250 = arith.constant 6528 : i32
    %dma_wait3A_251 = tpu.memref_slice %arg6[%dma_wait3A_250] : memref<13312xi32, #tpu.memory_space<vmem>> -> memref<896xi32, #tpu.memory_space<vmem>>
    %dma_wait3A_252 = arith.constant 6528 : i32
    %dma_wait3A_253 = tpu.memref_slice %arg5[%dma_wait3A_252] : memref<13312xi32, #tpu.memory_space<vmem>> -> memref<896xi32, #tpu.memory_space<vmem>>
    %dma_wait3A_254 = arith.constant 0 : i32
    %dma_wait3A_255 = tpu.memref_slice %arg3[%dma_wait3A_254] : memref<1000000xi32, #tpu.memory_space<hbm>> -> memref<1000000xi32, #tpu.memory_space<hbm>>
    tpu.wait_indirect_dma semaphore(%arg16 : memref<!tpu.dma_semaphore, #tpu.memory_space<semaphore_mem>>) src(%dma_wait3A_255 : memref<1000000xi32, #tpu.memory_space<hbm>>) dst(%dma_wait3A_251 : memref<896xi32, #tpu.memory_space<vmem>>)
    %scan3A_256 = arith.constant 0 : i32
    %scan3A_257 = arith.constant 14 : i32
    %scan3A_258 = arith.addi %scan3A_256, %scan3A_257 : i32
    %scan3A_259 = arith.constant 1 : i32
    scf.for %scan3A_498 = %scan3A_256 to %scan3A_258 step %scan3A_259  : i32 {
      %mul3A_499 = arith.constant 64 : i32
      %mul3A_500 = arith.muli %scan3A_498, %mul3A_499 : i32
      %add3A_501 = arith.constant 6528 : i32
      %add3A_502 = arith.addi %add3A_501, %mul3A_500 : i32
      %add3A_503 = arith.constant 0 : i32
      %add3A_504 = arith.addi %add3A_502, %add3A_503 : i32
      %get3A = arith.index_cast %add3A_504 : i32 to index
      %get3A_505 = tpu.vector_load %arg6[%get3A] {strides = array<i32>} : memref<13312xi32, #tpu.memory_space<vmem>>, vector<16xi32>,
      %get3A_506 = vector.shape_cast %get3A_505 : vector<16xi32> to vector<16xi32>
      %convert_element_type3A = arith.sitofp %get3A_506 : vector<16xi32> to vector<16xf32>
      %add3A_507 = arith.constant 0 : i32
      %add3A_508 = arith.addi %add3A_502, %add3A_507 : i32
      %swap3A = arith.index_cast %add3A_508 : i32 to index
      %swap3A_509 = tpu.vector_load %arg7[%swap3A] {strides = array<i32>} : memref<13312xf32, #tpu.memory_space<vmem>>, vector<16xf32>,
      %swap3A_510 = vector.shape_cast %swap3A_509 : vector<16xf32> to vector<16xf32>
      %swap3A_511 = vector.shape_cast %convert_element_type3A : vector<16xf32> to vector<16xf32>
      tpu.vector_store %arg7[%swap3A], %swap3A_511 {strides = array<i32>} : memref<13312xf32, #tpu.memory_space<vmem>>, vector<16xf32>,
      %add3A_512 = arith.constant 16 : i32
      %add3A_513 = arith.addi %add3A_502, %add3A_512 : i32
      %get3A_514 = arith.index_cast %add3A_513 : i32 to index
      %get3A_515 = tpu.vector_load %arg6[%get3A_514] {strides = array<i32>} : memref<13312xi32, #tpu.memory_space<vmem>>, vector<16xi32>,
      %get3A_516 = vector.shape_cast %get3A_515 : vector<16xi32> to vector<16xi32>
      %convert_element_type3A_517 = arith.sitofp %get3A_516 : vector<16xi32> to vector<16xf32>
      %add3A_518 = arith.constant 16 : i32
      %add3A_519 = arith.addi %add3A_502, %add3A_518 : i32
      %swap3A_520 = arith.index_cast %add3A_519 : i32 to index
      %swap3A_521 = tpu.vector_load %arg7[%swap3A_520] {strides = array<i32>} : memref<13312xf32, #tpu.memory_space<vmem>>, vector<16xf32>,
      %swap3A_522 = vector.shape_cast %swap3A_521 : vector<16xf32> to vector<16xf32>
      %swap3A_523 = vector.shape_cast %convert_element_type3A_517 : vector<16xf32> to vector<16xf32>
      tpu.vector_store %arg7[%swap3A_520], %swap3A_523 {strides = array<i32>} : memref<13312xf32, #tpu.memory_space<vmem>>, vector<16xf32>,
      %add3A_524 = arith.constant 32 : i32
      %add3A_525 = arith.addi %add3A_502, %add3A_524 : i32
      %get3A_526 = arith.index_cast %add3A_525 : i32 to index
      %get3A_527 = tpu.vector_load %arg6[%get3A_526] {strides = array<i32>} : memref<13312xi32, #tpu.memory_space<vmem>>, vector<16xi32>,
      %get3A_528 = vector.shape_cast %get3A_527 : vector<16xi32> to vector<16xi32>
      %convert_element_type3A_529 = arith.sitofp %get3A_528 : vector<16xi32> to vector<16xf32>
      %add3A_530 = arith.constant 32 : i32
      %add3A_531 = arith.addi %add3A_502, %add3A_530 : i32
      %swap3A_532 = arith.index_cast %add3A_531 : i32 to index
      %swap3A_533 = tpu.vector_load %arg7[%swap3A_532] {strides = array<i32>} : memref<13312xf32, #tpu.memory_space<vmem>>, vector<16xf32>,
      %swap3A_534 = vector.shape_cast %swap3A_533 : vector<16xf32> to vector<16xf32>
      %swap3A_535 = vector.shape_cast %convert_element_type3A_529 : vector<16xf32> to vector<16xf32>
      tpu.vector_store %arg7[%swap3A_532], %swap3A_535 {strides = array<i32>} : memref<13312xf32, #tpu.memory_space<vmem>>, vector<16xf32>,
      %add3A_536 = arith.constant 48 : i32
      %add3A_537 = arith.addi %add3A_502, %add3A_536 : i32
      %get3A_538 = arith.index_cast %add3A_537 : i32 to index
      %get3A_539 = tpu.vector_load %arg6[%get3A_538] {strides = array<i32>} : memref<13312xi32, #tpu.memory_space<vmem>>, vector<16xi32>,
      %get3A_540 = vector.shape_cast %get3A_539 : vector<16xi32> to vector<16xi32>
      %convert_element_type3A_541 = arith.sitofp %get3A_540 : vector<16xi32> to vector<16xf32>
      %add3A_542 = arith.constant 48 : i32
      %add3A_543 = arith.addi %add3A_502, %add3A_542 : i32
      %swap3A_544 = arith.index_cast %add3A_543 : i32 to index
      %swap3A_545 = tpu.vector_load %arg7[%swap3A_544] {strides = array<i32>} : memref<13312xf32, #tpu.memory_space<vmem>>, vector<16xf32>,
      %swap3A_546 = vector.shape_cast %swap3A_545 : vector<16xf32> to vector<16xf32>
      %swap3A_547 = vector.shape_cast %convert_element_type3A_541 : vector<16xf32> to vector<16xf32>
      tpu.vector_store %arg7[%swap3A_544], %swap3A_547 {strides = array<i32>} : memref<13312xf32, #tpu.memory_space<vmem>>, vector<16xf32>,
    }
    %scan3A_260 = arith.constant 14 : i32
    %add3A_261 = arith.constant 6528 : i32
    %add3A_262 = arith.addi %mul3A_2, %add3A_261 : i32
    %dma_start3A_263 = arith.constant 6528 : i32
    %dma_start3A_264 = tpu.memref_slice %arg7[%dma_start3A_263] : memref<13312xf32, #tpu.memory_space<vmem>> -> memref<896xf32, #tpu.memory_space<vmem>>
    %dma_start3A_265 = tpu.memref_slice %arg4[%add3A_262] : memref<425984xf32, #tpu.memory_space<hbm>> -> memref<896xf32, #tpu.memory_space<hbm>>
    %dma_start3A_266 = tpu.memref_slice %arg4[%add3A_262] : memref<425984xf32, #tpu.memory_space<hbm>> -> memref<896xf32, #tpu.memory_space<hbm>>
    %dma_start3A_267 = arith.constant 6528 : i32
    %dma_start3A_268 = tpu.memref_slice %arg7[%dma_start3A_267] : memref<13312xf32, #tpu.memory_space<vmem>> -> memref<896xf32, #tpu.memory_space<vmem>>
    tpu.enqueue_dma source(%dma_start3A_268 : memref<896xf32, #tpu.memory_space<vmem>>) target(%dma_start3A_266 : memref<896xf32, #tpu.memory_space<hbm>>) target_semaphore(%arg24 : memref<!tpu.dma_semaphore, #tpu.memory_space<semaphore_mem>>)
    %dma_wait3A_269 = arith.constant 7424 : i32
    %dma_wait3A_270 = tpu.memref_slice %arg6[%dma_wait3A_269] : memref<13312xi32, #tpu.memory_space<vmem>> -> memref<896xi32, #tpu.memory_space<vmem>>
    %dma_wait3A_271 = arith.constant 7424 : i32
    %dma_wait3A_272 = tpu.memref_slice %arg5[%dma_wait3A_271] : memref<13312xi32, #tpu.memory_space<vmem>> -> memref<896xi32, #tpu.memory_space<vmem>>
    %dma_wait3A_273 = arith.constant 0 : i32
    %dma_wait3A_274 = tpu.memref_slice %arg3[%dma_wait3A_273] : memref<1000000xi32, #tpu.memory_space<hbm>> -> memref<1000000xi32, #tpu.memory_space<hbm>>
    tpu.wait_indirect_dma semaphore(%arg17 : memref<!tpu.dma_semaphore, #tpu.memory_space<semaphore_mem>>) src(%dma_wait3A_274 : memref<1000000xi32, #tpu.memory_space<hbm>>) dst(%dma_wait3A_270 : memref<896xi32, #tpu.memory_space<vmem>>)
    %scan3A_275 = arith.constant 0 : i32
    %scan3A_276 = arith.constant 14 : i32
    %scan3A_277 = arith.addi %scan3A_275, %scan3A_276 : i32
    %scan3A_278 = arith.constant 1 : i32
    scf.for %scan3A_498 = %scan3A_275 to %scan3A_277 step %scan3A_278  : i32 {
      %mul3A_499 = arith.constant 64 : i32
      %mul3A_500 = arith.muli %scan3A_498, %mul3A_499 : i32
      %add3A_501 = arith.constant 7424 : i32
      %add3A_502 = arith.addi %add3A_501, %mul3A_500 : i32
      %add3A_503 = arith.constant 0 : i32
      %add3A_504 = arith.addi %add3A_502, %add3A_503 : i32
      %get3A = arith.index_cast %add3A_504 : i32 to index
      %get3A_505 = tpu.vector_load %arg6[%get3A] {strides = array<i32>} : memref<13312xi32, #tpu.memory_space<vmem>>, vector<16xi32>,
      %get3A_506 = vector.shape_cast %get3A_505 : vector<16xi32> to vector<16xi32>
      %convert_element_type3A = arith.sitofp %get3A_506 : vector<16xi32> to vector<16xf32>
      %add3A_507 = arith.constant 0 : i32
      %add3A_508 = arith.addi %add3A_502, %add3A_507 : i32
      %swap3A = arith.index_cast %add3A_508 : i32 to index
      %swap3A_509 = tpu.vector_load %arg7[%swap3A] {strides = array<i32>} : memref<13312xf32, #tpu.memory_space<vmem>>, vector<16xf32>,
      %swap3A_510 = vector.shape_cast %swap3A_509 : vector<16xf32> to vector<16xf32>
      %swap3A_511 = vector.shape_cast %convert_element_type3A : vector<16xf32> to vector<16xf32>
      tpu.vector_store %arg7[%swap3A], %swap3A_511 {strides = array<i32>} : memref<13312xf32, #tpu.memory_space<vmem>>, vector<16xf32>,
      %add3A_512 = arith.constant 16 : i32
      %add3A_513 = arith.addi %add3A_502, %add3A_512 : i32
      %get3A_514 = arith.index_cast %add3A_513 : i32 to index
      %get3A_515 = tpu.vector_load %arg6[%get3A_514] {strides = array<i32>} : memref<13312xi32, #tpu.memory_space<vmem>>, vector<16xi32>,
      %get3A_516 = vector.shape_cast %get3A_515 : vector<16xi32> to vector<16xi32>
      %convert_element_type3A_517 = arith.sitofp %get3A_516 : vector<16xi32> to vector<16xf32>
      %add3A_518 = arith.constant 16 : i32
      %add3A_519 = arith.addi %add3A_502, %add3A_518 : i32
      %swap3A_520 = arith.index_cast %add3A_519 : i32 to index
      %swap3A_521 = tpu.vector_load %arg7[%swap3A_520] {strides = array<i32>} : memref<13312xf32, #tpu.memory_space<vmem>>, vector<16xf32>,
      %swap3A_522 = vector.shape_cast %swap3A_521 : vector<16xf32> to vector<16xf32>
      %swap3A_523 = vector.shape_cast %convert_element_type3A_517 : vector<16xf32> to vector<16xf32>
      tpu.vector_store %arg7[%swap3A_520], %swap3A_523 {strides = array<i32>} : memref<13312xf32, #tpu.memory_space<vmem>>, vector<16xf32>,
      %add3A_524 = arith.constant 32 : i32
      %add3A_525 = arith.addi %add3A_502, %add3A_524 : i32
      %get3A_526 = arith.index_cast %add3A_525 : i32 to index
      %get3A_527 = tpu.vector_load %arg6[%get3A_526] {strides = array<i32>} : memref<13312xi32, #tpu.memory_space<vmem>>, vector<16xi32>,
      %get3A_528 = vector.shape_cast %get3A_527 : vector<16xi32> to vector<16xi32>
      %convert_element_type3A_529 = arith.sitofp %get3A_528 : vector<16xi32> to vector<16xf32>
      %add3A_530 = arith.constant 32 : i32
      %add3A_531 = arith.addi %add3A_502, %add3A_530 : i32
      %swap3A_532 = arith.index_cast %add3A_531 : i32 to index
      %swap3A_533 = tpu.vector_load %arg7[%swap3A_532] {strides = array<i32>} : memref<13312xf32, #tpu.memory_space<vmem>>, vector<16xf32>,
      %swap3A_534 = vector.shape_cast %swap3A_533 : vector<16xf32> to vector<16xf32>
      %swap3A_535 = vector.shape_cast %convert_element_type3A_529 : vector<16xf32> to vector<16xf32>
      tpu.vector_store %arg7[%swap3A_532], %swap3A_535 {strides = array<i32>} : memref<13312xf32, #tpu.memory_space<vmem>>, vector<16xf32>,
      %add3A_536 = arith.constant 48 : i32
      %add3A_537 = arith.addi %add3A_502, %add3A_536 : i32
      %get3A_538 = arith.index_cast %add3A_537 : i32 to index
      %get3A_539 = tpu.vector_load %arg6[%get3A_538] {strides = array<i32>} : memref<13312xi32, #tpu.memory_space<vmem>>, vector<16xi32>,
      %get3A_540 = vector.shape_cast %get3A_539 : vector<16xi32> to vector<16xi32>
      %convert_element_type3A_541 = arith.sitofp %get3A_540 : vector<16xi32> to vector<16xf32>
      %add3A_542 = arith.constant 48 : i32
      %add3A_543 = arith.addi %add3A_502, %add3A_542 : i32
      %swap3A_544 = arith.index_cast %add3A_543 : i32 to index
      %swap3A_545 = tpu.vector_load %arg7[%swap3A_544] {strides = array<i32>} : memref<13312xf32, #tpu.memory_space<vmem>>, vector<16xf32>,
      %swap3A_546 = vector.shape_cast %swap3A_545 : vector<16xf32> to vector<16xf32>
      %swap3A_547 = vector.shape_cast %convert_element_type3A_541 : vector<16xf32> to vector<16xf32>
      tpu.vector_store %arg7[%swap3A_544], %swap3A_547 {strides = array<i32>} : memref<13312xf32, #tpu.memory_space<vmem>>, vector<16xf32>,
    }
    %scan3A_279 = arith.constant 14 : i32
    %add3A_280 = arith.constant 7424 : i32
    %add3A_281 = arith.addi %mul3A_2, %add3A_280 : i32
    %dma_start3A_282 = arith.constant 7424 : i32
    %dma_start3A_283 = tpu.memref_slice %arg7[%dma_start3A_282] : memref<13312xf32, #tpu.memory_space<vmem>> -> memref<896xf32, #tpu.memory_space<vmem>>
    %dma_start3A_284 = tpu.memref_slice %arg4[%add3A_281] : memref<425984xf32, #tpu.memory_space<hbm>> -> memref<896xf32, #tpu.memory_space<hbm>>
    %dma_start3A_285 = tpu.memref_slice %arg4[%add3A_281] : memref<425984xf32, #tpu.memory_space<hbm>> -> memref<896xf32, #tpu.memory_space<hbm>>
    %dma_start3A_286 = arith.constant 7424 : i32
    %dma_start3A_287 = tpu.memref_slice %arg7[%dma_start3A_286] : memref<13312xf32, #tpu.memory_space<vmem>> -> memref<896xf32, #tpu.memory_space<vmem>>
    tpu.enqueue_dma source(%dma_start3A_287 : memref<896xf32, #tpu.memory_space<vmem>>) target(%dma_start3A_285 : memref<896xf32, #tpu.memory_space<hbm>>) target_semaphore(%arg24 : memref<!tpu.dma_semaphore, #tpu.memory_space<semaphore_mem>>)
    %dma_wait3A_288 = arith.constant 8320 : i32
    %dma_wait3A_289 = tpu.memref_slice %arg6[%dma_wait3A_288] : memref<13312xi32, #tpu.memory_space<vmem>> -> memref<896xi32, #tpu.memory_space<vmem>>
    %dma_wait3A_290 = arith.constant 8320 : i32
    %dma_wait3A_291 = tpu.memref_slice %arg5[%dma_wait3A_290] : memref<13312xi32, #tpu.memory_space<vmem>> -> memref<896xi32, #tpu.memory_space<vmem>>
    %dma_wait3A_292 = arith.constant 0 : i32
    %dma_wait3A_293 = tpu.memref_slice %arg3[%dma_wait3A_292] : memref<1000000xi32, #tpu.memory_space<hbm>> -> memref<1000000xi32, #tpu.memory_space<hbm>>
    tpu.wait_indirect_dma semaphore(%arg18 : memref<!tpu.dma_semaphore, #tpu.memory_space<semaphore_mem>>) src(%dma_wait3A_293 : memref<1000000xi32, #tpu.memory_space<hbm>>) dst(%dma_wait3A_289 : memref<896xi32, #tpu.memory_space<vmem>>)
    %scan3A_294 = arith.constant 0 : i32
    %scan3A_295 = arith.constant 14 : i32
    %scan3A_296 = arith.addi %scan3A_294, %scan3A_295 : i32
    %scan3A_297 = arith.constant 1 : i32
    scf.for %scan3A_498 = %scan3A_294 to %scan3A_296 step %scan3A_297  : i32 {
      %mul3A_499 = arith.constant 64 : i32
      %mul3A_500 = arith.muli %scan3A_498, %mul3A_499 : i32
      %add3A_501 = arith.constant 8320 : i32
      %add3A_502 = arith.addi %add3A_501, %mul3A_500 : i32
      %add3A_503 = arith.constant 0 : i32
      %add3A_504 = arith.addi %add3A_502, %add3A_503 : i32
      %get3A = arith.index_cast %add3A_504 : i32 to index
      %get3A_505 = tpu.vector_load %arg6[%get3A] {strides = array<i32>} : memref<13312xi32, #tpu.memory_space<vmem>>, vector<16xi32>,
      %get3A_506 = vector.shape_cast %get3A_505 : vector<16xi32> to vector<16xi32>
      %convert_element_type3A = arith.sitofp %get3A_506 : vector<16xi32> to vector<16xf32>
      %add3A_507 = arith.constant 0 : i32
      %add3A_508 = arith.addi %add3A_502, %add3A_507 : i32
      %swap3A = arith.index_cast %add3A_508 : i32 to index
      %swap3A_509 = tpu.vector_load %arg7[%swap3A] {strides = array<i32>} : memref<13312xf32, #tpu.memory_space<vmem>>, vector<16xf32>,
      %swap3A_510 = vector.shape_cast %swap3A_509 : vector<16xf32> to vector<16xf32>
      %swap3A_511 = vector.shape_cast %convert_element_type3A : vector<16xf32> to vector<16xf32>
      tpu.vector_store %arg7[%swap3A], %swap3A_511 {strides = array<i32>} : memref<13312xf32, #tpu.memory_space<vmem>>, vector<16xf32>,
      %add3A_512 = arith.constant 16 : i32
      %add3A_513 = arith.addi %add3A_502, %add3A_512 : i32
      %get3A_514 = arith.index_cast %add3A_513 : i32 to index
      %get3A_515 = tpu.vector_load %arg6[%get3A_514] {strides = array<i32>} : memref<13312xi32, #tpu.memory_space<vmem>>, vector<16xi32>,
      %get3A_516 = vector.shape_cast %get3A_515 : vector<16xi32> to vector<16xi32>
      %convert_element_type3A_517 = arith.sitofp %get3A_516 : vector<16xi32> to vector<16xf32>
      %add3A_518 = arith.constant 16 : i32
      %add3A_519 = arith.addi %add3A_502, %add3A_518 : i32
      %swap3A_520 = arith.index_cast %add3A_519 : i32 to index
      %swap3A_521 = tpu.vector_load %arg7[%swap3A_520] {strides = array<i32>} : memref<13312xf32, #tpu.memory_space<vmem>>, vector<16xf32>,
      %swap3A_522 = vector.shape_cast %swap3A_521 : vector<16xf32> to vector<16xf32>
      %swap3A_523 = vector.shape_cast %convert_element_type3A_517 : vector<16xf32> to vector<16xf32>
      tpu.vector_store %arg7[%swap3A_520], %swap3A_523 {strides = array<i32>} : memref<13312xf32, #tpu.memory_space<vmem>>, vector<16xf32>,
      %add3A_524 = arith.constant 32 : i32
      %add3A_525 = arith.addi %add3A_502, %add3A_524 : i32
      %get3A_526 = arith.index_cast %add3A_525 : i32 to index
      %get3A_527 = tpu.vector_load %arg6[%get3A_526] {strides = array<i32>} : memref<13312xi32, #tpu.memory_space<vmem>>, vector<16xi32>,
      %get3A_528 = vector.shape_cast %get3A_527 : vector<16xi32> to vector<16xi32>
      %convert_element_type3A_529 = arith.sitofp %get3A_528 : vector<16xi32> to vector<16xf32>
      %add3A_530 = arith.constant 32 : i32
      %add3A_531 = arith.addi %add3A_502, %add3A_530 : i32
      %swap3A_532 = arith.index_cast %add3A_531 : i32 to index
      %swap3A_533 = tpu.vector_load %arg7[%swap3A_532] {strides = array<i32>} : memref<13312xf32, #tpu.memory_space<vmem>>, vector<16xf32>,
      %swap3A_534 = vector.shape_cast %swap3A_533 : vector<16xf32> to vector<16xf32>
      %swap3A_535 = vector.shape_cast %convert_element_type3A_529 : vector<16xf32> to vector<16xf32>
      tpu.vector_store %arg7[%swap3A_532], %swap3A_535 {strides = array<i32>} : memref<13312xf32, #tpu.memory_space<vmem>>, vector<16xf32>,
      %add3A_536 = arith.constant 48 : i32
      %add3A_537 = arith.addi %add3A_502, %add3A_536 : i32
      %get3A_538 = arith.index_cast %add3A_537 : i32 to index
      %get3A_539 = tpu.vector_load %arg6[%get3A_538] {strides = array<i32>} : memref<13312xi32, #tpu.memory_space<vmem>>, vector<16xi32>,
      %get3A_540 = vector.shape_cast %get3A_539 : vector<16xi32> to vector<16xi32>
      %convert_element_type3A_541 = arith.sitofp %get3A_540 : vector<16xi32> to vector<16xf32>
      %add3A_542 = arith.constant 48 : i32
      %add3A_543 = arith.addi %add3A_502, %add3A_542 : i32
      %swap3A_544 = arith.index_cast %add3A_543 : i32 to index
      %swap3A_545 = tpu.vector_load %arg7[%swap3A_544] {strides = array<i32>} : memref<13312xf32, #tpu.memory_space<vmem>>, vector<16xf32>,
      %swap3A_546 = vector.shape_cast %swap3A_545 : vector<16xf32> to vector<16xf32>
      %swap3A_547 = vector.shape_cast %convert_element_type3A_541 : vector<16xf32> to vector<16xf32>
      tpu.vector_store %arg7[%swap3A_544], %swap3A_547 {strides = array<i32>} : memref<13312xf32, #tpu.memory_space<vmem>>, vector<16xf32>,
    }
    %scan3A_298 = arith.constant 14 : i32
    %add3A_299 = arith.constant 8320 : i32
    %add3A_300 = arith.addi %mul3A_2, %add3A_299 : i32
    %dma_start3A_301 = arith.constant 8320 : i32
    %dma_start3A_302 = tpu.memref_slice %arg7[%dma_start3A_301] : memref<13312xf32, #tpu.memory_space<vmem>> -> memref<896xf32, #tpu.memory_space<vmem>>
    %dma_start3A_303 = tpu.memref_slice %arg4[%add3A_300] : memref<425984xf32, #tpu.memory_space<hbm>> -> memref<896xf32, #tpu.memory_space<hbm>>
    %dma_start3A_304 = tpu.memref_slice %arg4[%add3A_300] : memref<425984xf32, #tpu.memory_space<hbm>> -> memref<896xf32, #tpu.memory_space<hbm>>
    %dma_start3A_305 = arith.constant 8320 : i32
    %dma_start3A_306 = tpu.memref_slice %arg7[%dma_start3A_305] : memref<13312xf32, #tpu.memory_space<vmem>> -> memref<896xf32, #tpu.memory_space<vmem>>
    tpu.enqueue_dma source(%dma_start3A_306 : memref<896xf32, #tpu.memory_space<vmem>>) target(%dma_start3A_304 : memref<896xf32, #tpu.memory_space<hbm>>) target_semaphore(%arg24 : memref<!tpu.dma_semaphore, #tpu.memory_space<semaphore_mem>>)
    %dma_wait3A_307 = arith.constant 9216 : i32
    %dma_wait3A_308 = tpu.memref_slice %arg6[%dma_wait3A_307] : memref<13312xi32, #tpu.memory_space<vmem>> -> memref<896xi32, #tpu.memory_space<vmem>>
    %dma_wait3A_309 = arith.constant 9216 : i32
    %dma_wait3A_310 = tpu.memref_slice %arg5[%dma_wait3A_309] : memref<13312xi32, #tpu.memory_space<vmem>> -> memref<896xi32, #tpu.memory_space<vmem>>
    %dma_wait3A_311 = arith.constant 0 : i32
    %dma_wait3A_312 = tpu.memref_slice %arg3[%dma_wait3A_311] : memref<1000000xi32, #tpu.memory_space<hbm>> -> memref<1000000xi32, #tpu.memory_space<hbm>>
    tpu.wait_indirect_dma semaphore(%arg19 : memref<!tpu.dma_semaphore, #tpu.memory_space<semaphore_mem>>) src(%dma_wait3A_312 : memref<1000000xi32, #tpu.memory_space<hbm>>) dst(%dma_wait3A_308 : memref<896xi32, #tpu.memory_space<vmem>>)
    %scan3A_313 = arith.constant 0 : i32
    %scan3A_314 = arith.constant 14 : i32
    %scan3A_315 = arith.addi %scan3A_313, %scan3A_314 : i32
    %scan3A_316 = arith.constant 1 : i32
    scf.for %scan3A_498 = %scan3A_313 to %scan3A_315 step %scan3A_316  : i32 {
      %mul3A_499 = arith.constant 64 : i32
      %mul3A_500 = arith.muli %scan3A_498, %mul3A_499 : i32
      %add3A_501 = arith.constant 9216 : i32
      %add3A_502 = arith.addi %add3A_501, %mul3A_500 : i32
      %add3A_503 = arith.constant 0 : i32
      %add3A_504 = arith.addi %add3A_502, %add3A_503 : i32
      %get3A = arith.index_cast %add3A_504 : i32 to index
      %get3A_505 = tpu.vector_load %arg6[%get3A] {strides = array<i32>} : memref<13312xi32, #tpu.memory_space<vmem>>, vector<16xi32>,
      %get3A_506 = vector.shape_cast %get3A_505 : vector<16xi32> to vector<16xi32>
      %convert_element_type3A = arith.sitofp %get3A_506 : vector<16xi32> to vector<16xf32>
      %add3A_507 = arith.constant 0 : i32
      %add3A_508 = arith.addi %add3A_502, %add3A_507 : i32
      %swap3A = arith.index_cast %add3A_508 : i32 to index
      %swap3A_509 = tpu.vector_load %arg7[%swap3A] {strides = array<i32>} : memref<13312xf32, #tpu.memory_space<vmem>>, vector<16xf32>,
      %swap3A_510 = vector.shape_cast %swap3A_509 : vector<16xf32> to vector<16xf32>
      %swap3A_511 = vector.shape_cast %convert_element_type3A : vector<16xf32> to vector<16xf32>
      tpu.vector_store %arg7[%swap3A], %swap3A_511 {strides = array<i32>} : memref<13312xf32, #tpu.memory_space<vmem>>, vector<16xf32>,
      %add3A_512 = arith.constant 16 : i32
      %add3A_513 = arith.addi %add3A_502, %add3A_512 : i32
      %get3A_514 = arith.index_cast %add3A_513 : i32 to index
      %get3A_515 = tpu.vector_load %arg6[%get3A_514] {strides = array<i32>} : memref<13312xi32, #tpu.memory_space<vmem>>, vector<16xi32>,
      %get3A_516 = vector.shape_cast %get3A_515 : vector<16xi32> to vector<16xi32>
      %convert_element_type3A_517 = arith.sitofp %get3A_516 : vector<16xi32> to vector<16xf32>
      %add3A_518 = arith.constant 16 : i32
      %add3A_519 = arith.addi %add3A_502, %add3A_518 : i32
      %swap3A_520 = arith.index_cast %add3A_519 : i32 to index
      %swap3A_521 = tpu.vector_load %arg7[%swap3A_520] {strides = array<i32>} : memref<13312xf32, #tpu.memory_space<vmem>>, vector<16xf32>,
      %swap3A_522 = vector.shape_cast %swap3A_521 : vector<16xf32> to vector<16xf32>
      %swap3A_523 = vector.shape_cast %convert_element_type3A_517 : vector<16xf32> to vector<16xf32>
      tpu.vector_store %arg7[%swap3A_520], %swap3A_523 {strides = array<i32>} : memref<13312xf32, #tpu.memory_space<vmem>>, vector<16xf32>,
      %add3A_524 = arith.constant 32 : i32
      %add3A_525 = arith.addi %add3A_502, %add3A_524 : i32
      %get3A_526 = arith.index_cast %add3A_525 : i32 to index
      %get3A_527 = tpu.vector_load %arg6[%get3A_526] {strides = array<i32>} : memref<13312xi32, #tpu.memory_space<vmem>>, vector<16xi32>,
      %get3A_528 = vector.shape_cast %get3A_527 : vector<16xi32> to vector<16xi32>
      %convert_element_type3A_529 = arith.sitofp %get3A_528 : vector<16xi32> to vector<16xf32>
      %add3A_530 = arith.constant 32 : i32
      %add3A_531 = arith.addi %add3A_502, %add3A_530 : i32
      %swap3A_532 = arith.index_cast %add3A_531 : i32 to index
      %swap3A_533 = tpu.vector_load %arg7[%swap3A_532] {strides = array<i32>} : memref<13312xf32, #tpu.memory_space<vmem>>, vector<16xf32>,
      %swap3A_534 = vector.shape_cast %swap3A_533 : vector<16xf32> to vector<16xf32>
      %swap3A_535 = vector.shape_cast %convert_element_type3A_529 : vector<16xf32> to vector<16xf32>
      tpu.vector_store %arg7[%swap3A_532], %swap3A_535 {strides = array<i32>} : memref<13312xf32, #tpu.memory_space<vmem>>, vector<16xf32>,
      %add3A_536 = arith.constant 48 : i32
      %add3A_537 = arith.addi %add3A_502, %add3A_536 : i32
      %get3A_538 = arith.index_cast %add3A_537 : i32 to index
      %get3A_539 = tpu.vector_load %arg6[%get3A_538] {strides = array<i32>} : memref<13312xi32, #tpu.memory_space<vmem>>, vector<16xi32>,
      %get3A_540 = vector.shape_cast %get3A_539 : vector<16xi32> to vector<16xi32>
      %convert_element_type3A_541 = arith.sitofp %get3A_540 : vector<16xi32> to vector<16xf32>
      %add3A_542 = arith.constant 48 : i32
      %add3A_543 = arith.addi %add3A_502, %add3A_542 : i32
      %swap3A_544 = arith.index_cast %add3A_543 : i32 to index
      %swap3A_545 = tpu.vector_load %arg7[%swap3A_544] {strides = array<i32>} : memref<13312xf32, #tpu.memory_space<vmem>>, vector<16xf32>,
      %swap3A_546 = vector.shape_cast %swap3A_545 : vector<16xf32> to vector<16xf32>
      %swap3A_547 = vector.shape_cast %convert_element_type3A_541 : vector<16xf32> to vector<16xf32>
      tpu.vector_store %arg7[%swap3A_544], %swap3A_547 {strides = array<i32>} : memref<13312xf32, #tpu.memory_space<vmem>>, vector<16xf32>,
    }
    %scan3A_317 = arith.constant 14 : i32
    %add3A_318 = arith.constant 9216 : i32
    %add3A_319 = arith.addi %mul3A_2, %add3A_318 : i32
    %dma_start3A_320 = arith.constant 9216 : i32
    %dma_start3A_321 = tpu.memref_slice %arg7[%dma_start3A_320] : memref<13312xf32, #tpu.memory_space<vmem>> -> memref<896xf32, #tpu.memory_space<vmem>>
    %dma_start3A_322 = tpu.memref_slice %arg4[%add3A_319] : memref<425984xf32, #tpu.memory_space<hbm>> -> memref<896xf32, #tpu.memory_space<hbm>>
    %dma_start3A_323 = tpu.memref_slice %arg4[%add3A_319] : memref<425984xf32, #tpu.memory_space<hbm>> -> memref<896xf32, #tpu.memory_space<hbm>>
    %dma_start3A_324 = arith.constant 9216 : i32
    %dma_start3A_325 = tpu.memref_slice %arg7[%dma_start3A_324] : memref<13312xf32, #tpu.memory_space<vmem>> -> memref<896xf32, #tpu.memory_space<vmem>>
    tpu.enqueue_dma source(%dma_start3A_325 : memref<896xf32, #tpu.memory_space<vmem>>) target(%dma_start3A_323 : memref<896xf32, #tpu.memory_space<hbm>>) target_semaphore(%arg24 : memref<!tpu.dma_semaphore, #tpu.memory_space<semaphore_mem>>)
    %dma_wait3A_326 = arith.constant 10112 : i32
    %dma_wait3A_327 = tpu.memref_slice %arg6[%dma_wait3A_326] : memref<13312xi32, #tpu.memory_space<vmem>> -> memref<896xi32, #tpu.memory_space<vmem>>
    %dma_wait3A_328 = arith.constant 10112 : i32
    %dma_wait3A_329 = tpu.memref_slice %arg5[%dma_wait3A_328] : memref<13312xi32, #tpu.memory_space<vmem>> -> memref<896xi32, #tpu.memory_space<vmem>>
    %dma_wait3A_330 = arith.constant 0 : i32
    %dma_wait3A_331 = tpu.memref_slice %arg3[%dma_wait3A_330] : memref<1000000xi32, #tpu.memory_space<hbm>> -> memref<1000000xi32, #tpu.memory_space<hbm>>
    tpu.wait_indirect_dma semaphore(%arg20 : memref<!tpu.dma_semaphore, #tpu.memory_space<semaphore_mem>>) src(%dma_wait3A_331 : memref<1000000xi32, #tpu.memory_space<hbm>>) dst(%dma_wait3A_327 : memref<896xi32, #tpu.memory_space<vmem>>)
    %scan3A_332 = arith.constant 0 : i32
    %scan3A_333 = arith.constant 14 : i32
    %scan3A_334 = arith.addi %scan3A_332, %scan3A_333 : i32
    %scan3A_335 = arith.constant 1 : i32
    scf.for %scan3A_498 = %scan3A_332 to %scan3A_334 step %scan3A_335  : i32 {
      %mul3A_499 = arith.constant 64 : i32
      %mul3A_500 = arith.muli %scan3A_498, %mul3A_499 : i32
      %add3A_501 = arith.constant 10112 : i32
      %add3A_502 = arith.addi %add3A_501, %mul3A_500 : i32
      %add3A_503 = arith.constant 0 : i32
      %add3A_504 = arith.addi %add3A_502, %add3A_503 : i32
      %get3A = arith.index_cast %add3A_504 : i32 to index
      %get3A_505 = tpu.vector_load %arg6[%get3A] {strides = array<i32>} : memref<13312xi32, #tpu.memory_space<vmem>>, vector<16xi32>,
      %get3A_506 = vector.shape_cast %get3A_505 : vector<16xi32> to vector<16xi32>
      %convert_element_type3A = arith.sitofp %get3A_506 : vector<16xi32> to vector<16xf32>
      %add3A_507 = arith.constant 0 : i32
      %add3A_508 = arith.addi %add3A_502, %add3A_507 : i32
      %swap3A = arith.index_cast %add3A_508 : i32 to index
      %swap3A_509 = tpu.vector_load %arg7[%swap3A] {strides = array<i32>} : memref<13312xf32, #tpu.memory_space<vmem>>, vector<16xf32>,
      %swap3A_510 = vector.shape_cast %swap3A_509 : vector<16xf32> to vector<16xf32>
      %swap3A_511 = vector.shape_cast %convert_element_type3A : vector<16xf32> to vector<16xf32>
      tpu.vector_store %arg7[%swap3A], %swap3A_511 {strides = array<i32>} : memref<13312xf32, #tpu.memory_space<vmem>>, vector<16xf32>,
      %add3A_512 = arith.constant 16 : i32
      %add3A_513 = arith.addi %add3A_502, %add3A_512 : i32
      %get3A_514 = arith.index_cast %add3A_513 : i32 to index
      %get3A_515 = tpu.vector_load %arg6[%get3A_514] {strides = array<i32>} : memref<13312xi32, #tpu.memory_space<vmem>>, vector<16xi32>,
      %get3A_516 = vector.shape_cast %get3A_515 : vector<16xi32> to vector<16xi32>
      %convert_element_type3A_517 = arith.sitofp %get3A_516 : vector<16xi32> to vector<16xf32>
      %add3A_518 = arith.constant 16 : i32
      %add3A_519 = arith.addi %add3A_502, %add3A_518 : i32
      %swap3A_520 = arith.index_cast %add3A_519 : i32 to index
      %swap3A_521 = tpu.vector_load %arg7[%swap3A_520] {strides = array<i32>} : memref<13312xf32, #tpu.memory_space<vmem>>, vector<16xf32>,
      %swap3A_522 = vector.shape_cast %swap3A_521 : vector<16xf32> to vector<16xf32>
      %swap3A_523 = vector.shape_cast %convert_element_type3A_517 : vector<16xf32> to vector<16xf32>
      tpu.vector_store %arg7[%swap3A_520], %swap3A_523 {strides = array<i32>} : memref<13312xf32, #tpu.memory_space<vmem>>, vector<16xf32>,
      %add3A_524 = arith.constant 32 : i32
      %add3A_525 = arith.addi %add3A_502, %add3A_524 : i32
      %get3A_526 = arith.index_cast %add3A_525 : i32 to index
      %get3A_527 = tpu.vector_load %arg6[%get3A_526] {strides = array<i32>} : memref<13312xi32, #tpu.memory_space<vmem>>, vector<16xi32>,
      %get3A_528 = vector.shape_cast %get3A_527 : vector<16xi32> to vector<16xi32>
      %convert_element_type3A_529 = arith.sitofp %get3A_528 : vector<16xi32> to vector<16xf32>
      %add3A_530 = arith.constant 32 : i32
      %add3A_531 = arith.addi %add3A_502, %add3A_530 : i32
      %swap3A_532 = arith.index_cast %add3A_531 : i32 to index
      %swap3A_533 = tpu.vector_load %arg7[%swap3A_532] {strides = array<i32>} : memref<13312xf32, #tpu.memory_space<vmem>>, vector<16xf32>,
      %swap3A_534 = vector.shape_cast %swap3A_533 : vector<16xf32> to vector<16xf32>
      %swap3A_535 = vector.shape_cast %convert_element_type3A_529 : vector<16xf32> to vector<16xf32>
      tpu.vector_store %arg7[%swap3A_532], %swap3A_535 {strides = array<i32>} : memref<13312xf32, #tpu.memory_space<vmem>>, vector<16xf32>,
      %add3A_536 = arith.constant 48 : i32
      %add3A_537 = arith.addi %add3A_502, %add3A_536 : i32
      %get3A_538 = arith.index_cast %add3A_537 : i32 to index
      %get3A_539 = tpu.vector_load %arg6[%get3A_538] {strides = array<i32>} : memref<13312xi32, #tpu.memory_space<vmem>>, vector<16xi32>,
      %get3A_540 = vector.shape_cast %get3A_539 : vector<16xi32> to vector<16xi32>
      %convert_element_type3A_541 = arith.sitofp %get3A_540 : vector<16xi32> to vector<16xf32>
      %add3A_542 = arith.constant 48 : i32
      %add3A_543 = arith.addi %add3A_502, %add3A_542 : i32
      %swap3A_544 = arith.index_cast %add3A_543 : i32 to index
      %swap3A_545 = tpu.vector_load %arg7[%swap3A_544] {strides = array<i32>} : memref<13312xf32, #tpu.memory_space<vmem>>, vector<16xf32>,
      %swap3A_546 = vector.shape_cast %swap3A_545 : vector<16xf32> to vector<16xf32>
      %swap3A_547 = vector.shape_cast %convert_element_type3A_541 : vector<16xf32> to vector<16xf32>
      tpu.vector_store %arg7[%swap3A_544], %swap3A_547 {strides = array<i32>} : memref<13312xf32, #tpu.memory_space<vmem>>, vector<16xf32>,
    }
    %scan3A_336 = arith.constant 14 : i32
    %add3A_337 = arith.constant 10112 : i32
    %add3A_338 = arith.addi %mul3A_2, %add3A_337 : i32
    %dma_start3A_339 = arith.constant 10112 : i32
    %dma_start3A_340 = tpu.memref_slice %arg7[%dma_start3A_339] : memref<13312xf32, #tpu.memory_space<vmem>> -> memref<896xf32, #tpu.memory_space<vmem>>
    %dma_start3A_341 = tpu.memref_slice %arg4[%add3A_338] : memref<425984xf32, #tpu.memory_space<hbm>> -> memref<896xf32, #tpu.memory_space<hbm>>
    %dma_start3A_342 = tpu.memref_slice %arg4[%add3A_338] : memref<425984xf32, #tpu.memory_space<hbm>> -> memref<896xf32, #tpu.memory_space<hbm>>
    %dma_start3A_343 = arith.constant 10112 : i32
    %dma_start3A_344 = tpu.memref_slice %arg7[%dma_start3A_343] : memref<13312xf32, #tpu.memory_space<vmem>> -> memref<896xf32, #tpu.memory_space<vmem>>
    tpu.enqueue_dma source(%dma_start3A_344 : memref<896xf32, #tpu.memory_space<vmem>>) target(%dma_start3A_342 : memref<896xf32, #tpu.memory_space<hbm>>) target_semaphore(%arg24 : memref<!tpu.dma_semaphore, #tpu.memory_space<semaphore_mem>>)
    %dma_wait3A_345 = arith.constant 11008 : i32
    %dma_wait3A_346 = tpu.memref_slice %arg6[%dma_wait3A_345] : memref<13312xi32, #tpu.memory_space<vmem>> -> memref<896xi32, #tpu.memory_space<vmem>>
    %dma_wait3A_347 = arith.constant 11008 : i32
    %dma_wait3A_348 = tpu.memref_slice %arg5[%dma_wait3A_347] : memref<13312xi32, #tpu.memory_space<vmem>> -> memref<896xi32, #tpu.memory_space<vmem>>
    %dma_wait3A_349 = arith.constant 0 : i32
    %dma_wait3A_350 = tpu.memref_slice %arg3[%dma_wait3A_349] : memref<1000000xi32, #tpu.memory_space<hbm>> -> memref<1000000xi32, #tpu.memory_space<hbm>>
    tpu.wait_indirect_dma semaphore(%arg21 : memref<!tpu.dma_semaphore, #tpu.memory_space<semaphore_mem>>) src(%dma_wait3A_350 : memref<1000000xi32, #tpu.memory_space<hbm>>) dst(%dma_wait3A_346 : memref<896xi32, #tpu.memory_space<vmem>>)
    %scan3A_351 = arith.constant 0 : i32
    %scan3A_352 = arith.constant 14 : i32
    %scan3A_353 = arith.addi %scan3A_351, %scan3A_352 : i32
    %scan3A_354 = arith.constant 1 : i32
    scf.for %scan3A_498 = %scan3A_351 to %scan3A_353 step %scan3A_354  : i32 {
      %mul3A_499 = arith.constant 64 : i32
      %mul3A_500 = arith.muli %scan3A_498, %mul3A_499 : i32
      %add3A_501 = arith.constant 11008 : i32
      %add3A_502 = arith.addi %add3A_501, %mul3A_500 : i32
      %add3A_503 = arith.constant 0 : i32
      %add3A_504 = arith.addi %add3A_502, %add3A_503 : i32
      %get3A = arith.index_cast %add3A_504 : i32 to index
      %get3A_505 = tpu.vector_load %arg6[%get3A] {strides = array<i32>} : memref<13312xi32, #tpu.memory_space<vmem>>, vector<16xi32>,
      %get3A_506 = vector.shape_cast %get3A_505 : vector<16xi32> to vector<16xi32>
      %convert_element_type3A = arith.sitofp %get3A_506 : vector<16xi32> to vector<16xf32>
      %add3A_507 = arith.constant 0 : i32
      %add3A_508 = arith.addi %add3A_502, %add3A_507 : i32
      %swap3A = arith.index_cast %add3A_508 : i32 to index
      %swap3A_509 = tpu.vector_load %arg7[%swap3A] {strides = array<i32>} : memref<13312xf32, #tpu.memory_space<vmem>>, vector<16xf32>,
      %swap3A_510 = vector.shape_cast %swap3A_509 : vector<16xf32> to vector<16xf32>
      %swap3A_511 = vector.shape_cast %convert_element_type3A : vector<16xf32> to vector<16xf32>
      tpu.vector_store %arg7[%swap3A], %swap3A_511 {strides = array<i32>} : memref<13312xf32, #tpu.memory_space<vmem>>, vector<16xf32>,
      %add3A_512 = arith.constant 16 : i32
      %add3A_513 = arith.addi %add3A_502, %add3A_512 : i32
      %get3A_514 = arith.index_cast %add3A_513 : i32 to index
      %get3A_515 = tpu.vector_load %arg6[%get3A_514] {strides = array<i32>} : memref<13312xi32, #tpu.memory_space<vmem>>, vector<16xi32>,
      %get3A_516 = vector.shape_cast %get3A_515 : vector<16xi32> to vector<16xi32>
      %convert_element_type3A_517 = arith.sitofp %get3A_516 : vector<16xi32> to vector<16xf32>
      %add3A_518 = arith.constant 16 : i32
      %add3A_519 = arith.addi %add3A_502, %add3A_518 : i32
      %swap3A_520 = arith.index_cast %add3A_519 : i32 to index
      %swap3A_521 = tpu.vector_load %arg7[%swap3A_520] {strides = array<i32>} : memref<13312xf32, #tpu.memory_space<vmem>>, vector<16xf32>,
      %swap3A_522 = vector.shape_cast %swap3A_521 : vector<16xf32> to vector<16xf32>
      %swap3A_523 = vector.shape_cast %convert_element_type3A_517 : vector<16xf32> to vector<16xf32>
      tpu.vector_store %arg7[%swap3A_520], %swap3A_523 {strides = array<i32>} : memref<13312xf32, #tpu.memory_space<vmem>>, vector<16xf32>,
      %add3A_524 = arith.constant 32 : i32
      %add3A_525 = arith.addi %add3A_502, %add3A_524 : i32
      %get3A_526 = arith.index_cast %add3A_525 : i32 to index
      %get3A_527 = tpu.vector_load %arg6[%get3A_526] {strides = array<i32>} : memref<13312xi32, #tpu.memory_space<vmem>>, vector<16xi32>,
      %get3A_528 = vector.shape_cast %get3A_527 : vector<16xi32> to vector<16xi32>
      %convert_element_type3A_529 = arith.sitofp %get3A_528 : vector<16xi32> to vector<16xf32>
      %add3A_530 = arith.constant 32 : i32
      %add3A_531 = arith.addi %add3A_502, %add3A_530 : i32
      %swap3A_532 = arith.index_cast %add3A_531 : i32 to index
      %swap3A_533 = tpu.vector_load %arg7[%swap3A_532] {strides = array<i32>} : memref<13312xf32, #tpu.memory_space<vmem>>, vector<16xf32>,
      %swap3A_534 = vector.shape_cast %swap3A_533 : vector<16xf32> to vector<16xf32>
      %swap3A_535 = vector.shape_cast %convert_element_type3A_529 : vector<16xf32> to vector<16xf32>
      tpu.vector_store %arg7[%swap3A_532], %swap3A_535 {strides = array<i32>} : memref<13312xf32, #tpu.memory_space<vmem>>, vector<16xf32>,
      %add3A_536 = arith.constant 48 : i32
      %add3A_537 = arith.addi %add3A_502, %add3A_536 : i32
      %get3A_538 = arith.index_cast %add3A_537 : i32 to index
      %get3A_539 = tpu.vector_load %arg6[%get3A_538] {strides = array<i32>} : memref<13312xi32, #tpu.memory_space<vmem>>, vector<16xi32>,
      %get3A_540 = vector.shape_cast %get3A_539 : vector<16xi32> to vector<16xi32>
      %convert_element_type3A_541 = arith.sitofp %get3A_540 : vector<16xi32> to vector<16xf32>
      %add3A_542 = arith.constant 48 : i32
      %add3A_543 = arith.addi %add3A_502, %add3A_542 : i32
      %swap3A_544 = arith.index_cast %add3A_543 : i32 to index
      %swap3A_545 = tpu.vector_load %arg7[%swap3A_544] {strides = array<i32>} : memref<13312xf32, #tpu.memory_space<vmem>>, vector<16xf32>,
      %swap3A_546 = vector.shape_cast %swap3A_545 : vector<16xf32> to vector<16xf32>
      %swap3A_547 = vector.shape_cast %convert_element_type3A_541 : vector<16xf32> to vector<16xf32>
      tpu.vector_store %arg7[%swap3A_544], %swap3A_547 {strides = array<i32>} : memref<13312xf32, #tpu.memory_space<vmem>>, vector<16xf32>,
    }
    %scan3A_355 = arith.constant 14 : i32
    %add3A_356 = arith.constant 11008 : i32
    %add3A_357 = arith.addi %mul3A_2, %add3A_356 : i32
    %dma_start3A_358 = arith.constant 11008 : i32
    %dma_start3A_359 = tpu.memref_slice %arg7[%dma_start3A_358] : memref<13312xf32, #tpu.memory_space<vmem>> -> memref<896xf32, #tpu.memory_space<vmem>>
    %dma_start3A_360 = tpu.memref_slice %arg4[%add3A_357] : memref<425984xf32, #tpu.memory_space<hbm>> -> memref<896xf32, #tpu.memory_space<hbm>>
    %dma_start3A_361 = tpu.memref_slice %arg4[%add3A_357] : memref<425984xf32, #tpu.memory_space<hbm>> -> memref<896xf32, #tpu.memory_space<hbm>>
    %dma_start3A_362 = arith.constant 11008 : i32
    %dma_start3A_363 = tpu.memref_slice %arg7[%dma_start3A_362] : memref<13312xf32, #tpu.memory_space<vmem>> -> memref<896xf32, #tpu.memory_space<vmem>>
    tpu.enqueue_dma source(%dma_start3A_363 : memref<896xf32, #tpu.memory_space<vmem>>) target(%dma_start3A_361 : memref<896xf32, #tpu.memory_space<hbm>>) target_semaphore(%arg24 : memref<!tpu.dma_semaphore, #tpu.memory_space<semaphore_mem>>)
    %dma_wait3A_364 = arith.constant 11904 : i32
    %dma_wait3A_365 = tpu.memref_slice %arg6[%dma_wait3A_364] : memref<13312xi32, #tpu.memory_space<vmem>> -> memref<896xi32, #tpu.memory_space<vmem>>
    %dma_wait3A_366 = arith.constant 11904 : i32
    %dma_wait3A_367 = tpu.memref_slice %arg5[%dma_wait3A_366] : memref<13312xi32, #tpu.memory_space<vmem>> -> memref<896xi32, #tpu.memory_space<vmem>>
    %dma_wait3A_368 = arith.constant 0 : i32
    %dma_wait3A_369 = tpu.memref_slice %arg3[%dma_wait3A_368] : memref<1000000xi32, #tpu.memory_space<hbm>> -> memref<1000000xi32, #tpu.memory_space<hbm>>
    tpu.wait_indirect_dma semaphore(%arg22 : memref<!tpu.dma_semaphore, #tpu.memory_space<semaphore_mem>>) src(%dma_wait3A_369 : memref<1000000xi32, #tpu.memory_space<hbm>>) dst(%dma_wait3A_365 : memref<896xi32, #tpu.memory_space<vmem>>)
    %scan3A_370 = arith.constant 0 : i32
    %scan3A_371 = arith.constant 14 : i32
    %scan3A_372 = arith.addi %scan3A_370, %scan3A_371 : i32
    %scan3A_373 = arith.constant 1 : i32
    scf.for %scan3A_498 = %scan3A_370 to %scan3A_372 step %scan3A_373  : i32 {
      %mul3A_499 = arith.constant 64 : i32
      %mul3A_500 = arith.muli %scan3A_498, %mul3A_499 : i32
      %add3A_501 = arith.constant 11904 : i32
      %add3A_502 = arith.addi %add3A_501, %mul3A_500 : i32
      %add3A_503 = arith.constant 0 : i32
      %add3A_504 = arith.addi %add3A_502, %add3A_503 : i32
      %get3A = arith.index_cast %add3A_504 : i32 to index
      %get3A_505 = tpu.vector_load %arg6[%get3A] {strides = array<i32>} : memref<13312xi32, #tpu.memory_space<vmem>>, vector<16xi32>,
      %get3A_506 = vector.shape_cast %get3A_505 : vector<16xi32> to vector<16xi32>
      %convert_element_type3A = arith.sitofp %get3A_506 : vector<16xi32> to vector<16xf32>
      %add3A_507 = arith.constant 0 : i32
      %add3A_508 = arith.addi %add3A_502, %add3A_507 : i32
      %swap3A = arith.index_cast %add3A_508 : i32 to index
      %swap3A_509 = tpu.vector_load %arg7[%swap3A] {strides = array<i32>} : memref<13312xf32, #tpu.memory_space<vmem>>, vector<16xf32>,
      %swap3A_510 = vector.shape_cast %swap3A_509 : vector<16xf32> to vector<16xf32>
      %swap3A_511 = vector.shape_cast %convert_element_type3A : vector<16xf32> to vector<16xf32>
      tpu.vector_store %arg7[%swap3A], %swap3A_511 {strides = array<i32>} : memref<13312xf32, #tpu.memory_space<vmem>>, vector<16xf32>,
      %add3A_512 = arith.constant 16 : i32
      %add3A_513 = arith.addi %add3A_502, %add3A_512 : i32
      %get3A_514 = arith.index_cast %add3A_513 : i32 to index
      %get3A_515 = tpu.vector_load %arg6[%get3A_514] {strides = array<i32>} : memref<13312xi32, #tpu.memory_space<vmem>>, vector<16xi32>,
      %get3A_516 = vector.shape_cast %get3A_515 : vector<16xi32> to vector<16xi32>
      %convert_element_type3A_517 = arith.sitofp %get3A_516 : vector<16xi32> to vector<16xf32>
      %add3A_518 = arith.constant 16 : i32
      %add3A_519 = arith.addi %add3A_502, %add3A_518 : i32
      %swap3A_520 = arith.index_cast %add3A_519 : i32 to index
      %swap3A_521 = tpu.vector_load %arg7[%swap3A_520] {strides = array<i32>} : memref<13312xf32, #tpu.memory_space<vmem>>, vector<16xf32>,
      %swap3A_522 = vector.shape_cast %swap3A_521 : vector<16xf32> to vector<16xf32>
      %swap3A_523 = vector.shape_cast %convert_element_type3A_517 : vector<16xf32> to vector<16xf32>
      tpu.vector_store %arg7[%swap3A_520], %swap3A_523 {strides = array<i32>} : memref<13312xf32, #tpu.memory_space<vmem>>, vector<16xf32>,
      %add3A_524 = arith.constant 32 : i32
      %add3A_525 = arith.addi %add3A_502, %add3A_524 : i32
      %get3A_526 = arith.index_cast %add3A_525 : i32 to index
      %get3A_527 = tpu.vector_load %arg6[%get3A_526] {strides = array<i32>} : memref<13312xi32, #tpu.memory_space<vmem>>, vector<16xi32>,
      %get3A_528 = vector.shape_cast %get3A_527 : vector<16xi32> to vector<16xi32>
      %convert_element_type3A_529 = arith.sitofp %get3A_528 : vector<16xi32> to vector<16xf32>
      %add3A_530 = arith.constant 32 : i32
      %add3A_531 = arith.addi %add3A_502, %add3A_530 : i32
      %swap3A_532 = arith.index_cast %add3A_531 : i32 to index
      %swap3A_533 = tpu.vector_load %arg7[%swap3A_532] {strides = array<i32>} : memref<13312xf32, #tpu.memory_space<vmem>>, vector<16xf32>,
      %swap3A_534 = vector.shape_cast %swap3A_533 : vector<16xf32> to vector<16xf32>
      %swap3A_535 = vector.shape_cast %convert_element_type3A_529 : vector<16xf32> to vector<16xf32>
      tpu.vector_store %arg7[%swap3A_532], %swap3A_535 {strides = array<i32>} : memref<13312xf32, #tpu.memory_space<vmem>>, vector<16xf32>,
      %add3A_536 = arith.constant 48 : i32
      %add3A_537 = arith.addi %add3A_502, %add3A_536 : i32
      %get3A_538 = arith.index_cast %add3A_537 : i32 to index
      %get3A_539 = tpu.vector_load %arg6[%get3A_538] {strides = array<i32>} : memref<13312xi32, #tpu.memory_space<vmem>>, vector<16xi32>,
      %get3A_540 = vector.shape_cast %get3A_539 : vector<16xi32> to vector<16xi32>
      %convert_element_type3A_541 = arith.sitofp %get3A_540 : vector<16xi32> to vector<16xf32>
      %add3A_542 = arith.constant 48 : i32
      %add3A_543 = arith.addi %add3A_502, %add3A_542 : i32
      %swap3A_544 = arith.index_cast %add3A_543 : i32 to index
      %swap3A_545 = tpu.vector_load %arg7[%swap3A_544] {strides = array<i32>} : memref<13312xf32, #tpu.memory_space<vmem>>, vector<16xf32>,
      %swap3A_546 = vector.shape_cast %swap3A_545 : vector<16xf32> to vector<16xf32>
      %swap3A_547 = vector.shape_cast %convert_element_type3A_541 : vector<16xf32> to vector<16xf32>
      tpu.vector_store %arg7[%swap3A_544], %swap3A_547 {strides = array<i32>} : memref<13312xf32, #tpu.memory_space<vmem>>, vector<16xf32>,
    }
    %scan3A_374 = arith.constant 14 : i32
    %add3A_375 = arith.constant 11904 : i32
    %add3A_376 = arith.addi %mul3A_2, %add3A_375 : i32
    %dma_start3A_377 = arith.constant 11904 : i32
    %dma_start3A_378 = tpu.memref_slice %arg7[%dma_start3A_377] : memref<13312xf32, #tpu.memory_space<vmem>> -> memref<896xf32, #tpu.memory_space<vmem>>
    %dma_start3A_379 = tpu.memref_slice %arg4[%add3A_376] : memref<425984xf32, #tpu.memory_space<hbm>> -> memref<896xf32, #tpu.memory_space<hbm>>
    %dma_start3A_380 = tpu.memref_slice %arg4[%add3A_376] : memref<425984xf32, #tpu.memory_space<hbm>> -> memref<896xf32, #tpu.memory_space<hbm>>
    %dma_start3A_381 = arith.constant 11904 : i32
    %dma_start3A_382 = tpu.memref_slice %arg7[%dma_start3A_381] : memref<13312xf32, #tpu.memory_space<vmem>> -> memref<896xf32, #tpu.memory_space<vmem>>
    tpu.enqueue_dma source(%dma_start3A_382 : memref<896xf32, #tpu.memory_space<vmem>>) target(%dma_start3A_380 : memref<896xf32, #tpu.memory_space<hbm>>) target_semaphore(%arg24 : memref<!tpu.dma_semaphore, #tpu.memory_space<semaphore_mem>>)
    %dma_wait3A_383 = arith.constant 12800 : i32
    %dma_wait3A_384 = tpu.memref_slice %arg6[%dma_wait3A_383] : memref<13312xi32, #tpu.memory_space<vmem>> -> memref<512xi32, #tpu.memory_space<vmem>>
    %dma_wait3A_385 = arith.constant 12800 : i32
    %dma_wait3A_386 = tpu.memref_slice %arg5[%dma_wait3A_385] : memref<13312xi32, #tpu.memory_space<vmem>> -> memref<512xi32, #tpu.memory_space<vmem>>
    %dma_wait3A_387 = arith.constant 0 : i32
    %dma_wait3A_388 = tpu.memref_slice %arg3[%dma_wait3A_387] : memref<1000000xi32, #tpu.memory_space<hbm>> -> memref<1000000xi32, #tpu.memory_space<hbm>>
    tpu.wait_indirect_dma semaphore(%arg23 : memref<!tpu.dma_semaphore, #tpu.memory_space<semaphore_mem>>) src(%dma_wait3A_388 : memref<1000000xi32, #tpu.memory_space<hbm>>) dst(%dma_wait3A_384 : memref<512xi32, #tpu.memory_space<vmem>>)
    %scan3A_389 = arith.constant 0 : i32
    %scan3A_390 = arith.constant 8 : i32
    %scan3A_391 = arith.addi %scan3A_389, %scan3A_390 : i32
    %scan3A_392 = arith.constant 1 : i32
    scf.for %scan3A_498 = %scan3A_389 to %scan3A_391 step %scan3A_392  : i32 {
      %mul3A_499 = arith.constant 64 : i32
      %mul3A_500 = arith.muli %scan3A_498, %mul3A_499 : i32
      %add3A_501 = arith.constant 12800 : i32
      %add3A_502 = arith.addi %add3A_501, %mul3A_500 : i32
      %add3A_503 = arith.constant 0 : i32
      %add3A_504 = arith.addi %add3A_502, %add3A_503 : i32
      %get3A = arith.index_cast %add3A_504 : i32 to index
      %get3A_505 = tpu.vector_load %arg6[%get3A] {strides = array<i32>} : memref<13312xi32, #tpu.memory_space<vmem>>, vector<16xi32>,
      %get3A_506 = vector.shape_cast %get3A_505 : vector<16xi32> to vector<16xi32>
      %convert_element_type3A = arith.sitofp %get3A_506 : vector<16xi32> to vector<16xf32>
      %add3A_507 = arith.constant 0 : i32
      %add3A_508 = arith.addi %add3A_502, %add3A_507 : i32
      %swap3A = arith.index_cast %add3A_508 : i32 to index
      %swap3A_509 = tpu.vector_load %arg7[%swap3A] {strides = array<i32>} : memref<13312xf32, #tpu.memory_space<vmem>>, vector<16xf32>,
      %swap3A_510 = vector.shape_cast %swap3A_509 : vector<16xf32> to vector<16xf32>
      %swap3A_511 = vector.shape_cast %convert_element_type3A : vector<16xf32> to vector<16xf32>
      tpu.vector_store %arg7[%swap3A], %swap3A_511 {strides = array<i32>} : memref<13312xf32, #tpu.memory_space<vmem>>, vector<16xf32>,
      %add3A_512 = arith.constant 16 : i32
      %add3A_513 = arith.addi %add3A_502, %add3A_512 : i32
      %get3A_514 = arith.index_cast %add3A_513 : i32 to index
      %get3A_515 = tpu.vector_load %arg6[%get3A_514] {strides = array<i32>} : memref<13312xi32, #tpu.memory_space<vmem>>, vector<16xi32>,
      %get3A_516 = vector.shape_cast %get3A_515 : vector<16xi32> to vector<16xi32>
      %convert_element_type3A_517 = arith.sitofp %get3A_516 : vector<16xi32> to vector<16xf32>
      %add3A_518 = arith.constant 16 : i32
      %add3A_519 = arith.addi %add3A_502, %add3A_518 : i32
      %swap3A_520 = arith.index_cast %add3A_519 : i32 to index
      %swap3A_521 = tpu.vector_load %arg7[%swap3A_520] {strides = array<i32>} : memref<13312xf32, #tpu.memory_space<vmem>>, vector<16xf32>,
      %swap3A_522 = vector.shape_cast %swap3A_521 : vector<16xf32> to vector<16xf32>
      %swap3A_523 = vector.shape_cast %convert_element_type3A_517 : vector<16xf32> to vector<16xf32>
      tpu.vector_store %arg7[%swap3A_520], %swap3A_523 {strides = array<i32>} : memref<13312xf32, #tpu.memory_space<vmem>>, vector<16xf32>,
      %add3A_524 = arith.constant 32 : i32
      %add3A_525 = arith.addi %add3A_502, %add3A_524 : i32
      %get3A_526 = arith.index_cast %add3A_525 : i32 to index
      %get3A_527 = tpu.vector_load %arg6[%get3A_526] {strides = array<i32>} : memref<13312xi32, #tpu.memory_space<vmem>>, vector<16xi32>,
      %get3A_528 = vector.shape_cast %get3A_527 : vector<16xi32> to vector<16xi32>
      %convert_element_type3A_529 = arith.sitofp %get3A_528 : vector<16xi32> to vector<16xf32>
      %add3A_530 = arith.constant 32 : i32
      %add3A_531 = arith.addi %add3A_502, %add3A_530 : i32
      %swap3A_532 = arith.index_cast %add3A_531 : i32 to index
      %swap3A_533 = tpu.vector_load %arg7[%swap3A_532] {strides = array<i32>} : memref<13312xf32, #tpu.memory_space<vmem>>, vector<16xf32>,
      %swap3A_534 = vector.shape_cast %swap3A_533 : vector<16xf32> to vector<16xf32>
      %swap3A_535 = vector.shape_cast %convert_element_type3A_529 : vector<16xf32> to vector<16xf32>
      tpu.vector_store %arg7[%swap3A_532], %swap3A_535 {strides = array<i32>} : memref<13312xf32, #tpu.memory_space<vmem>>, vector<16xf32>,
      %add3A_536 = arith.constant 48 : i32
      %add3A_537 = arith.addi %add3A_502, %add3A_536 : i32
      %get3A_538 = arith.index_cast %add3A_537 : i32 to index
      %get3A_539 = tpu.vector_load %arg6[%get3A_538] {strides = array<i32>} : memref<13312xi32, #tpu.memory_space<vmem>>, vector<16xi32>,
      %get3A_540 = vector.shape_cast %get3A_539 : vector<16xi32> to vector<16xi32>
      %convert_element_type3A_541 = arith.sitofp %get3A_540 : vector<16xi32> to vector<16xf32>
      %add3A_542 = arith.constant 48 : i32
      %add3A_543 = arith.addi %add3A_502, %add3A_542 : i32
      %swap3A_544 = arith.index_cast %add3A_543 : i32 to index
      %swap3A_545 = tpu.vector_load %arg7[%swap3A_544] {strides = array<i32>} : memref<13312xf32, #tpu.memory_space<vmem>>, vector<16xf32>,
      %swap3A_546 = vector.shape_cast %swap3A_545 : vector<16xf32> to vector<16xf32>
      %swap3A_547 = vector.shape_cast %convert_element_type3A_541 : vector<16xf32> to vector<16xf32>
      tpu.vector_store %arg7[%swap3A_544], %swap3A_547 {strides = array<i32>} : memref<13312xf32, #tpu.memory_space<vmem>>, vector<16xf32>,
    }
    %scan3A_393 = arith.constant 8 : i32
    %add3A_394 = arith.constant 12800 : i32
    %add3A_395 = arith.addi %mul3A_2, %add3A_394 : i32
    %dma_start3A_396 = arith.constant 12800 : i32
    %dma_start3A_397 = tpu.memref_slice %arg7[%dma_start3A_396] : memref<13312xf32, #tpu.memory_space<vmem>> -> memref<512xf32, #tpu.memory_space<vmem>>
    %dma_start3A_398 = tpu.memref_slice %arg4[%add3A_395] : memref<425984xf32, #tpu.memory_space<hbm>> -> memref<512xf32, #tpu.memory_space<hbm>>
    %dma_start3A_399 = tpu.memref_slice %arg4[%add3A_395] : memref<425984xf32, #tpu.memory_space<hbm>> -> memref<512xf32, #tpu.memory_space<hbm>>
    %dma_start3A_400 = arith.constant 12800 : i32
    %dma_start3A_401 = tpu.memref_slice %arg7[%dma_start3A_400] : memref<13312xf32, #tpu.memory_space<vmem>> -> memref<512xf32, #tpu.memory_space<vmem>>
    tpu.enqueue_dma source(%dma_start3A_401 : memref<512xf32, #tpu.memory_space<vmem>>) target(%dma_start3A_399 : memref<512xf32, #tpu.memory_space<hbm>>) target_semaphore(%arg24 : memref<!tpu.dma_semaphore, #tpu.memory_space<semaphore_mem>>)
    %dma_wait3A_402 = arith.constant 0 : i32
    %dma_wait3A_403 = tpu.memref_slice %arg7[%dma_wait3A_402] : memref<13312xf32, #tpu.memory_space<vmem>> -> memref<256xf32, #tpu.memory_space<vmem>>
    %dma_wait3A_404 = tpu.memref_slice %arg4[%add3A_110] : memref<425984xf32, #tpu.memory_space<hbm>> -> memref<256xf32, #tpu.memory_space<hbm>>
    %dma_wait3A_405 = tpu.memref_slice %arg4[%add3A_110] : memref<425984xf32, #tpu.memory_space<hbm>> -> memref<256xf32, #tpu.memory_space<hbm>>
    %dma_wait3A_406 = arith.constant 0 : i32
    %dma_wait3A_407 = tpu.memref_slice %arg7[%dma_wait3A_406] : memref<13312xf32, #tpu.memory_space<vmem>> -> memref<256xf32, #tpu.memory_space<vmem>>
    tpu.wait_dma2 semaphore(%arg24 : memref<!tpu.dma_semaphore, #tpu.memory_space<semaphore_mem>>) src(%dma_wait3A_407 : memref<256xf32, #tpu.memory_space<vmem>>) dst(%dma_wait3A_405 : memref<256xf32, #tpu.memory_space<hbm>>)
    %dma_wait3A_408 = arith.constant 256 : i32
    %dma_wait3A_409 = tpu.memref_slice %arg7[%dma_wait3A_408] : memref<13312xf32, #tpu.memory_space<vmem>> -> memref<896xf32, #tpu.memory_space<vmem>>
    %dma_wait3A_410 = tpu.memref_slice %arg4[%add3A_129] : memref<425984xf32, #tpu.memory_space<hbm>> -> memref<896xf32, #tpu.memory_space<hbm>>
    %dma_wait3A_411 = tpu.memref_slice %arg4[%add3A_129] : memref<425984xf32, #tpu.memory_space<hbm>> -> memref<896xf32, #tpu.memory_space<hbm>>
    %dma_wait3A_412 = arith.constant 256 : i32
    %dma_wait3A_413 = tpu.memref_slice %arg7[%dma_wait3A_412] : memref<13312xf32, #tpu.memory_space<vmem>> -> memref<896xf32, #tpu.memory_space<vmem>>
    tpu.wait_dma2 semaphore(%arg24 : memref<!tpu.dma_semaphore, #tpu.memory_space<semaphore_mem>>) src(%dma_wait3A_413 : memref<896xf32, #tpu.memory_space<vmem>>) dst(%dma_wait3A_411 : memref<896xf32, #tpu.memory_space<hbm>>)
    %dma_wait3A_414 = arith.constant 1152 : i32
    %dma_wait3A_415 = tpu.memref_slice %arg7[%dma_wait3A_414] : memref<13312xf32, #tpu.memory_space<vmem>> -> memref<896xf32, #tpu.memory_space<vmem>>
    %dma_wait3A_416 = tpu.memref_slice %arg4[%add3A_148] : memref<425984xf32, #tpu.memory_space<hbm>> -> memref<896xf32, #tpu.memory_space<hbm>>
    %dma_wait3A_417 = tpu.memref_slice %arg4[%add3A_148] : memref<425984xf32, #tpu.memory_space<hbm>> -> memref<896xf32, #tpu.memory_space<hbm>>
    %dma_wait3A_418 = arith.constant 1152 : i32
    %dma_wait3A_419 = tpu.memref_slice %arg7[%dma_wait3A_418] : memref<13312xf32, #tpu.memory_space<vmem>> -> memref<896xf32, #tpu.memory_space<vmem>>
    tpu.wait_dma2 semaphore(%arg24 : memref<!tpu.dma_semaphore, #tpu.memory_space<semaphore_mem>>) src(%dma_wait3A_419 : memref<896xf32, #tpu.memory_space<vmem>>) dst(%dma_wait3A_417 : memref<896xf32, #tpu.memory_space<hbm>>)
    %dma_wait3A_420 = arith.constant 2048 : i32
    %dma_wait3A_421 = tpu.memref_slice %arg7[%dma_wait3A_420] : memref<13312xf32, #tpu.memory_space<vmem>> -> memref<896xf32, #tpu.memory_space<vmem>>
    %dma_wait3A_422 = tpu.memref_slice %arg4[%add3A_167] : memref<425984xf32, #tpu.memory_space<hbm>> -> memref<896xf32, #tpu.memory_space<hbm>>
    %dma_wait3A_423 = tpu.memref_slice %arg4[%add3A_167] : memref<425984xf32, #tpu.memory_space<hbm>> -> memref<896xf32, #tpu.memory_space<hbm>>
    %dma_wait3A_424 = arith.constant 2048 : i32
    %dma_wait3A_425 = tpu.memref_slice %arg7[%dma_wait3A_424] : memref<13312xf32, #tpu.memory_space<vmem>> -> memref<896xf32, #tpu.memory_space<vmem>>
    tpu.wait_dma2 semaphore(%arg24 : memref<!tpu.dma_semaphore, #tpu.memory_space<semaphore_mem>>) src(%dma_wait3A_425 : memref<896xf32, #tpu.memory_space<vmem>>) dst(%dma_wait3A_423 : memref<896xf32, #tpu.memory_space<hbm>>)
    %dma_wait3A_426 = arith.constant 2944 : i32
    %dma_wait3A_427 = tpu.memref_slice %arg7[%dma_wait3A_426] : memref<13312xf32, #tpu.memory_space<vmem>> -> memref<896xf32, #tpu.memory_space<vmem>>
    %dma_wait3A_428 = tpu.memref_slice %arg4[%add3A_186] : memref<425984xf32, #tpu.memory_space<hbm>> -> memref<896xf32, #tpu.memory_space<hbm>>
    %dma_wait3A_429 = tpu.memref_slice %arg4[%add3A_186] : memref<425984xf32, #tpu.memory_space<hbm>> -> memref<896xf32, #tpu.memory_space<hbm>>
    %dma_wait3A_430 = arith.constant 2944 : i32
    %dma_wait3A_431 = tpu.memref_slice %arg7[%dma_wait3A_430] : memref<13312xf32, #tpu.memory_space<vmem>> -> memref<896xf32, #tpu.memory_space<vmem>>
    tpu.wait_dma2 semaphore(%arg24 : memref<!tpu.dma_semaphore, #tpu.memory_space<semaphore_mem>>) src(%dma_wait3A_431 : memref<896xf32, #tpu.memory_space<vmem>>) dst(%dma_wait3A_429 : memref<896xf32, #tpu.memory_space<hbm>>)
    %dma_wait3A_432 = arith.constant 3840 : i32
    %dma_wait3A_433 = tpu.memref_slice %arg7[%dma_wait3A_432] : memref<13312xf32, #tpu.memory_space<vmem>> -> memref<896xf32, #tpu.memory_space<vmem>>
    %dma_wait3A_434 = tpu.memref_slice %arg4[%add3A_205] : memref<425984xf32, #tpu.memory_space<hbm>> -> memref<896xf32, #tpu.memory_space<hbm>>
    %dma_wait3A_435 = tpu.memref_slice %arg4[%add3A_205] : memref<425984xf32, #tpu.memory_space<hbm>> -> memref<896xf32, #tpu.memory_space<hbm>>
    %dma_wait3A_436 = arith.constant 3840 : i32
    %dma_wait3A_437 = tpu.memref_slice %arg7[%dma_wait3A_436] : memref<13312xf32, #tpu.memory_space<vmem>> -> memref<896xf32, #tpu.memory_space<vmem>>
    tpu.wait_dma2 semaphore(%arg24 : memref<!tpu.dma_semaphore, #tpu.memory_space<semaphore_mem>>) src(%dma_wait3A_437 : memref<896xf32, #tpu.memory_space<vmem>>) dst(%dma_wait3A_435 : memref<896xf32, #tpu.memory_space<hbm>>)
    %dma_wait3A_438 = arith.constant 4736 : i32
    %dma_wait3A_439 = tpu.memref_slice %arg7[%dma_wait3A_438] : memref<13312xf32, #tpu.memory_space<vmem>> -> memref<896xf32, #tpu.memory_space<vmem>>
    %dma_wait3A_440 = tpu.memref_slice %arg4[%add3A_224] : memref<425984xf32, #tpu.memory_space<hbm>> -> memref<896xf32, #tpu.memory_space<hbm>>
    %dma_wait3A_441 = tpu.memref_slice %arg4[%add3A_224] : memref<425984xf32, #tpu.memory_space<hbm>> -> memref<896xf32, #tpu.memory_space<hbm>>
    %dma_wait3A_442 = arith.constant 4736 : i32
    %dma_wait3A_443 = tpu.memref_slice %arg7[%dma_wait3A_442] : memref<13312xf32, #tpu.memory_space<vmem>> -> memref<896xf32, #tpu.memory_space<vmem>>
    tpu.wait_dma2 semaphore(%arg24 : memref<!tpu.dma_semaphore, #tpu.memory_space<semaphore_mem>>) src(%dma_wait3A_443 : memref<896xf32, #tpu.memory_space<vmem>>) dst(%dma_wait3A_441 : memref<896xf32, #tpu.memory_space<hbm>>)
    %dma_wait3A_444 = arith.constant 5632 : i32
    %dma_wait3A_445 = tpu.memref_slice %arg7[%dma_wait3A_444] : memref<13312xf32, #tpu.memory_space<vmem>> -> memref<896xf32, #tpu.memory_space<vmem>>
    %dma_wait3A_446 = tpu.memref_slice %arg4[%add3A_243] : memref<425984xf32, #tpu.memory_space<hbm>> -> memref<896xf32, #tpu.memory_space<hbm>>
    %dma_wait3A_447 = tpu.memref_slice %arg4[%add3A_243] : memref<425984xf32, #tpu.memory_space<hbm>> -> memref<896xf32, #tpu.memory_space<hbm>>
    %dma_wait3A_448 = arith.constant 5632 : i32
    %dma_wait3A_449 = tpu.memref_slice %arg7[%dma_wait3A_448] : memref<13312xf32, #tpu.memory_space<vmem>> -> memref<896xf32, #tpu.memory_space<vmem>>
    tpu.wait_dma2 semaphore(%arg24 : memref<!tpu.dma_semaphore, #tpu.memory_space<semaphore_mem>>) src(%dma_wait3A_449 : memref<896xf32, #tpu.memory_space<vmem>>) dst(%dma_wait3A_447 : memref<896xf32, #tpu.memory_space<hbm>>)
    %dma_wait3A_450 = arith.constant 6528 : i32
    %dma_wait3A_451 = tpu.memref_slice %arg7[%dma_wait3A_450] : memref<13312xf32, #tpu.memory_space<vmem>> -> memref<896xf32, #tpu.memory_space<vmem>>
    %dma_wait3A_452 = tpu.memref_slice %arg4[%add3A_262] : memref<425984xf32, #tpu.memory_space<hbm>> -> memref<896xf32, #tpu.memory_space<hbm>>
    %dma_wait3A_453 = tpu.memref_slice %arg4[%add3A_262] : memref<425984xf32, #tpu.memory_space<hbm>> -> memref<896xf32, #tpu.memory_space<hbm>>
    %dma_wait3A_454 = arith.constant 6528 : i32
    %dma_wait3A_455 = tpu.memref_slice %arg7[%dma_wait3A_454] : memref<13312xf32, #tpu.memory_space<vmem>> -> memref<896xf32, #tpu.memory_space<vmem>>
    tpu.wait_dma2 semaphore(%arg24 : memref<!tpu.dma_semaphore, #tpu.memory_space<semaphore_mem>>) src(%dma_wait3A_455 : memref<896xf32, #tpu.memory_space<vmem>>) dst(%dma_wait3A_453 : memref<896xf32, #tpu.memory_space<hbm>>)
    %dma_wait3A_456 = arith.constant 7424 : i32
    %dma_wait3A_457 = tpu.memref_slice %arg7[%dma_wait3A_456] : memref<13312xf32, #tpu.memory_space<vmem>> -> memref<896xf32, #tpu.memory_space<vmem>>
    %dma_wait3A_458 = tpu.memref_slice %arg4[%add3A_281] : memref<425984xf32, #tpu.memory_space<hbm>> -> memref<896xf32, #tpu.memory_space<hbm>>
    %dma_wait3A_459 = tpu.memref_slice %arg4[%add3A_281] : memref<425984xf32, #tpu.memory_space<hbm>> -> memref<896xf32, #tpu.memory_space<hbm>>
    %dma_wait3A_460 = arith.constant 7424 : i32
    %dma_wait3A_461 = tpu.memref_slice %arg7[%dma_wait3A_460] : memref<13312xf32, #tpu.memory_space<vmem>> -> memref<896xf32, #tpu.memory_space<vmem>>
    tpu.wait_dma2 semaphore(%arg24 : memref<!tpu.dma_semaphore, #tpu.memory_space<semaphore_mem>>) src(%dma_wait3A_461 : memref<896xf32, #tpu.memory_space<vmem>>) dst(%dma_wait3A_459 : memref<896xf32, #tpu.memory_space<hbm>>)
    %dma_wait3A_462 = arith.constant 8320 : i32
    %dma_wait3A_463 = tpu.memref_slice %arg7[%dma_wait3A_462] : memref<13312xf32, #tpu.memory_space<vmem>> -> memref<896xf32, #tpu.memory_space<vmem>>
    %dma_wait3A_464 = tpu.memref_slice %arg4[%add3A_300] : memref<425984xf32, #tpu.memory_space<hbm>> -> memref<896xf32, #tpu.memory_space<hbm>>
    %dma_wait3A_465 = tpu.memref_slice %arg4[%add3A_300] : memref<425984xf32, #tpu.memory_space<hbm>> -> memref<896xf32, #tpu.memory_space<hbm>>
    %dma_wait3A_466 = arith.constant 8320 : i32
    %dma_wait3A_467 = tpu.memref_slice %arg7[%dma_wait3A_466] : memref<13312xf32, #tpu.memory_space<vmem>> -> memref<896xf32, #tpu.memory_space<vmem>>
    tpu.wait_dma2 semaphore(%arg24 : memref<!tpu.dma_semaphore, #tpu.memory_space<semaphore_mem>>) src(%dma_wait3A_467 : memref<896xf32, #tpu.memory_space<vmem>>) dst(%dma_wait3A_465 : memref<896xf32, #tpu.memory_space<hbm>>)
    %dma_wait3A_468 = arith.constant 9216 : i32
    %dma_wait3A_469 = tpu.memref_slice %arg7[%dma_wait3A_468] : memref<13312xf32, #tpu.memory_space<vmem>> -> memref<896xf32, #tpu.memory_space<vmem>>
    %dma_wait3A_470 = tpu.memref_slice %arg4[%add3A_319] : memref<425984xf32, #tpu.memory_space<hbm>> -> memref<896xf32, #tpu.memory_space<hbm>>
    %dma_wait3A_471 = tpu.memref_slice %arg4[%add3A_319] : memref<425984xf32, #tpu.memory_space<hbm>> -> memref<896xf32, #tpu.memory_space<hbm>>
    %dma_wait3A_472 = arith.constant 9216 : i32
    %dma_wait3A_473 = tpu.memref_slice %arg7[%dma_wait3A_472] : memref<13312xf32, #tpu.memory_space<vmem>> -> memref<896xf32, #tpu.memory_space<vmem>>
    tpu.wait_dma2 semaphore(%arg24 : memref<!tpu.dma_semaphore, #tpu.memory_space<semaphore_mem>>) src(%dma_wait3A_473 : memref<896xf32, #tpu.memory_space<vmem>>) dst(%dma_wait3A_471 : memref<896xf32, #tpu.memory_space<hbm>>)
    %dma_wait3A_474 = arith.constant 10112 : i32
    %dma_wait3A_475 = tpu.memref_slice %arg7[%dma_wait3A_474] : memref<13312xf32, #tpu.memory_space<vmem>> -> memref<896xf32, #tpu.memory_space<vmem>>
    %dma_wait3A_476 = tpu.memref_slice %arg4[%add3A_338] : memref<425984xf32, #tpu.memory_space<hbm>> -> memref<896xf32, #tpu.memory_space<hbm>>
    %dma_wait3A_477 = tpu.memref_slice %arg4[%add3A_338] : memref<425984xf32, #tpu.memory_space<hbm>> -> memref<896xf32, #tpu.memory_space<hbm>>
    %dma_wait3A_478 = arith.constant 10112 : i32
    %dma_wait3A_479 = tpu.memref_slice %arg7[%dma_wait3A_478] : memref<13312xf32, #tpu.memory_space<vmem>> -> memref<896xf32, #tpu.memory_space<vmem>>
    tpu.wait_dma2 semaphore(%arg24 : memref<!tpu.dma_semaphore, #tpu.memory_space<semaphore_mem>>) src(%dma_wait3A_479 : memref<896xf32, #tpu.memory_space<vmem>>) dst(%dma_wait3A_477 : memref<896xf32, #tpu.memory_space<hbm>>)
    %dma_wait3A_480 = arith.constant 11008 : i32
    %dma_wait3A_481 = tpu.memref_slice %arg7[%dma_wait3A_480] : memref<13312xf32, #tpu.memory_space<vmem>> -> memref<896xf32, #tpu.memory_space<vmem>>
    %dma_wait3A_482 = tpu.memref_slice %arg4[%add3A_357] : memref<425984xf32, #tpu.memory_space<hbm>> -> memref<896xf32, #tpu.memory_space<hbm>>
    %dma_wait3A_483 = tpu.memref_slice %arg4[%add3A_357] : memref<425984xf32, #tpu.memory_space<hbm>> -> memref<896xf32, #tpu.memory_space<hbm>>
    %dma_wait3A_484 = arith.constant 11008 : i32
    %dma_wait3A_485 = tpu.memref_slice %arg7[%dma_wait3A_484] : memref<13312xf32, #tpu.memory_space<vmem>> -> memref<896xf32, #tpu.memory_space<vmem>>
    tpu.wait_dma2 semaphore(%arg24 : memref<!tpu.dma_semaphore, #tpu.memory_space<semaphore_mem>>) src(%dma_wait3A_485 : memref<896xf32, #tpu.memory_space<vmem>>) dst(%dma_wait3A_483 : memref<896xf32, #tpu.memory_space<hbm>>)
    %dma_wait3A_486 = arith.constant 11904 : i32
    %dma_wait3A_487 = tpu.memref_slice %arg7[%dma_wait3A_486] : memref<13312xf32, #tpu.memory_space<vmem>> -> memref<896xf32, #tpu.memory_space<vmem>>
    %dma_wait3A_488 = tpu.memref_slice %arg4[%add3A_376] : memref<425984xf32, #tpu.memory_space<hbm>> -> memref<896xf32, #tpu.memory_space<hbm>>
    %dma_wait3A_489 = tpu.memref_slice %arg4[%add3A_376] : memref<425984xf32, #tpu.memory_space<hbm>> -> memref<896xf32, #tpu.memory_space<hbm>>
    %dma_wait3A_490 = arith.constant 11904 : i32
    %dma_wait3A_491 = tpu.memref_slice %arg7[%dma_wait3A_490] : memref<13312xf32, #tpu.memory_space<vmem>> -> memref<896xf32, #tpu.memory_space<vmem>>
    tpu.wait_dma2 semaphore(%arg24 : memref<!tpu.dma_semaphore, #tpu.memory_space<semaphore_mem>>) src(%dma_wait3A_491 : memref<896xf32, #tpu.memory_space<vmem>>) dst(%dma_wait3A_489 : memref<896xf32, #tpu.memory_space<hbm>>)
    %dma_wait3A_492 = arith.constant 12800 : i32
    %dma_wait3A_493 = tpu.memref_slice %arg7[%dma_wait3A_492] : memref<13312xf32, #tpu.memory_space<vmem>> -> memref<512xf32, #tpu.memory_space<vmem>>
    %dma_wait3A_494 = tpu.memref_slice %arg4[%add3A_395] : memref<425984xf32, #tpu.memory_space<hbm>> -> memref<512xf32, #tpu.memory_space<hbm>>
    %dma_wait3A_495 = tpu.memref_slice %arg4[%add3A_395] : memref<425984xf32, #tpu.memory_space<hbm>> -> memref<512xf32, #tpu.memory_space<hbm>>
    %dma_wait3A_496 = arith.constant 12800 : i32
    %dma_wait3A_497 = tpu.memref_slice %arg7[%dma_wait3A_496] : memref<13312xf32, #tpu.memory_space<vmem>> -> memref<512xf32, #tpu.memory_space<vmem>>
    tpu.wait_dma2 semaphore(%arg24 : memref<!tpu.dma_semaphore, #tpu.memory_space<semaphore_mem>>) src(%dma_wait3A_497 : memref<512xf32, #tpu.memory_space<vmem>>) dst(%dma_wait3A_495 : memref<512xf32, #tpu.memory_space<hbm>>)
    return
  }
}

</mosaic_0001>

<sc_bundles>
// kernel: _sc_lookup.3.cloned.1.call-start
scs
__scs_entry_jumppad:
0x0: {  	(pc) =	sbr.rel $0x88, $3  }
0x1: {  	(tag) =	ssettag $0x0;
	lr =	simm.s32 $0x1  }
0x2: {  	[smem:$0x3F9F] =	sst lr;
	_ =	strace $0xD0000000  }
0x3: {  	_ = 	snop  }
0x4: {  	_ = 	snop  }
0x5: {  	_ = 	snop  }
0x6: {  	_ = 	snop  }
0x7: {  	_ = 	snop  }
__scs_overlays_trampoline_lowered:
0x8: {  	[smem:$0x3FAE] =	sst s0  }
0x9: {  	[smem:$0x3FAF] =	sst s1  }
0xa: {  	[smem:$0x3FB0] =	sst s2  }
0xb: {  	[smem:$0x3FB1] =	sst s3  }
0xc: {  	[smem:$0x3FB2] =	sst s4  }
0xd: {  	[smem:$0x3FB3] =	sst s5  }
0xe: {  	[smem:$0x3FB4] =	sst s6  }
0xf: {  	[smem:$0x3FB5] =	sst s7  }
0x10: {  	[smem:$0x3FB6] =	sst s8  }
0x11: {  	[smem:$0x3FB7] =	sst s9;
	s0 =	simm.s32 @!p0 $0x0  }
0x12: {  	s1 =	sld [smem:$0x3F9D];
	s0 =	simm.s32 @p0 $0x1  }
0x13: {  	[smem:$0x3FB8] =	sst s0;
	s0 =	simm.s32 @!p1 $0x0  }
0x14: {  	s2 =	sld [smem:$0x3F9C];
	s0 =	simm.s32 @p1 $0x1  }
0x15: {  	[smem:$0x3FB9] =	sst s0;
	s0 =	simm.s32 @!p2 $0x0  }
0x16: {  	s3 =	sld [smem:$0x3FDB];
	s0 =	simm.s32 @p2 $0x1  }
0x17: {  	s4 =	simm.s32 $0x1BF5;
	[smem:$0x3FBB] =	sst s0  }
0x18: {  	s0 =	sld [smem:$0x3F9E];
	_ =	swait.ge [sflag:s4], $0x0  }
0x19: {  	s7 =	sld [smem:$0x3F9F]  }
0x1a: {  	s8 =	sadd.s32 $0xFFFFE003, lr  }
0x1b: {  	s9 =	sadd.s32 $0xFFFFFEF7, lr;
	s5 =	simm.s32 $0xFFFFFFFF;
	p2 =	slt.u32 s8, $0xFFFFF086  }
0x1c: {  	p1 =	slt.u32 s9, $0xF7A;
	s5 =	simm.s32 @!p2 $0x0  }
0x1d: {  	s5 =	simm.s32 @p1 $0x1;
	p0 =	seq.s32 s7, s2  }
0x1e: {  	s7 =	smul.u32 @!p0 $0xF7A, s2;
	p2 =	seq.s32 @!p0 s5, $0x0  }
0x1f: {  	s9 =	smul.u32 $0xF7A, s1;
	s8 =	simm.s32 @!p0 $0x1BF5;
	p2 =	por !p2, p0  }
0x20: {  	[sflag:s8] =	ssyncset.s32 @!p0 $0xFFFFF086;
	s6 =	sadd.s32 @!p0 s3, s7;
	s7 =	simm.s32 @!p0 $0x108  }
0x21: {  	s3 =	sadd.s32 s3, s9;
	s6 =	sadd.s32 @!p0 $0x88, s6;
	s7 =	simm.s32 @p2 $0x1082  }
0x22: {  	[simem:s7], [sflag:s8] =	dma.local @!p0 [hbm:s6], $0xF7A  }
0x23: {  	s9 =	sor.u32 $0xD0000000, s2;
	s6 =	simm.s32 $0x108;
	_ =	swait.ge @!p0 [sflag:s8], $0x0  }
0x24: {  	s3 =	sadd.s32 $0x88, s3;
	s6 =	simm.s32 @!p1 $0x1082;
	[sflag:s4] =	ssyncset.s32 $0xFFFFF086  }
0x25: {  	[simem:s6], [sflag:s4] =	dma.local [hbm:s3], $0xF7A  }
0x26: {  	[smem:$0x3F9F] =	sst s1;
	(tag) =	ssettag s2;
	_ =	strace s9  }
0x27: {  	s1 =	sld [smem:$0x3FAF]  }
0x28: {  	s2 =	sld [smem:$0x3FB0]  }
0x29: {  	s4 =	sld [smem:$0x3FB2]  }
0x2a: {  	p0 =	seq.s32 s5, $0x0;
	s5 =	sld [smem:$0x3FB3]  }
0x2b: {  	s6 =	sld [smem:$0x3FB4]  }
0x2c: {  	s7 =	sld [smem:$0x3FB5]  }
0x2d: {  	s3 =	simm.s32 $0x108;
	s8 =	sld [smem:$0x3FB6]  }
0x2e: {  	s3 =	simm.s32 @!p0 $0x1082;
	s9 =	sld [smem:$0x3FB7]  }
0x2f: {  	lr =	sadd.s32 s0, s3;
	s0 =	sld [smem:$0x3FAE]  }
0x30: {  	s3 =	sld [smem:$0x3FB1]  }
0x31: {  	[smem:$0x3FBA] =	sst s10  }
0x32: {  	s10 =	sld [smem:$0x3FB8];
	_ =	sdelay $0x3  }
0x33: {  	p0 =	seq.s32 s10, $0x1;
	s10 =	sld [smem:$0x3FBA];
	_ =	sdelay $0x3  }
0x34: {  	[smem:$0x3FBA] =	sst s10  }
0x35: {  	s10 =	sld [smem:$0x3FB9];
	_ =	sdelay $0x3  }
0x36: {  	p1 =	seq.s32 s10, $0x1;
	s10 =	sld [smem:$0x3FBA];
	_ =	sdelay $0x3  }
0x37: {  	[smem:$0x3FBA] =	sst s10  }
0x38: {  	s10 =	sld [smem:$0x3FBB]  }
0x39: {  	_ = 	snop;
	(pc) =	sbr.ind lr, $3  }
0x3a: {  	_ = 	snop  }
0x3b: {  	_ = 	snop  }
0x3c: {  	p2 =	seq.s32 s10, $0x1;
	s10 =	sld [smem:$0x3FBA]  }
0x3d: {  	_ =	shalt  }
0x3e: {  	_ =	shalt  }
0x3f: {  	_ =	shalt  }
0x40: {  	_ =	shalt  }
0x41: {  	_ =	shalt  }
0x42: {  	_ =	shalt  }
0x43: {  	_ =	shalt  }
0x44: {  	_ =	shalt  }
0x45: {  	_ =	shalt  }
0x46: {  	_ =	shalt  }
0x47: {  	_ =	shalt  }
0x48: {  	_ =	shalt  }
0x49: {  	_ =	shalt  }
0x4a: {  	_ =	shalt  }
0x4b: {  	_ =	shalt  }
0x4c: {  	_ =	shalt  }
0x4d: {  	_ =	shalt  }
0x4e: {  	_ =	shalt  }
0x4f: {  	_ =	shalt  }
0x50: {  	_ =	shalt  }
0x51: {  	_ =	shalt  }
0x52: {  	_ =	shalt  }
0x53: {  	_ =	shalt  }
0x54: {  	_ =	shalt  }
0x55: {  	_ =	shalt  }
0x56: {  	_ =	shalt  }
0x57: {  	_ =	shalt  }
0x58: {  	_ =	shalt  }
0x59: {  	_ =	shalt  }
0x5a: {  	_ =	shalt  }
0x5b: {  	_ =	shalt  }
0x5c: {  	_ =	shalt  }
0x5d: {  	_ =	shalt  }
0x5e: {  	_ =	shalt  }
0x5f: {  	_ =	shalt  }
0x60: {  	_ =	shalt  }
0x61: {  	_ =	shalt  }
0x62: {  	_ =	shalt  }
0x63: {  	_ =	shalt  }
0x64: {  	_ =	shalt  }
0x65: {  	_ =	shalt  }
0x66: {  	_ =	shalt  }
0x67: {  	_ =	shalt  }
0x68: {  	_ =	shalt  }
0x69: {  	_ =	shalt  }
0x6a: {  	_ =	shalt  }
0x6b: {  	_ =	shalt  }
0x6c: {  	_ =	shalt  }
0x6d: {  	_ =	shalt  }
0x6e: {  	_ =	shalt  }
0x6f: {  	_ =	shalt  }
0x70: {  	_ =	shalt  }
0x71: {  	_ =	shalt  }
0x72: {  	_ =	shalt  }
0x73: {  	_ =	shalt  }
0x74: {  	_ =	shalt  }
0x75: {  	_ =	shalt  }
0x76: {  	_ =	shalt  }
0x77: {  	_ =	shalt  }
0x78: {  	_ =	shalt  }
0x79: {  	_ =	shalt  }
0x7a: {  	_ =	shalt  }
0x7b: {  	_ =	shalt  }
0x7c: {  	_ =	shalt  }
0x7d: {  	_ =	shalt  }
0x7e: {  	_ =	shalt  }
0x7f: {  	_ =	shalt  }
0x80: {  	_ =	shalt  }
0x81: {  	_ =	shalt  }
0x82: {  	_ =	shalt  }
0x83: {  	_ =	shalt  }
0x84: {  	_ =	shalt  }
0x85: {  	_ =	shalt  }
0x86: {  	_ =	shalt  }
0x87: {  	_ =	shalt  }
.Lfunc_end0:
.L_simem_size_0:
called_computation_lowered:
.L_overlay_start_0:
0x88: {  	s2 =	sld [smem:$0x3FD9]  }
0x89: {  	s3 =	sld [smem:$0x3FFE];
	_ =	sdelay $0x1  }
0x8a: {  	s1 =	srdreg.scid  }
0x8b: {  	s0 =	sand.u32 $0x1, s1  }
0x8c: {  	s18 =	sshll.u32 s0, $0xA;
	s2 =	sadd.s32 s3, s2  }
0x8d: {  	s2 =	sadd.s32 s2, s18  }
0x8e: {  	[smem:$0x3FC6] =	sst s2  }
0x8f: {  	_ = 	snop  }
0x90: {  	s2 =	sld [smem:$0x3FC9]  }
0x91: {  	s19 =	sld [smem:$0x3FC8]  }
0x92: {  	s4 =	sld [smem:$0x3FD0];
	(tm) =	ssettm $0x1  }
0x93: {  	s5 =	sld [smem:$0x3FFB];
	_ =	sdelay $0x3  }
0x94: {  	_ =	strace s5  }
0x95: {  	s5 =	sld [smem:$0x3FFC];
	_ =	sdelay $0x3  }
0x96: {  	_ =	strace s5  }
0x97: {  	s5 =	sld [smem:$0x3FFD];
	_ =	sdelay $0x3  }
0x98: {  	_ =	strace s5  }
0x99: {  	_ =	strace $0x8FFFFFFF  }
0x9a: {  	s20 =	sld [smem:$0x3FDB];
	_ =	sdelay $0x1  }
0x9b: {  	s6 =	simm.s32 $_scs_section_size  }
0x9c: {  	s7 =	simm.s32 $_size__tile_overlayer_lowered;
	s8 =	simm.s32 $_tile_overlayer_lowered  }
0x9d: {  	s23 =	simm.s32 $0x1BFF;
	s22 =	sshll.u32 s8, $0x1;
	s5 =	sadd.s32 s6, s20  }
0x9e: {  	s9 =	simm.s32 $0x0;
	s21 =	sshll.u32 s7, $0x1;
	s7 =	sadd.s32 s22, s5  }
0x9f: {  	[timem:s9], [sflag:s23] =	dma.local [hbm:s7], s21  }
0xa0: {  	_ =	swait.ge [sflag:s23], s21  }
0xa1: {  	s6 =	ssub.s32 $0x0, s21;
	[sflag:s23] =	ssyncset.done $0x0  }
0xa2: {  	[sflag:s23] =	ssyncadd.s32 s6;
	_ =	sdelay $0x1  }
0xa3: {  	s24 =	simm.s32 $0x1B8B  }
0xa4: {  	_ =	swait.ge [sflag:s24], $0x1  }
0xa5: {  	[sflag:s24] =	ssyncset.done $0x0  }
0xa6: {  	s25 =	simm.s32 $0x1B8E;
	[sflag:s24] =	ssyncadd.s32 $0xFFFFFFFF  }
0xa7: {  	s26 =	simm.s32 $execute0_lowered;
	[smem:$0x3FD2] =	sst s25  }
0xa8: {  	s6 =	sshll.u32 s26, $0x1;
	_ =	strace $0x80000046;
	[dreg:$0x1] =	wrdreg $0xFFFFFFFF  }
0xa9: {  	s28 =	simm.s32 $_size_execute0_lowered;
	s5 =	sadd.s32 s5, s6;
	[dreg:$0x0] =	wrdreg $0x0  }
0xaa: {  	s6 =	sshll.u32 s28, $0x1;
	[dreg:$0x2] =	wrdreg s5  }
0xab: {  	[dreg:$0x3] =	wrdreg s6  }
0xac: {  	[dreg:$0x4] =	wrdreg $0xC0  }
0xad: {  	_ =	task [dreg:s9], $0x5FFFF  }
0xae: {  	[dreg:$0x1] =	wrdreg $0xFFFFFFFF  }
0xaf: {  	[dreg:$0x0] =	wrdreg $0x60  }
0xb0: {  	[dreg:$0x2] =	wrdreg s2  }
0xb1: {  	[dreg:$0x3] =	wrdreg s19  }
0xb2: {  	[dreg:$0x4] =	wrdreg s4  }
0xb3: {  	[dreg:$0x5] =	wrdreg $0x9  }
0xb4: {  	_ =	task.clear_ibuf [dreg:s9], $0x6FFFF;
	_ =	strace $0x90000046  }
0xb5: {  	s29 =	simm.s32 $0x9;
	_ =	strace $0x80000048  }
0xb6: {  	_ =	swait.ge [sflag:s29], $0x1  }
0xb7: {  	[sflag:s29] =	ssyncadd.s32 $0xFFFFFFFF  }
0xb8: {  	_ =	strace $0x90000048  }
0xb9: {  	_ =	sfence  }
0xba: {  	s30 =	sld [smem:$0x0];
	_ =	sdelay $0x2  }
0xbb: {  	s31 =	sshll.u32 s1, $0xD;
	s1 =	sshrl.u32 s1, $0x2  }
0xbc: {  	s3 =	sand.u32 $0x4000, s31;
	s1 =	sadd.s32 s1, s30  }
0xbd: {  	s0 =	sor.u32 s3, s0;
	s1 =	sshll.u32 s1, $0x11  }
0xbe: {  	s0 =	sor.u32 s1, s0  }
0xbf: {  	s0 =	sadd.s32 $0x8F2B, s0  }
0xc0: {  	[sflag:s0] =	ssyncadd.remote.s32 $0x1  }
0xc1: {  	_ =	sfence.sel $0xFFFF  }
0xc2: {  	[dreg:$0x0] =	wrdreg $0xFFFFFFFF;
	(pc) =	sbr.abs _section_cstart, $3  }
0xc3: {  	[dreg:$0x1] =	wrdreg $0xFFFFFFFF  }
0xc4: {  	_ =	task.clear_ibuf [dreg:s9], $0x2FFFF;
	_ =	strace $0x9FFFFFFF  }
0xc5: {  	(tm) =	ssettm $0x7FFFFFFF  }
tec
execute0_lowered:
.L_overlay_start_1:
0x0: {  	(tag) =	ssettag $0x1  }
0x1: {  	s0 =	srdreg.scid;
	s2 =	stileid.u32  }
0x2: {  	s0 =	sand.u32 $0x1, s0;
	s3 =	sshll.u32 s2, $0x1  }
0x3: {  	s1 =	rddreg [dreg:$0x0];
	s3 =	sor.u32 s0, s3  }
0x4: {  	s4 =	rddreg [dreg:$0x2];
	s30 =	simm.s32 $0x1;
	s5 =	smul.u32 $0x3400, s3  }
0x5: {  	s2 =	rddreg [dreg:$0x1];
	s0 =	ssub.s32 $0x2, s0;
	s3 =	simm.s32 $0x0  }
0x6: {  	s6 =	sshrl.u32 s0, $0x1;
	[smem:$0x7FF] =	sst s3;
	s5 =	sshrl.u32 s5, $0x3  }
0x7: {  	s0 =	ssub.s32 s0, s6;
	s7 =	sor.u32 $0x20, s5;
	s13 =	sadd.s32 s1, s5  }
0x8: {  	_ =	strace $0x80000047;
	[dreg:$0x4] =	wrdreg s13;
	s1 =	sadd.s32 s1, s7  }
0x9: {  	s6 =	sadd.s32 s4, s5;
	s14 =	sadd.s32 s4, s7;
	[dreg:$0x5] =	wrdreg s1  }
0xa: {  	s29 =	simm.s32 $0x4;
	s15 =	sadd.s32 $0x90, s6;
	[dreg:$0x6] =	wrdreg s14  }
0xb: {  	s31 =	simm.s32 $0x6;
	s16 =	sadd.s32 $0x100, s6;
	[dreg:$0x7] =	wrdreg s15  }
0xc: {  	s28 =	simm.s32 $0x7;
	s17 =	sadd.s32 $0x170, s6;
	[dreg:$0x8] =	wrdreg s16  }
0xd: {  	s8 =	simm.s32 $0xB;
	s18 =	sadd.s32 $0x1E0, s6;
	[dreg:$0x9] =	wrdreg s17  }
0xe: {  	s9 =	simm.s32 $0xC;
	s19 =	sadd.s32 $0x250, s6;
	[dreg:$0xa] =	wrdreg s18  }
0xf: {  	s10 =	simm.s32 $0xD;
	s20 =	sadd.s32 $0x2C0, s6;
	[dreg:$0xb] =	wrdreg s19  }
0x10: {  	s11 =	simm.s32 $0xE;
	s21 =	sadd.s32 $0x330, s6;
	[dreg:$0xc] =	wrdreg s20  }
0x11: {  	s12 =	simm.s32 $0xF;
	s22 =	sadd.s32 $0x3A0, s6;
	[dreg:$0xd] =	wrdreg s21  }
0x12: {  	s5 =	simm.s32 $0x9;
	s23 =	sadd.s32 $0x410, s6;
	[dreg:$0xe] =	wrdreg s22  }
0x13: {  	s24 =	sadd.s32 $0x480, s6;
	s25 =	sadd.s32 $0x4F0, s6;
	[dreg:$0xf] =	wrdreg s23  }
0x14: {  	s26 =	sadd.s32 $0x560, s6;
	s4 =	simm.s32 $0x8;
	[dreg:$0x10] =	wrdreg s24  }
0x15: {  	s7 =	simm.s32 $0xA;
	s13 =	simm.s32 $0x10;
	[dreg:$0x11] =	wrdreg s25  }
0x16: {  	[dreg:$0x12] =	wrdreg s26;
	s20 =	sadd.s32 $0x5D0, s6;
	s21 =	sadd.s32 $0x640, s6  }
0x17: {  	s22 =	smax.u32 s0, $0x1;
	s23 =	simm.s32 $0x12;
	s24 =	simm.s32 $0x100  }
0x18: {  	s26 =	simm.s32 $0x380;
	s1 =	simm.s32 $0x2;
	s25 =	simm.s32 $0x3  }
0x19: {  	s0 =	simm.s32 $0x5;
	s14 =	simm.s32 $0x11;
	s15 =	simm.s32 $0x0  }
.LBB2_1:
0x1a: {  	s16 =	rddreg [dreg:$0x4]  }
0x1b: {  	[tilespmem:s3], [sflag:$0x12] =	stream.linear.gather [hbm4b:s16+s3], $0x100, $0x38;
	[tilespmem:$0x9C00] =	vst v63  }
0x1c: {  	_ =	swait.ge [sflag:s23], $0x100  }
0x1d: {  	[sflag:s23] =	ssyncset.done $0x0  }
0x1e: {  	s19 =	simm.s32 $0x3400;
	[sflag:s23] =	ssyncadd.s32 $0xFFFFFF00  }
0x1f: {  	[tilespmem:s19], [sflag:$0x1] =	stream.indirect.gather [hbm4b:s2+s24], $0x1, s3, s24, $0xb8;
	[tilespmem:$0x9C00] =	vst v63  }
0x20: {  	s17 =	rddreg [dreg:$0x5]  }
0x21: {  	[tilespmem:s24], [sflag:$0x12] =	stream.linear.gather [hbm4b:s17+s3], $0x3300, $0x38;
	[tilespmem:$0x9C00] =	vst v63  }
0x22: {  	_ =	swait.ge [sflag:s23], $0x3300  }
0x23: {  	[sflag:s23] =	ssyncset.done $0x0  }
0x24: {  	s18 =	simm.s32 $0x3500;
	[sflag:s23] =	ssyncadd.s32 $0xFFFFCD00  }
0x25: {  	[tilespmem:s18], [sflag:$0x2] =	stream.indirect.gather [hbm4b:s2+s26], $0x1, s24, s26, $0xb8;
	[tilespmem:$0x9C00] =	vst v63  }
0x26: {  	s19 =	simm.s32 $0x480;
	s17 =	simm.s32 $0x3880  }
0x27: {  	[tilespmem:s17], [sflag:$0x3] =	stream.indirect.gather [hbm4b:s2+s26], $0x1, s19, s26, $0xb8;
	[tilespmem:$0x9C00] =	vst v63  }
0x28: {  	s18 =	simm.s32 $0x800;
	s19 =	simm.s32 $0x3C00  }
0x29: {  	[tilespmem:s19], [sflag:$0x4] =	stream.indirect.gather [hbm4b:s2+s26], $0x1, s18, s26, $0xb8;
	[tilespmem:$0x9C00] =	vst v63  }
0x2a: {  	s18 =	simm.s32 $0xB80;
	s19 =	simm.s32 $0x3F80  }
0x2b: {  	[tilespmem:s19], [sflag:$0x5] =	stream.indirect.gather [hbm4b:s2+s26], $0x1, s18, s26, $0xb8;
	[tilespmem:$0x9C00] =	vst v63  }
0x2c: {  	s18 =	simm.s32 $0xF00;
	s19 =	simm.s32 $0x4300  }
0x2d: {  	[tilespmem:s19], [sflag:$0x6] =	stream.indirect.gather [hbm4b:s2+s26], $0x1, s18, s26, $0xb8;
	[tilespmem:$0x9C00] =	vst v63  }
0x2e: {  	s18 =	simm.s32 $0x1280;
	s19 =	simm.s32 $0x4680  }
0x2f: {  	[tilespmem:s19], [sflag:$0x7] =	stream.indirect.gather [hbm4b:s2+s26], $0x1, s18, s26, $0xb8;
	[tilespmem:$0x9C00] =	vst v63  }
0x30: {  	s18 =	simm.s32 $0x1600;
	s19 =	simm.s32 $0x4A00  }
0x31: {  	[tilespmem:s19], [sflag:$0x8] =	stream.indirect.gather [hbm4b:s2+s26], $0x1, s18, s26, $0xb8;
	[tilespmem:$0x9C00] =	vst v63  }
0x32: {  	s18 =	simm.s32 $0x1980;
	s19 =	simm.s32 $0x4D80  }
0x33: {  	[tilespmem:s19], [sflag:$0x9] =	stream.indirect.gather [hbm4b:s2+s26], $0x1, s18, s26, $0xb8;
	[tilespmem:$0x9C00] =	vst v63  }
0x34: {  	s18 =	simm.s32 $0x1D00;
	s19 =	simm.s32 $0x5100  }
0x35: {  	[tilespmem:s19], [sflag:$0xA] =	stream.indirect.gather [hbm4b:s2+s26], $0x1, s18, s26, $0xb8;
	[tilespmem:$0x9C00] =	vst v63  }
0x36: {  	s18 =	simm.s32 $0x2080;
	s19 =	simm.s32 $0x5480  }
0x37: {  	[tilespmem:s19], [sflag:$0xB] =	stream.indirect.gather [hbm4b:s2+s26], $0x1, s18, s26, $0xb8;
	[tilespmem:$0x9C00] =	vst v63  }
0x38: {  	s18 =	simm.s32 $0x2400;
	s19 =	simm.s32 $0x5800  }
0x39: {  	[tilespmem:s19], [sflag:$0xC] =	stream.indirect.gather [hbm4b:s2+s26], $0x1, s18, s26, $0xb8;
	[tilespmem:$0x9C00] =	vst v63  }
0x3a: {  	s18 =	simm.s32 $0x2780;
	s19 =	simm.s32 $0x5B80  }
0x3b: {  	[tilespmem:s19], [sflag:$0xD] =	stream.indirect.gather [hbm4b:s2+s26], $0x1, s18, s26, $0xb8;
	[tilespmem:$0x9C00] =	vst v63  }
0x3c: {  	s18 =	simm.s32 $0x2B00;
	s19 =	simm.s32 $0x5F00  }
0x3d: {  	[tilespmem:s19], [sflag:$0xE] =	stream.indirect.gather [hbm4b:s2+s26], $0x1, s18, s26, $0xb8;
	[tilespmem:$0x9C00] =	vst v63  }
0x3e: {  	s18 =	simm.s32 $0x2E80;
	s19 =	simm.s32 $0x6280  }
0x3f: {  	[tilespmem:s19], [sflag:$0xF] =	stream.indirect.gather [hbm4b:s2+s26], $0x1, s18, s26, $0xb8;
	[tilespmem:$0x9C00] =	vst v63  }
0x40: {  	s17 =	simm.s32 $0x200;
	s19 =	simm.s32 $0x3200;
	s18 =	simm.s32 $0x6600  }
0x41: {  	[tilespmem:s18], [sflag:$0x10] =	stream.indirect.gather [hbm4b:s2+s17], $0x1, s19, s17, $0xb8;
	[tilespmem:$0x9C00] =	vst v63  }
0x42: {  	_ =	swait.ge [sflag:s30], $0x100  }
0x43: {  	[sflag:s30] =	ssyncset.done $0x0  }
0x44: {  	[sflag:s30] =	ssyncadd.s32 $0xFFFFFF00  }
0x45: {  	v0 =	vld [tilespmem:$0x3400]  }
0x46: {  	v1 =	vld [tilespmem:$0x3410]  }
0x47: {  	v2 =	vld [tilespmem:$0x3420]  }
0x48: {  	v3 =	vld [tilespmem:$0x3430]  }
0x49: {  	v4 =	vld [tilespmem:$0x3440]  }
0x4a: {  	v5 =	vld [tilespmem:$0x3450];
	v0 =	vcvt.s32.f32 v0  }
0x4b: {  	v6 =	vld [tilespmem:$0x3460];
	v1 =	vcvt.s32.f32 v1  }
0x4c: {  	v41 =	vld [tilespmem:$0x3470];
	v40 =	vcvt.s32.f32 v2;
	[tilespmem:$0x6800] =	vst v0  }
0x4d: {  	v43 =	vld [tilespmem:$0x3480];
	v42 =	vcvt.s32.f32 v3;
	[tilespmem:$0x6810] =	vst v1  }
0x4e: {  	v45 =	vld [tilespmem:$0x3490];
	v44 =	vcvt.s32.f32 v4;
	[tilespmem:$0x6820] =	vst v40  }
0x4f: {  	v47 =	vld [tilespmem:$0x34A0];
	v46 =	vcvt.s32.f32 v5;
	[tilespmem:$0x6830] =	vst v42  }
0x50: {  	v49 =	vld [tilespmem:$0x34B0];
	v48 =	vcvt.s32.f32 v6;
	[tilespmem:$0x6840] =	vst v44  }
0x51: {  	v51 =	vld [tilespmem:$0x34C0];
	v50 =	vcvt.s32.f32 v41;
	[tilespmem:$0x6850] =	vst v46  }
0x52: {  	v53 =	vld [tilespmem:$0x34D0];
	v52 =	vcvt.s32.f32 v43;
	[tilespmem:$0x6860] =	vst v48  }
0x53: {  	v55 =	vld [tilespmem:$0x34E0];
	v54 =	vcvt.s32.f32 v45;
	[tilespmem:$0x6870] =	vst v50  }
0x54: {  	v57 =	vld [tilespmem:$0x34F0];
	v56 =	vcvt.s32.f32 v47;
	[tilespmem:$0x6880] =	vst v52  }
0x55: {  	v58 =	vcvt.s32.f32 v49;
	[tilespmem:$0x6890] =	vst v54  }
0x56: {  	v59 =	vcvt.s32.f32 v51;
	[tilespmem:$0x68A0] =	vst v56  }
0x57: {  	v60 =	vcvt.s32.f32 v53;
	[tilespmem:$0x68B0] =	vst v58  }
0x58: {  	v61 =	vcvt.s32.f32 v55;
	[tilespmem:$0x68C0] =	vst v59  }
0x59: {  	v62 =	vcvt.s32.f32 v57;
	[tilespmem:$0x68D0] =	vst v60  }
0x5a: {  	[tilespmem:$0x68E0] =	vst v61  }
0x5b: {  	s17 =	simm.s32 $0x6800;
	[tilespmem:$0x68F0] =	vst v62  }
0x5c: {  	[hbm4b:s6+s3] =	stream.linear.scatter [tilespmem:s17], [sflag:$0x11], $0x100, $0x38;
	[tilespmem:$0x9C00] =	vst v63  }
0x5d: {  	_ =	swait.ge [sflag:s1], $0x380  }
0x5e: {  	[sflag:s1] =	ssyncset.done $0x0  }
0x5f: {  	s18 =	sand.u32 $0x3C0, s3;
	[sflag:s1] =	ssyncadd.s32 $0xFFFFFC80  }
0x60: {  	v63 =	vld [tilespmem:s18+$0x3500];
	_ =	sdelay $0x4  }
0x61: {  	v0 =	vcvt.s32.f32 v63;
	_ =	sdelay $0x1  }
0x62: {  	s16 =	simm.s32 $0x3530;
	[tilespmem:s18+$0x6900] =	vst v0  }
0x63: {  	v0 =	vld [tilespmem:s16+$0xFFFFFFE0];
	_ =	sdelay $0x4  }
0x64: {  	v0 =	vcvt.s32.f32 v0  }
0x65: {  	s17 =	simm.s32 $0x6930  }
0x66: {  	[tilespmem:s17+$0xFFFFFFE0] =	vst v0  }
0x67: {  	v0 =	vld [tilespmem:s16+$0xFFFFFFF0];
	_ =	sdelay $0x4  }
0x68: {  	v0 =	vcvt.s32.f32 v0;
	_ =	sdelay $0x1  }
0x69: {  	[tilespmem:s17+$0xFFFFFFF0] =	vst v0  }
0x6a: {  	v0 =	vld [tilespmem:s16+$0x0];
	_ =	sdelay $0x4  }
0x6b: {  	v0 =	vcvt.s32.f32 v0  }
0x6c: {  	s19 =	simm.s32 $0x40  }
0x6d: {  	s19 =	sand.u32 $0x3C0, s19;
	s18 =	simm.s32 $0x80;
	[tilespmem:s17+$0x0] =	vst v0  }
.LBB2_2:
0x6e: {  	p0 =	sne.s32 s18, $0x340;
	v0 =	vld [tilespmem:s19+$0x3500];
	_ =	sdelay $0x4  }
0x6f: {  	v0 =	vcvt.s32.f32 v0;
	_ =	sdelay $0x1  }
0x70: {  	s16 =	sadd.s32 $0x40, s16;
	[tilespmem:s19+$0x6900] =	vst v0  }
0x71: {  	v0 =	vld [tilespmem:s16+$0xFFFFFFE0];
	_ =	sdelay $0x4  }
0x72: {  	v0 =	vcvt.s32.f32 v0  }
0x73: {  	s17 =	sadd.s32 $0x40, s17  }
0x74: {  	[tilespmem:s17+$0xFFFFFFE0] =	vst v0  }
0x75: {  	v0 =	vld [tilespmem:s16+$0xFFFFFFF0];
	_ =	sdelay $0x4  }
0x76: {  	v0 =	vcvt.s32.f32 v0;
	_ =	sdelay $0x1  }
0x77: {  	[tilespmem:s17+$0xFFFFFFF0] =	vst v0  }
0x78: {  	v0 =	vld [tilespmem:s16+$0x0];
	_ =	sdelay $0x2  }
.Ltmp0:
0x79: {  	(pc) =	sbr.rel @p0 .LBB2_2-.Ltmp0, $3  }
0x7a: {  	_ = 	snop  }
0x7b: {  	v0 =	vcvt.s32.f32 v0;
	_ =	sdelay $0x1  }
0x7c: {  	s19 =	sand.u32 $0x3C0, s18;
	s18 =	sadd.s32 $0x40, s18;
	[tilespmem:s17+$0x0] =	vst v0  }
0x7d: {  	v0 =	vld [tilespmem:s19+$0x3500];
	_ =	sdelay $0x4  }
0x7e: {  	v0 =	vcvt.s32.f32 v0;
	_ =	sdelay $0x1  }
0x7f: {  	s16 =	sadd.s32 $0x40, s16;
	[tilespmem:s19+$0x6900] =	vst v0  }
0x80: {  	v0 =	vld [tilespmem:s16+$0xFFFFFFE0];
	_ =	sdelay $0x4  }
0x81: {  	v0 =	vcvt.s32.f32 v0  }
0x82: {  	s17 =	sadd.s32 $0x40, s17  }
0x83: {  	[tilespmem:s17+$0xFFFFFFE0] =	vst v0  }
0x84: {  	v0 =	vld [tilespmem:s16+$0xFFFFFFF0];
	_ =	sdelay $0x4  }
0x85: {  	v0 =	vcvt.s32.f32 v0;
	_ =	sdelay $0x1  }
0x86: {  	[tilespmem:s17+$0xFFFFFFF0] =	vst v0  }
0x87: {  	v0 =	vld [tilespmem:s16+$0x0];
	_ =	sdelay $0x4  }
0x88: {  	v0 =	vcvt.s32.f32 v0;
	_ =	sdelay $0x1  }
0x89: {  	s18 =	simm.s32 $0x6900;
	s19 =	rddreg [dreg:$0x6];
	s16 =	simm.s32 $0x0;
	[tilespmem:s17+$0x0] =	vst v0  }
0x8a: {  	[hbm4b:s19+s16] =	stream.linear.scatter [tilespmem:s18], [sflag:$0x11], $0x380, $0x38;
	[tilespmem:$0x9C00] =	vst v63  }
0x8b: {  	_ =	swait.ge [sflag:s25], $0x380  }
0x8c: {  	[sflag:s25] =	ssyncset.done $0x0  }
0x8d: {  	s18 =	sand.u32 $0x3C0, s16;
	[sflag:s25] =	ssyncadd.s32 $0xFFFFFC80  }
0x8e: {  	v63 =	vld [tilespmem:s18+$0x3880];
	_ =	sdelay $0x4  }
0x8f: {  	v0 =	vcvt.s32.f32 v63;
	_ =	sdelay $0x1  }
0x90: {  	s16 =	simm.s32 $0x38B0;
	[tilespmem:s18+$0x6C80] =	vst v0  }
0x91: {  	v0 =	vld [tilespmem:s16+$0xFFFFFFE0];
	_ =	sdelay $0x4  }
0x92: {  	v0 =	vcvt.s32.f32 v0  }
0x93: {  	s17 =	simm.s32 $0x6CB0  }
0x94: {  	[tilespmem:s17+$0xFFFFFFE0] =	vst v0  }
0x95: {  	v0 =	vld [tilespmem:s16+$0xFFFFFFF0];
	_ =	sdelay $0x4  }
0x96: {  	v0 =	vcvt.s32.f32 v0;
	_ =	sdelay $0x1  }
0x97: {  	[tilespmem:s17+$0xFFFFFFF0] =	vst v0  }
0x98: {  	v0 =	vld [tilespmem:s16+$0x0];
	_ =	sdelay $0x4  }
0x99: {  	v0 =	vcvt.s32.f32 v0  }
0x9a: {  	s19 =	simm.s32 $0x40  }
0x9b: {  	s19 =	sand.u32 $0x3C0, s19;
	s18 =	simm.s32 $0x80;
	[tilespmem:s17+$0x0] =	vst v0  }
.LBB2_4:
0x9c: {  	p0 =	sne.s32 s18, $0x340;
	v0 =	vld [tilespmem:s19+$0x3880];
	_ =	sdelay $0x4  }
0x9d: {  	v0 =	vcvt.s32.f32 v0;
	_ =	sdelay $0x1  }
0x9e: {  	s16 =	sadd.s32 $0x40, s16;
	[tilespmem:s19+$0x6C80] =	vst v0  }
0x9f: {  	v0 =	vld [tilespmem:s16+$0xFFFFFFE0];
	_ =	sdelay $0x4  }
0xa0: {  	v0 =	vcvt.s32.f32 v0  }
0xa1: {  	s17 =	sadd.s32 $0x40, s17  }
0xa2: {  	[tilespmem:s17+$0xFFFFFFE0] =	vst v0  }
0xa3: {  	v0 =	vld [tilespmem:s16+$0xFFFFFFF0];
	_ =	sdelay $0x4  }
0xa4: {  	v0 =	vcvt.s32.f32 v0;
	_ =	sdelay $0x1  }
0xa5: {  	[tilespmem:s17+$0xFFFFFFF0] =	vst v0  }
0xa6: {  	v0 =	vld [tilespmem:s16+$0x0];
	_ =	sdelay $0x2  }
.Ltmp1:
0xa7: {  	(pc) =	sbr.rel @p0 .LBB2_4-.Ltmp1, $3  }
0xa8: {  	_ = 	snop  }
0xa9: {  	v0 =	vcvt.s32.f32 v0;
	_ =	sdelay $0x1  }
0xaa: {  	s19 =	sand.u32 $0x3C0, s18;
	s18 =	sadd.s32 $0x40, s18;
	[tilespmem:s17+$0x0] =	vst v0  }
0xab: {  	v0 =	vld [tilespmem:s19+$0x3880];
	_ =	sdelay $0x4  }
0xac: {  	v0 =	vcvt.s32.f32 v0;
	_ =	sdelay $0x1  }
0xad: {  	s16 =	sadd.s32 $0x40, s16;
	[tilespmem:s19+$0x6C80] =	vst v0  }
0xae: {  	v0 =	vld [tilespmem:s16+$0xFFFFFFE0];
	_ =	sdelay $0x4  }
0xaf: {  	v0 =	vcvt.s32.f32 v0  }
0xb0: {  	s17 =	sadd.s32 $0x40, s17  }
0xb1: {  	[tilespmem:s17+$0xFFFFFFE0] =	vst v0  }
0xb2: {  	v0 =	vld [tilespmem:s16+$0xFFFFFFF0];
	_ =	sdelay $0x4  }
0xb3: {  	v0 =	vcvt.s32.f32 v0;
	_ =	sdelay $0x1  }
0xb4: {  	[tilespmem:s17+$0xFFFFFFF0] =	vst v0  }
0xb5: {  	v0 =	vld [tilespmem:s16+$0x0];
	_ =	sdelay $0x4  }
0xb6: {  	v0 =	vcvt.s32.f32 v0;
	_ =	sdelay $0x1  }
0xb7: {  	s18 =	simm.s32 $0x6C80;
	s19 =	rddreg [dreg:$0x7];
	[tilespmem:s17+$0x0] =	vst v0;
	s17 =	simm.s32 $0x0  }
0xb8: {  	[hbm4b:s19+s17] =	stream.linear.scatter [tilespmem:s18], [sflag:$0x11], $0x380, $0x38;
	[tilespmem:$0x9C00] =	vst v63  }
0xb9: {  	_ =	swait.ge [sflag:s29], $0x380  }
0xba: {  	[sflag:s29] =	ssyncset.done $0x0  }
0xbb: {  	s16 =	simm.s32 $0x0;
	[sflag:s29] =	ssyncadd.s32 $0xFFFFFC80  }
0xbc: {  	v1 =	vld [tilespmem:s16+$0x3C30]  }
0xbd: {  	v2 =	vld [tilespmem:s16+$0x3C00]  }
0xbe: {  	v3 =	vld [tilespmem:s16+$0x3C10]  }
0xbf: {  	v0 =	vld [tilespmem:s16+$0x3C20]  }
0xc0: {  	s17 =	simm.s32 $0x100  }
.LBB2_6:
0xc1: {  	s18 =	sshra.s32 s17, $0x2;
	p0 =	sne.s32 s17, $0xD00;
	s17 =	sadd.s32 $0x100, s17;
	v4 =	vcvt.s32.f32 v1  }
.Ltmp2:
0xc2: {  	v1 =	vld [tilespmem:s18+$0x3C30];
	v5 =	vcvt.s32.f32 v2;
	(pc) =	sbr.rel @p0 .LBB2_6-.Ltmp2, $4  }
0xc3: {  	v2 =	vld [tilespmem:s18+$0x3C00];
	v6 =	vcvt.s32.f32 v3;
	[tilespmem:s16+$0x7030] =	vst v4  }
0xc4: {  	v3 =	vld [tilespmem:s18+$0x3C10];
	[tilespmem:s16+$0x7000] =	vst v5;
	v4 =	vcvt.s32.f32 v0  }
0xc5: {  	v0 =	vld [tilespmem:s18+$0x3C20];
	[tilespmem:s16+$0x7010] =	vst v6  }
0xc6: {  	[tilespmem:s16+$0x7020] =	vst v4;
	s16 =	smov.u32 s18  }
0xc7: {  	v1 =	vcvt.s32.f32 v1  }
0xc8: {  	v2 =	vcvt.s32.f32 v2  }
0xc9: {  	v3 =	vcvt.s32.f32 v3;
	[tilespmem:s16+$0x7030] =	vst v1  }
0xca: {  	[tilespmem:s16+$0x7000] =	vst v2;
	v0 =	vcvt.s32.f32 v0  }
0xcb: {  	[tilespmem:s16+$0x7010] =	vst v3  }
0xcc: {  	s19 =	simm.s32 $0x0;
	s17 =	rddreg [dreg:$0x8];
	s18 =	simm.s32 $0x7000;
	[tilespmem:s16+$0x7020] =	vst v0  }
0xcd: {  	[hbm4b:s17+s19] =	stream.linear.scatter [tilespmem:s18], [sflag:$0x11], $0x380, $0x38;
	[tilespmem:$0x9C00] =	vst v63  }
0xce: {  	_ =	swait.ge [sflag:s0], $0x380  }
0xcf: {  	[sflag:s0] =	ssyncset.done $0x0  }
0xd0: {  	s18 =	sand.u32 $0x3C0, s19;
	[sflag:s0] =	ssyncadd.s32 $0xFFFFFC80  }
0xd1: {  	v63 =	vld [tilespmem:s18+$0x3F80];
	_ =	sdelay $0x4  }
0xd2: {  	v0 =	vcvt.s32.f32 v63;
	_ =	sdelay $0x1  }
0xd3: {  	s16 =	simm.s32 $0x3FB0;
	[tilespmem:s18+$0x7380] =	vst v0  }
0xd4: {  	v0 =	vld [tilespmem:s16+$0xFFFFFFE0];
	_ =	sdelay $0x4  }
0xd5: {  	v0 =	vcvt.s32.f32 v0  }
0xd6: {  	s17 =	simm.s32 $0x73B0  }
0xd7: {  	[tilespmem:s17+$0xFFFFFFE0] =	vst v0  }
0xd8: {  	v0 =	vld [tilespmem:s16+$0xFFFFFFF0];
	_ =	sdelay $0x4  }
0xd9: {  	v0 =	vcvt.s32.f32 v0;
	_ =	sdelay $0x1  }
0xda: {  	[tilespmem:s17+$0xFFFFFFF0] =	vst v0  }
0xdb: {  	v0 =	vld [tilespmem:s16+$0x0];
	_ =	sdelay $0x4  }
0xdc: {  	v0 =	vcvt.s32.f32 v0  }
0xdd: {  	s19 =	simm.s32 $0x40  }
0xde: {  	s19 =	sand.u32 $0x3C0, s19;
	s18 =	simm.s32 $0x80;
	[tilespmem:s17+$0x0] =	vst v0  }
.LBB2_8:
0xdf: {  	p0 =	sne.s32 s18, $0x340;
	v0 =	vld [tilespmem:s19+$0x3F80];
	_ =	sdelay $0x4  }
0xe0: {  	v0 =	vcvt.s32.f32 v0;
	_ =	sdelay $0x1  }
0xe1: {  	s16 =	sadd.s32 $0x40, s16;
	[tilespmem:s19+$0x7380] =	vst v0  }
0xe2: {  	v0 =	vld [tilespmem:s16+$0xFFFFFFE0];
	_ =	sdelay $0x4  }
0xe3: {  	v0 =	vcvt.s32.f32 v0  }
0xe4: {  	s17 =	sadd.s32 $0x40, s17  }
0xe5: {  	[tilespmem:s17+$0xFFFFFFE0] =	vst v0  }
0xe6: {  	v0 =	vld [tilespmem:s16+$0xFFFFFFF0];
	_ =	sdelay $0x4  }
0xe7: {  	v0 =	vcvt.s32.f32 v0;
	_ =	sdelay $0x1  }
0xe8: {  	[tilespmem:s17+$0xFFFFFFF0] =	vst v0  }
0xe9: {  	v0 =	vld [tilespmem:s16+$0x0];
	_ =	sdelay $0x2  }
.Ltmp3:
0xea: {  	(pc) =	sbr.rel @p0 .LBB2_8-.Ltmp3, $3  }
0xeb: {  	_ = 	snop  }
0xec: {  	v0 =	vcvt.s32.f32 v0;
	_ =	sdelay $0x1  }
0xed: {  	s19 =	sand.u32 $0x3C0, s18;
	s18 =	sadd.s32 $0x40, s18;
	[tilespmem:s17+$0x0] =	vst v0  }
0xee: {  	v0 =	vld [tilespmem:s19+$0x3F80];
	_ =	sdelay $0x4  }
0xef: {  	v0 =	vcvt.s32.f32 v0;
	_ =	sdelay $0x1  }
0xf0: {  	s16 =	sadd.s32 $0x40, s16;
	[tilespmem:s19+$0x7380] =	vst v0  }
0xf1: {  	v0 =	vld [tilespmem:s16+$0xFFFFFFE0];
	_ =	sdelay $0x4  }
0xf2: {  	v0 =	vcvt.s32.f32 v0  }
0xf3: {  	s17 =	sadd.s32 $0x40, s17  }
0xf4: {  	[tilespmem:s17+$0xFFFFFFE0] =	vst v0  }
0xf5: {  	v0 =	vld [tilespmem:s16+$0xFFFFFFF0];
	_ =	sdelay $0x4  }
0xf6: {  	v0 =	vcvt.s32.f32 v0;
	_ =	sdelay $0x1  }
0xf7: {  	[tilespmem:s17+$0xFFFFFFF0] =	vst v0  }
0xf8: {  	v0 =	vld [tilespmem:s16+$0x0];
	_ =	sdelay $0x4  }
0xf9: {  	v0 =	vcvt.s32.f32 v0;
	_ =	sdelay $0x1  }
0xfa: {  	s18 =	simm.s32 $0x7380;
	s19 =	rddreg [dreg:$0x9];
	s16 =	simm.s32 $0x0;
	[tilespmem:s17+$0x0] =	vst v0  }
0xfb: {  	[hbm4b:s19+s16] =	stream.linear.scatter [tilespmem:s18], [sflag:$0x11], $0x380, $0x38;
	[tilespmem:$0x9C00] =	vst v63  }
0xfc: {  	_ =	swait.ge [sflag:s31], $0x380  }
0xfd: {  	[sflag:s31] =	ssyncset.done $0x0  }
0xfe: {  	s18 =	sand.u32 $0x3C0, s16;
	[sflag:s31] =	ssyncadd.s32 $0xFFFFFC80  }
0xff: {  	v63 =	vld [tilespmem:s18+$0x4300];
	_ =	sdelay $0x4  }
0x100: {  	v0 =	vcvt.s32.f32 v63;
	_ =	sdelay $0x1  }
0x101: {  	s16 =	simm.s32 $0x4330;
	[tilespmem:s18+$0x7700] =	vst v0  }
0x102: {  	v0 =	vld [tilespmem:s16+$0xFFFFFFE0];
	_ =	sdelay $0x4  }
0x103: {  	v0 =	vcvt.s32.f32 v0  }
0x104: {  	s17 =	simm.s32 $0x7730  }
0x105: {  	[tilespmem:s17+$0xFFFFFFE0] =	vst v0  }
0x106: {  	v0 =	vld [tilespmem:s16+$0xFFFFFFF0];
	_ =	sdelay $0x4  }
0x107: {  	v0 =	vcvt.s32.f32 v0;
	_ =	sdelay $0x1  }
0x108: {  	[tilespmem:s17+$0xFFFFFFF0] =	vst v0  }
0x109: {  	v0 =	vld [tilespmem:s16+$0x0];
	_ =	sdelay $0x4  }
0x10a: {  	v0 =	vcvt.s32.f32 v0  }
0x10b: {  	s19 =	simm.s32 $0x40  }
0x10c: {  	s19 =	sand.u32 $0x3C0, s19;
	s18 =	simm.s32 $0x80;
	[tilespmem:s17+$0x0] =	vst v0  }
.LBB2_10:
0x10d: {  	p0 =	sne.s32 s18, $0x340;
	v0 =	vld [tilespmem:s19+$0x4300];
	_ =	sdelay $0x4  }
0x10e: {  	v0 =	vcvt.s32.f32 v0;
	_ =	sdelay $0x1  }
0x10f: {  	s16 =	sadd.s32 $0x40, s16;
	[tilespmem:s19+$0x7700] =	vst v0  }
0x110: {  	v0 =	vld [tilespmem:s16+$0xFFFFFFE0];
	_ =	sdelay $0x4  }
0x111: {  	v0 =	vcvt.s32.f32 v0  }
0x112: {  	s17 =	sadd.s32 $0x40, s17  }
0x113: {  	[tilespmem:s17+$0xFFFFFFE0] =	vst v0  }
0x114: {  	v0 =	vld [tilespmem:s16+$0xFFFFFFF0];
	_ =	sdelay $0x4  }
0x115: {  	v0 =	vcvt.s32.f32 v0;
	_ =	sdelay $0x1  }
0x116: {  	[tilespmem:s17+$0xFFFFFFF0] =	vst v0  }
0x117: {  	v0 =	vld [tilespmem:s16+$0x0];
	_ =	sdelay $0x2  }
.Ltmp4:
0x118: {  	(pc) =	sbr.rel @p0 .LBB2_10-.Ltmp4, $3  }
0x119: {  	_ = 	snop  }
0x11a: {  	v0 =	vcvt.s32.f32 v0;
	_ =	sdelay $0x1  }
0x11b: {  	s19 =	sand.u32 $0x3C0, s18;
	s18 =	sadd.s32 $0x40, s18;
	[tilespmem:s17+$0x0] =	vst v0  }
0x11c: {  	v0 =	vld [tilespmem:s19+$0x4300];
	_ =	sdelay $0x4  }
0x11d: {  	v0 =	vcvt.s32.f32 v0;
	_ =	sdelay $0x1  }
0x11e: {  	s16 =	sadd.s32 $0x40, s16;
	[tilespmem:s19+$0x7700] =	vst v0  }
0x11f: {  	v0 =	vld [tilespmem:s16+$0xFFFFFFE0];
	_ =	sdelay $0x4  }
0x120: {  	v0 =	vcvt.s32.f32 v0  }
0x121: {  	s17 =	sadd.s32 $0x40, s17  }
0x122: {  	[tilespmem:s17+$0xFFFFFFE0] =	vst v0  }
0x123: {  	v0 =	vld [tilespmem:s16+$0xFFFFFFF0];
	_ =	sdelay $0x4  }
0x124: {  	v0 =	vcvt.s32.f32 v0;
	_ =	sdelay $0x1  }
0x125: {  	[tilespmem:s17+$0xFFFFFFF0] =	vst v0  }
0x126: {  	v0 =	vld [tilespmem:s16+$0x0];
	_ =	sdelay $0x4  }
0x127: {  	v0 =	vcvt.s32.f32 v0;
	_ =	sdelay $0x1  }
0x128: {  	s18 =	simm.s32 $0x7700;
	s19 =	rddreg [dreg:$0xa];
	s16 =	simm.s32 $0x0;
	[tilespmem:s17+$0x0] =	vst v0  }
0x129: {  	[hbm4b:s19+s16] =	stream.linear.scatter [tilespmem:s18], [sflag:$0x11], $0x380, $0x38;
	[tilespmem:$0x9C00] =	vst v63  }
0x12a: {  	_ =	swait.ge [sflag:s28], $0x380  }
0x12b: {  	[sflag:s28] =	ssyncset.done $0x0  }
0x12c: {  	s18 =	sand.u32 $0x3C0, s16;
	[sflag:s28] =	ssyncadd.s32 $0xFFFFFC80  }
0x12d: {  	v63 =	vld [tilespmem:s18+$0x4680];
	_ =	sdelay $0x4  }
0x12e: {  	v0 =	vcvt.s32.f32 v63;
	_ =	sdelay $0x1  }
0x12f: {  	s16 =	simm.s32 $0x46B0;
	[tilespmem:s18+$0x7A80] =	vst v0  }
0x130: {  	v0 =	vld [tilespmem:s16+$0xFFFFFFE0];
	_ =	sdelay $0x4  }
0x131: {  	v0 =	vcvt.s32.f32 v0  }
0x132: {  	s17 =	simm.s32 $0x7AB0  }
0x133: {  	[tilespmem:s17+$0xFFFFFFE0] =	vst v0  }
0x134: {  	v0 =	vld [tilespmem:s16+$0xFFFFFFF0];
	_ =	sdelay $0x4  }
0x135: {  	v0 =	vcvt.s32.f32 v0;
	_ =	sdelay $0x1  }
0x136: {  	[tilespmem:s17+$0xFFFFFFF0] =	vst v0  }
0x137: {  	v0 =	vld [tilespmem:s16+$0x0];
	_ =	sdelay $0x4  }
0x138: {  	v0 =	vcvt.s32.f32 v0  }
0x139: {  	s19 =	simm.s32 $0x40  }
0x13a: {  	s19 =	sand.u32 $0x3C0, s19;
	s18 =	simm.s32 $0x80;
	[tilespmem:s17+$0x0] =	vst v0  }
.LBB2_12:
0x13b: {  	p0 =	sne.s32 s18, $0x340;
	v0 =	vld [tilespmem:s19+$0x4680];
	_ =	sdelay $0x4  }
0x13c: {  	v0 =	vcvt.s32.f32 v0;
	_ =	sdelay $0x1  }
0x13d: {  	s16 =	sadd.s32 $0x40, s16;
	[tilespmem:s19+$0x7A80] =	vst v0  }
0x13e: {  	v0 =	vld [tilespmem:s16+$0xFFFFFFE0];
	_ =	sdelay $0x4  }
0x13f: {  	v0 =	vcvt.s32.f32 v0  }
0x140: {  	s17 =	sadd.s32 $0x40, s17  }
0x141: {  	[tilespmem:s17+$0xFFFFFFE0] =	vst v0  }
0x142: {  	v0 =	vld [tilespmem:s16+$0xFFFFFFF0];
	_ =	sdelay $0x4  }
0x143: {  	v0 =	vcvt.s32.f32 v0;
	_ =	sdelay $0x1  }
0x144: {  	[tilespmem:s17+$0xFFFFFFF0] =	vst v0  }
0x145: {  	v0 =	vld [tilespmem:s16+$0x0];
	_ =	sdelay $0x2  }
.Ltmp5:
0x146: {  	(pc) =	sbr.rel @p0 .LBB2_12-.Ltmp5, $3  }
0x147: {  	_ = 	snop  }
0x148: {  	v0 =	vcvt.s32.f32 v0;
	_ =	sdelay $0x1  }
0x149: {  	s19 =	sand.u32 $0x3C0, s18;
	s18 =	sadd.s32 $0x40, s18;
	[tilespmem:s17+$0x0] =	vst v0  }
0x14a: {  	v0 =	vld [tilespmem:s19+$0x4680];
	_ =	sdelay $0x4  }
0x14b: {  	v0 =	vcvt.s32.f32 v0;
	_ =	sdelay $0x1  }
0x14c: {  	s16 =	sadd.s32 $0x40, s16;
	[tilespmem:s19+$0x7A80] =	vst v0  }
0x14d: {  	v0 =	vld [tilespmem:s16+$0xFFFFFFE0];
	_ =	sdelay $0x4  }
0x14e: {  	v0 =	vcvt.s32.f32 v0  }
0x14f: {  	s17 =	sadd.s32 $0x40, s17  }
0x150: {  	[tilespmem:s17+$0xFFFFFFE0] =	vst v0  }
0x151: {  	v0 =	vld [tilespmem:s16+$0xFFFFFFF0];
	_ =	sdelay $0x4  }
0x152: {  	v0 =	vcvt.s32.f32 v0;
	_ =	sdelay $0x1  }
0x153: {  	[tilespmem:s17+$0xFFFFFFF0] =	vst v0  }
0x154: {  	v0 =	vld [tilespmem:s16+$0x0];
	_ =	sdelay $0x4  }
0x155: {  	v0 =	vcvt.s32.f32 v0;
	_ =	sdelay $0x1  }
0x156: {  	s18 =	simm.s32 $0x7A80;
	s19 =	rddreg [dreg:$0xb];
	s16 =	simm.s32 $0x0;
	[tilespmem:s17+$0x0] =	vst v0  }
0x157: {  	[hbm4b:s19+s16] =	stream.linear.scatter [tilespmem:s18], [sflag:$0x11], $0x380, $0x38;
	[tilespmem:$0x9C00] =	vst v63  }
0x158: {  	_ =	swait.ge [sflag:s4], $0x380  }
0x159: {  	[sflag:s4] =	ssyncset.done $0x0  }
0x15a: {  	s18 =	sand.u32 $0x3C0, s16;
	[sflag:s4] =	ssyncadd.s32 $0xFFFFFC80  }
0x15b: {  	v63 =	vld [tilespmem:s18+$0x4A00];
	_ =	sdelay $0x4  }
0x15c: {  	v0 =	vcvt.s32.f32 v63;
	_ =	sdelay $0x1  }
0x15d: {  	s16 =	simm.s32 $0x4A30;
	[tilespmem:s18+$0x7E00] =	vst v0  }
0x15e: {  	v0 =	vld [tilespmem:s16+$0xFFFFFFE0];
	_ =	sdelay $0x4  }
0x15f: {  	v0 =	vcvt.s32.f32 v0  }
0x160: {  	s17 =	simm.s32 $0x7E30  }
0x161: {  	[tilespmem:s17+$0xFFFFFFE0] =	vst v0  }
0x162: {  	v0 =	vld [tilespmem:s16+$0xFFFFFFF0];
	_ =	sdelay $0x4  }
0x163: {  	v0 =	vcvt.s32.f32 v0;
	_ =	sdelay $0x1  }
0x164: {  	[tilespmem:s17+$0xFFFFFFF0] =	vst v0  }
0x165: {  	v0 =	vld [tilespmem:s16+$0x0];
	_ =	sdelay $0x4  }
0x166: {  	v0 =	vcvt.s32.f32 v0  }
0x167: {  	s19 =	simm.s32 $0x40  }
0x168: {  	s19 =	sand.u32 $0x3C0, s19;
	s18 =	simm.s32 $0x80;
	[tilespmem:s17+$0x0] =	vst v0  }
.LBB2_14:
0x169: {  	p0 =	sne.s32 s18, $0x340;
	v0 =	vld [tilespmem:s19+$0x4A00];
	_ =	sdelay $0x4  }
0x16a: {  	v0 =	vcvt.s32.f32 v0;
	_ =	sdelay $0x1  }
0x16b: {  	s16 =	sadd.s32 $0x40, s16;
	[tilespmem:s19+$0x7E00] =	vst v0  }
0x16c: {  	v0 =	vld [tilespmem:s16+$0xFFFFFFE0];
	_ =	sdelay $0x4  }
0x16d: {  	v0 =	vcvt.s32.f32 v0  }
0x16e: {  	s17 =	sadd.s32 $0x40, s17  }
0x16f: {  	[tilespmem:s17+$0xFFFFFFE0] =	vst v0  }
0x170: {  	v0 =	vld [tilespmem:s16+$0xFFFFFFF0];
	_ =	sdelay $0x4  }
0x171: {  	v0 =	vcvt.s32.f32 v0;
	_ =	sdelay $0x1  }
0x172: {  	[tilespmem:s17+$0xFFFFFFF0] =	vst v0  }
0x173: {  	v0 =	vld [tilespmem:s16+$0x0];
	_ =	sdelay $0x2  }
.Ltmp6:
0x174: {  	(pc) =	sbr.rel @p0 .LBB2_14-.Ltmp6, $3  }
0x175: {  	_ = 	snop  }
0x176: {  	v0 =	vcvt.s32.f32 v0;
	_ =	sdelay $0x1  }
0x177: {  	s19 =	sand.u32 $0x3C0, s18;
	s18 =	sadd.s32 $0x40, s18;
	[tilespmem:s17+$0x0] =	vst v0  }
0x178: {  	v0 =	vld [tilespmem:s19+$0x4A00];
	_ =	sdelay $0x4  }
0x179: {  	v0 =	vcvt.s32.f32 v0;
	_ =	sdelay $0x1  }
0x17a: {  	s16 =	sadd.s32 $0x40, s16;
	[tilespmem:s19+$0x7E00] =	vst v0  }
0x17b: {  	v0 =	vld [tilespmem:s16+$0xFFFFFFE0];
	_ =	sdelay $0x4  }
0x17c: {  	v0 =	vcvt.s32.f32 v0  }
0x17d: {  	s17 =	sadd.s32 $0x40, s17  }
0x17e: {  	[tilespmem:s17+$0xFFFFFFE0] =	vst v0  }
0x17f: {  	v0 =	vld [tilespmem:s16+$0xFFFFFFF0];
	_ =	sdelay $0x4  }
0x180: {  	v0 =	vcvt.s32.f32 v0;
	_ =	sdelay $0x1  }
0x181: {  	[tilespmem:s17+$0xFFFFFFF0] =	vst v0  }
0x182: {  	v0 =	vld [tilespmem:s16+$0x0];
	_ =	sdelay $0x4  }
0x183: {  	v0 =	vcvt.s32.f32 v0;
	_ =	sdelay $0x1  }
0x184: {  	s18 =	simm.s32 $0x7E00;
	s19 =	rddreg [dreg:$0xc];
	s16 =	simm.s32 $0x0;
	[tilespmem:s17+$0x0] =	vst v0  }
0x185: {  	[hbm4b:s19+s16] =	stream.linear.scatter [tilespmem:s18], [sflag:$0x11], $0x380, $0x38;
	[tilespmem:$0x9C00] =	vst v63  }
0x186: {  	_ =	swait.ge [sflag:s5], $0x380  }
0x187: {  	[sflag:s5] =	ssyncset.done $0x0  }
0x188: {  	s18 =	sand.u32 $0x3C0, s16;
	[sflag:s5] =	ssyncadd.s32 $0xFFFFFC80  }
0x189: {  	v63 =	vld [tilespmem:s18+$0x4D80];
	_ =	sdelay $0x4  }
0x18a: {  	v0 =	vcvt.s32.f32 v63;
	_ =	sdelay $0x1  }
0x18b: {  	s16 =	simm.s32 $0x4DB0;
	[tilespmem:s18+$0x8180] =	vst v0  }
0x18c: {  	v0 =	vld [tilespmem:s16+$0xFFFFFFE0];
	_ =	sdelay $0x4  }
0x18d: {  	v0 =	vcvt.s32.f32 v0  }
0x18e: {  	s17 =	simm.s32 $0x81B0  }
0x18f: {  	[tilespmem:s17+$0xFFFFFFE0] =	vst v0  }
0x190: {  	v0 =	vld [tilespmem:s16+$0xFFFFFFF0];
	_ =	sdelay $0x4  }
0x191: {  	v0 =	vcvt.s32.f32 v0;
	_ =	sdelay $0x1  }
0x192: {  	[tilespmem:s17+$0xFFFFFFF0] =	vst v0  }
0x193: {  	v0 =	vld [tilespmem:s16+$0x0];
	_ =	sdelay $0x4  }
0x194: {  	v0 =	vcvt.s32.f32 v0  }
0x195: {  	s19 =	simm.s32 $0x40  }
0x196: {  	s19 =	sand.u32 $0x3C0, s19;
	s18 =	simm.s32 $0x80;
	[tilespmem:s17+$0x0] =	vst v0  }
.LBB2_16:
0x197: {  	p0 =	sne.s32 s18, $0x340;
	v0 =	vld [tilespmem:s19+$0x4D80];
	_ =	sdelay $0x4  }
0x198: {  	v0 =	vcvt.s32.f32 v0;
	_ =	sdelay $0x1  }
0x199: {  	s16 =	sadd.s32 $0x40, s16;
	[tilespmem:s19+$0x8180] =	vst v0  }
0x19a: {  	v0 =	vld [tilespmem:s16+$0xFFFFFFE0];
	_ =	sdelay $0x4  }
0x19b: {  	v0 =	vcvt.s32.f32 v0  }
0x19c: {  	s17 =	sadd.s32 $0x40, s17  }
0x19d: {  	[tilespmem:s17+$0xFFFFFFE0] =	vst v0  }
0x19e: {  	v0 =	vld [tilespmem:s16+$0xFFFFFFF0];
	_ =	sdelay $0x4  }
0x19f: {  	v0 =	vcvt.s32.f32 v0;
	_ =	sdelay $0x1  }
0x1a0: {  	[tilespmem:s17+$0xFFFFFFF0] =	vst v0  }
0x1a1: {  	v0 =	vld [tilespmem:s16+$0x0];
	_ =	sdelay $0x2  }
.Ltmp7:
0x1a2: {  	(pc) =	sbr.rel @p0 .LBB2_16-.Ltmp7, $3  }
0x1a3: {  	_ = 	snop  }
0x1a4: {  	v0 =	vcvt.s32.f32 v0;
	_ =	sdelay $0x1  }
0x1a5: {  	s19 =	sand.u32 $0x3C0, s18;
	s18 =	sadd.s32 $0x40, s18;
	[tilespmem:s17+$0x0] =	vst v0  }
0x1a6: {  	v0 =	vld [tilespmem:s19+$0x4D80];
	_ =	sdelay $0x4  }
0x1a7: {  	v0 =	vcvt.s32.f32 v0;
	_ =	sdelay $0x1  }
0x1a8: {  	s16 =	sadd.s32 $0x40, s16;
	[tilespmem:s19+$0x8180] =	vst v0  }
0x1a9: {  	v0 =	vld [tilespmem:s16+$0xFFFFFFE0];
	_ =	sdelay $0x4  }
0x1aa: {  	v0 =	vcvt.s32.f32 v0  }
0x1ab: {  	s17 =	sadd.s32 $0x40, s17  }
0x1ac: {  	[tilespmem:s17+$0xFFFFFFE0] =	vst v0  }
0x1ad: {  	v0 =	vld [tilespmem:s16+$0xFFFFFFF0];
	_ =	sdelay $0x4  }
0x1ae: {  	v0 =	vcvt.s32.f32 v0;
	_ =	sdelay $0x1  }
0x1af: {  	[tilespmem:s17+$0xFFFFFFF0] =	vst v0  }
0x1b0: {  	v0 =	vld [tilespmem:s16+$0x0];
	_ =	sdelay $0x4  }
0x1b1: {  	v0 =	vcvt.s32.f32 v0;
	_ =	sdelay $0x1  }
0x1b2: {  	s18 =	simm.s32 $0x8180;
	s19 =	rddreg [dreg:$0xd];
	s16 =	simm.s32 $0x0;
	[tilespmem:s17+$0x0] =	vst v0  }
0x1b3: {  	[hbm4b:s19+s16] =	stream.linear.scatter [tilespmem:s18], [sflag:$0x11], $0x380, $0x38;
	[tilespmem:$0x9C00] =	vst v63  }
0x1b4: {  	_ =	swait.ge [sflag:s7], $0x380  }
0x1b5: {  	[sflag:s7] =	ssyncset.done $0x0  }
0x1b6: {  	s18 =	sand.u32 $0x3C0, s16;
	[sflag:s7] =	ssyncadd.s32 $0xFFFFFC80  }
0x1b7: {  	v63 =	vld [tilespmem:s18+$0x5100];
	_ =	sdelay $0x4  }
0x1b8: {  	v0 =	vcvt.s32.f32 v63;
	_ =	sdelay $0x1  }
0x1b9: {  	s16 =	simm.s32 $0x5130;
	[tilespmem:s18+$0x8500] =	vst v0  }
0x1ba: {  	v0 =	vld [tilespmem:s16+$0xFFFFFFE0];
	_ =	sdelay $0x4  }
0x1bb: {  	v0 =	vcvt.s32.f32 v0  }
0x1bc: {  	s17 =	simm.s32 $0x8530  }
0x1bd: {  	[tilespmem:s17+$0xFFFFFFE0] =	vst v0  }
0x1be: {  	v0 =	vld [tilespmem:s16+$0xFFFFFFF0];
	_ =	sdelay $0x4  }
0x1bf: {  	v0 =	vcvt.s32.f32 v0;
	_ =	sdelay $0x1  }
0x1c0: {  	[tilespmem:s17+$0xFFFFFFF0] =	vst v0  }
0x1c1: {  	v0 =	vld [tilespmem:s16+$0x0];
	_ =	sdelay $0x4  }
0x1c2: {  	v0 =	vcvt.s32.f32 v0  }
0x1c3: {  	s19 =	simm.s32 $0x40  }
0x1c4: {  	s19 =	sand.u32 $0x3C0, s19;
	s18 =	simm.s32 $0x80;
	[tilespmem:s17+$0x0] =	vst v0  }
.LBB2_18:
0x1c5: {  	p0 =	sne.s32 s18, $0x340;
	v0 =	vld [tilespmem:s19+$0x5100];
	_ =	sdelay $0x4  }
0x1c6: {  	v0 =	vcvt.s32.f32 v0;
	_ =	sdelay $0x1  }
0x1c7: {  	s16 =	sadd.s32 $0x40, s16;
	[tilespmem:s19+$0x8500] =	vst v0  }
0x1c8: {  	v0 =	vld [tilespmem:s16+$0xFFFFFFE0];
	_ =	sdelay $0x4  }
0x1c9: {  	v0 =	vcvt.s32.f32 v0  }
0x1ca: {  	s17 =	sadd.s32 $0x40, s17  }
0x1cb: {  	[tilespmem:s17+$0xFFFFFFE0] =	vst v0  }
0x1cc: {  	v0 =	vld [tilespmem:s16+$0xFFFFFFF0];
	_ =	sdelay $0x4  }
0x1cd: {  	v0 =	vcvt.s32.f32 v0;
	_ =	sdelay $0x1  }
0x1ce: {  	[tilespmem:s17+$0xFFFFFFF0] =	vst v0  }
0x1cf: {  	v0 =	vld [tilespmem:s16+$0x0];
	_ =	sdelay $0x2  }
.Ltmp8:
0x1d0: {  	(pc) =	sbr.rel @p0 .LBB2_18-.Ltmp8, $3  }
0x1d1: {  	_ = 	snop  }
0x1d2: {  	v0 =	vcvt.s32.f32 v0;
	_ =	sdelay $0x1  }
0x1d3: {  	s19 =	sand.u32 $0x3C0, s18;
	s18 =	sadd.s32 $0x40, s18;
	[tilespmem:s17+$0x0] =	vst v0  }
0x1d4: {  	v0 =	vld [tilespmem:s19+$0x5100];
	_ =	sdelay $0x4  }
0x1d5: {  	v0 =	vcvt.s32.f32 v0;
	_ =	sdelay $0x1  }
0x1d6: {  	s16 =	sadd.s32 $0x40, s16;
	[tilespmem:s19+$0x8500] =	vst v0  }
0x1d7: {  	v0 =	vld [tilespmem:s16+$0xFFFFFFE0];
	_ =	sdelay $0x4  }
0x1d8: {  	v0 =	vcvt.s32.f32 v0  }
0x1d9: {  	s17 =	sadd.s32 $0x40, s17  }
0x1da: {  	[tilespmem:s17+$0xFFFFFFE0] =	vst v0  }
0x1db: {  	v0 =	vld [tilespmem:s16+$0xFFFFFFF0];
	_ =	sdelay $0x4  }
0x1dc: {  	v0 =	vcvt.s32.f32 v0;
	_ =	sdelay $0x1  }
0x1dd: {  	[tilespmem:s17+$0xFFFFFFF0] =	vst v0  }
0x1de: {  	v0 =	vld [tilespmem:s16+$0x0];
	_ =	sdelay $0x4  }
0x1df: {  	v0 =	vcvt.s32.f32 v0;
	_ =	sdelay $0x1  }
0x1e0: {  	s18 =	simm.s32 $0x8500;
	s19 =	rddreg [dreg:$0xe];
	s16 =	simm.s32 $0x0;
	[tilespmem:s17+$0x0] =	vst v0  }
0x1e1: {  	[hbm4b:s19+s16] =	stream.linear.scatter [tilespmem:s18], [sflag:$0x11], $0x380, $0x38;
	[tilespmem:$0x9C00] =	vst v63  }
0x1e2: {  	_ =	swait.ge [sflag:s8], $0x380  }
0x1e3: {  	[sflag:s8] =	ssyncset.done $0x0  }
0x1e4: {  	s18 =	sand.u32 $0x3C0, s16;
	[sflag:s8] =	ssyncadd.s32 $0xFFFFFC80  }
0x1e5: {  	v63 =	vld [tilespmem:s18+$0x5480];
	_ =	sdelay $0x4  }
0x1e6: {  	v0 =	vcvt.s32.f32 v63;
	_ =	sdelay $0x1  }
0x1e7: {  	s16 =	simm.s32 $0x54B0;
	[tilespmem:s18+$0x8880] =	vst v0  }
0x1e8: {  	v0 =	vld [tilespmem:s16+$0xFFFFFFE0];
	_ =	sdelay $0x4  }
0x1e9: {  	v0 =	vcvt.s32.f32 v0  }
0x1ea: {  	s17 =	simm.s32 $0x88B0  }
0x1eb: {  	[tilespmem:s17+$0xFFFFFFE0] =	vst v0  }
0x1ec: {  	v0 =	vld [tilespmem:s16+$0xFFFFFFF0];
	_ =	sdelay $0x4  }
0x1ed: {  	v0 =	vcvt.s32.f32 v0;
	_ =	sdelay $0x1  }
0x1ee: {  	[tilespmem:s17+$0xFFFFFFF0] =	vst v0  }
0x1ef: {  	v0 =	vld [tilespmem:s16+$0x0];
	_ =	sdelay $0x4  }
0x1f0: {  	v0 =	vcvt.s32.f32 v0  }
0x1f1: {  	s19 =	simm.s32 $0x40  }
0x1f2: {  	s19 =	sand.u32 $0x3C0, s19;
	s18 =	simm.s32 $0x80;
	[tilespmem:s17+$0x0] =	vst v0  }
.LBB2_20:
0x1f3: {  	p0 =	sne.s32 s18, $0x340;
	v0 =	vld [tilespmem:s19+$0x5480];
	_ =	sdelay $0x4  }
0x1f4: {  	v0 =	vcvt.s32.f32 v0;
	_ =	sdelay $0x1  }
0x1f5: {  	s16 =	sadd.s32 $0x40, s16;
	[tilespmem:s19+$0x8880] =	vst v0  }
0x1f6: {  	v0 =	vld [tilespmem:s16+$0xFFFFFFE0];
	_ =	sdelay $0x4  }
0x1f7: {  	v0 =	vcvt.s32.f32 v0  }
0x1f8: {  	s17 =	sadd.s32 $0x40, s17  }
0x1f9: {  	[tilespmem:s17+$0xFFFFFFE0] =	vst v0  }
0x1fa: {  	v0 =	vld [tilespmem:s16+$0xFFFFFFF0];
	_ =	sdelay $0x4  }
0x1fb: {  	v0 =	vcvt.s32.f32 v0;
	_ =	sdelay $0x1  }
0x1fc: {  	[tilespmem:s17+$0xFFFFFFF0] =	vst v0  }
0x1fd: {  	v0 =	vld [tilespmem:s16+$0x0];
	_ =	sdelay $0x2  }
.Ltmp9:
0x1fe: {  	(pc) =	sbr.rel @p0 .LBB2_20-.Ltmp9, $3  }
0x1ff: {  	_ = 	snop  }
0x200: {  	v0 =	vcvt.s32.f32 v0;
	_ =	sdelay $0x1  }
0x201: {  	s19 =	sand.u32 $0x3C0, s18;
	s18 =	sadd.s32 $0x40, s18;
	[tilespmem:s17+$0x0] =	vst v0  }
0x202: {  	v0 =	vld [tilespmem:s19+$0x5480];
	_ =	sdelay $0x4  }
0x203: {  	v0 =	vcvt.s32.f32 v0;
	_ =	sdelay $0x1  }
0x204: {  	s16 =	sadd.s32 $0x40, s16;
	[tilespmem:s19+$0x8880] =	vst v0  }
0x205: {  	v0 =	vld [tilespmem:s16+$0xFFFFFFE0];
	_ =	sdelay $0x4  }
0x206: {  	v0 =	vcvt.s32.f32 v0  }
0x207: {  	s17 =	sadd.s32 $0x40, s17  }
0x208: {  	[tilespmem:s17+$0xFFFFFFE0] =	vst v0  }
0x209: {  	v0 =	vld [tilespmem:s16+$0xFFFFFFF0];
	_ =	sdelay $0x4  }
0x20a: {  	v0 =	vcvt.s32.f32 v0;
	_ =	sdelay $0x1  }
0x20b: {  	[tilespmem:s17+$0xFFFFFFF0] =	vst v0  }
0x20c: {  	v0 =	vld [tilespmem:s16+$0x0];
	_ =	sdelay $0x4  }
0x20d: {  	v0 =	vcvt.s32.f32 v0;
	_ =	sdelay $0x1  }
0x20e: {  	s18 =	simm.s32 $0x8880;
	s19 =	rddreg [dreg:$0xf];
	[tilespmem:s17+$0x0] =	vst v0;
	s17 =	simm.s32 $0x0  }
0x20f: {  	[hbm4b:s19+s17] =	stream.linear.scatter [tilespmem:s18], [sflag:$0x11], $0x380, $0x38;
	[tilespmem:$0x9C00] =	vst v63  }
0x210: {  	_ =	swait.ge [sflag:s9], $0x380  }
0x211: {  	[sflag:s9] =	ssyncset.done $0x0  }
0x212: {  	s16 =	simm.s32 $0x0;
	[sflag:s9] =	ssyncadd.s32 $0xFFFFFC80  }
0x213: {  	v1 =	vld [tilespmem:s16+$0x5830]  }
0x214: {  	v2 =	vld [tilespmem:s16+$0x5800]  }
0x215: {  	v3 =	vld [tilespmem:s16+$0x5810]  }
0x216: {  	v0 =	vld [tilespmem:s16+$0x5820]  }
0x217: {  	s17 =	simm.s32 $0x100  }
.LBB2_22:
0x218: {  	s18 =	sshra.s32 s17, $0x2;
	p0 =	sne.s32 s17, $0xD00;
	s17 =	sadd.s32 $0x100, s17;
	v4 =	vcvt.s32.f32 v1  }
.Ltmp10:
0x219: {  	v1 =	vld [tilespmem:s18+$0x5830];
	v5 =	vcvt.s32.f32 v2;
	(pc) =	sbr.rel @p0 .LBB2_22-.Ltmp10, $4  }
0x21a: {  	v2 =	vld [tilespmem:s18+$0x5800];
	v6 =	vcvt.s32.f32 v3;
	[tilespmem:s16+$0x8C30] =	vst v4  }
0x21b: {  	v3 =	vld [tilespmem:s18+$0x5810];
	[tilespmem:s16+$0x8C00] =	vst v5;
	v4 =	vcvt.s32.f32 v0  }
0x21c: {  	v0 =	vld [tilespmem:s18+$0x5820];
	[tilespmem:s16+$0x8C10] =	vst v6  }
0x21d: {  	[tilespmem:s16+$0x8C20] =	vst v4;
	s16 =	smov.u32 s18  }
0x21e: {  	v1 =	vcvt.s32.f32 v1  }
0x21f: {  	v2 =	vcvt.s32.f32 v2  }
0x220: {  	v3 =	vcvt.s32.f32 v3;
	[tilespmem:s16+$0x8C30] =	vst v1  }
0x221: {  	[tilespmem:s16+$0x8C00] =	vst v2;
	v0 =	vcvt.s32.f32 v0  }
0x222: {  	[tilespmem:s16+$0x8C10] =	vst v3  }
0x223: {  	s19 =	simm.s32 $0x0;
	s17 =	rddreg [dreg:$0x10];
	s18 =	simm.s32 $0x8C00;
	[tilespmem:s16+$0x8C20] =	vst v0  }
0x224: {  	[hbm4b:s17+s19] =	stream.linear.scatter [tilespmem:s18], [sflag:$0x11], $0x380, $0x38;
	[tilespmem:$0x9C00] =	vst v63  }
0x225: {  	_ =	swait.ge [sflag:s10], $0x380  }
0x226: {  	[sflag:s10] =	ssyncset.done $0x0  }
0x227: {  	s18 =	sand.u32 $0x3C0, s19;
	[sflag:s10] =	ssyncadd.s32 $0xFFFFFC80  }
0x228: {  	v63 =	vld [tilespmem:s18+$0x5B80];
	_ =	sdelay $0x4  }
0x229: {  	v0 =	vcvt.s32.f32 v63;
	_ =	sdelay $0x1  }
0x22a: {  	s16 =	simm.s32 $0x5BB0;
	[tilespmem:s18+$0x8F80] =	vst v0  }
0x22b: {  	v0 =	vld [tilespmem:s16+$0xFFFFFFE0];
	_ =	sdelay $0x4  }
0x22c: {  	v0 =	vcvt.s32.f32 v0  }
0x22d: {  	s17 =	simm.s32 $0x8FB0  }
0x22e: {  	[tilespmem:s17+$0xFFFFFFE0] =	vst v0  }
0x22f: {  	v0 =	vld [tilespmem:s16+$0xFFFFFFF0];
	_ =	sdelay $0x4  }
0x230: {  	v0 =	vcvt.s32.f32 v0;
	_ =	sdelay $0x1  }
0x231: {  	[tilespmem:s17+$0xFFFFFFF0] =	vst v0  }
0x232: {  	v0 =	vld [tilespmem:s16+$0x0];
	_ =	sdelay $0x4  }
0x233: {  	v0 =	vcvt.s32.f32 v0  }
0x234: {  	s19 =	simm.s32 $0x40  }
0x235: {  	s19 =	sand.u32 $0x3C0, s19;
	s18 =	simm.s32 $0x80;
	[tilespmem:s17+$0x0] =	vst v0  }
.LBB2_24:
0x236: {  	p0 =	sne.s32 s18, $0x340;
	v0 =	vld [tilespmem:s19+$0x5B80];
	_ =	sdelay $0x4  }
0x237: {  	v0 =	vcvt.s32.f32 v0;
	_ =	sdelay $0x1  }
0x238: {  	s16 =	sadd.s32 $0x40, s16;
	[tilespmem:s19+$0x8F80] =	vst v0  }
0x239: {  	v0 =	vld [tilespmem:s16+$0xFFFFFFE0];
	_ =	sdelay $0x4  }
0x23a: {  	v0 =	vcvt.s32.f32 v0  }
0x23b: {  	s17 =	sadd.s32 $0x40, s17  }
0x23c: {  	[tilespmem:s17+$0xFFFFFFE0] =	vst v0  }
0x23d: {  	v0 =	vld [tilespmem:s16+$0xFFFFFFF0];
	_ =	sdelay $0x4  }
0x23e: {  	v0 =	vcvt.s32.f32 v0;
	_ =	sdelay $0x1  }
0x23f: {  	[tilespmem:s17+$0xFFFFFFF0] =	vst v0  }
0x240: {  	v0 =	vld [tilespmem:s16+$0x0];
	_ =	sdelay $0x2  }
.Ltmp11:
0x241: {  	(pc) =	sbr.rel @p0 .LBB2_24-.Ltmp11, $3  }
0x242: {  	_ = 	snop  }
0x243: {  	v0 =	vcvt.s32.f32 v0;
	_ =	sdelay $0x1  }
0x244: {  	s19 =	sand.u32 $0x3C0, s18;
	s18 =	sadd.s32 $0x40, s18;
	[tilespmem:s17+$0x0] =	vst v0  }
0x245: {  	v0 =	vld [tilespmem:s19+$0x5B80];
	_ =	sdelay $0x4  }
0x246: {  	v0 =	vcvt.s32.f32 v0;
	_ =	sdelay $0x1  }
0x247: {  	s16 =	sadd.s32 $0x40, s16;
	[tilespmem:s19+$0x8F80] =	vst v0  }
0x248: {  	v0 =	vld [tilespmem:s16+$0xFFFFFFE0];
	_ =	sdelay $0x4  }
0x249: {  	v0 =	vcvt.s32.f32 v0  }
0x24a: {  	s17 =	sadd.s32 $0x40, s17  }
0x24b: {  	[tilespmem:s17+$0xFFFFFFE0] =	vst v0  }
0x24c: {  	v0 =	vld [tilespmem:s16+$0xFFFFFFF0];
	_ =	sdelay $0x4  }
0x24d: {  	v0 =	vcvt.s32.f32 v0;
	_ =	sdelay $0x1  }
0x24e: {  	[tilespmem:s17+$0xFFFFFFF0] =	vst v0  }
0x24f: {  	v0 =	vld [tilespmem:s16+$0x0];
	_ =	sdelay $0x4  }
0x250: {  	v0 =	vcvt.s32.f32 v0;
	_ =	sdelay $0x1  }
0x251: {  	s18 =	simm.s32 $0x8F80;
	s19 =	rddreg [dreg:$0x11];
	s16 =	simm.s32 $0x0;
	[tilespmem:s17+$0x0] =	vst v0  }
0x252: {  	[hbm4b:s19+s16] =	stream.linear.scatter [tilespmem:s18], [sflag:$0x11], $0x380, $0x38;
	[tilespmem:$0x9C00] =	vst v63  }
0x253: {  	_ =	swait.ge [sflag:s11], $0x380  }
0x254: {  	[sflag:s11] =	ssyncset.done $0x0  }
0x255: {  	s18 =	sand.u32 $0x3C0, s16;
	[sflag:s11] =	ssyncadd.s32 $0xFFFFFC80  }
0x256: {  	v63 =	vld [tilespmem:s18+$0x5F00];
	_ =	sdelay $0x4  }
0x257: {  	v0 =	vcvt.s32.f32 v63;
	_ =	sdelay $0x1  }
0x258: {  	s16 =	simm.s32 $0x5F30;
	[tilespmem:s18+$0x9300] =	vst v0  }
0x259: {  	v0 =	vld [tilespmem:s16+$0xFFFFFFE0];
	_ =	sdelay $0x4  }
0x25a: {  	v0 =	vcvt.s32.f32 v0  }
0x25b: {  	s17 =	simm.s32 $0x9330  }
0x25c: {  	[tilespmem:s17+$0xFFFFFFE0] =	vst v0  }
0x25d: {  	v0 =	vld [tilespmem:s16+$0xFFFFFFF0];
	_ =	sdelay $0x4  }
0x25e: {  	v0 =	vcvt.s32.f32 v0;
	_ =	sdelay $0x1  }
0x25f: {  	[tilespmem:s17+$0xFFFFFFF0] =	vst v0  }
0x260: {  	v0 =	vld [tilespmem:s16+$0x0];
	_ =	sdelay $0x4  }
0x261: {  	v0 =	vcvt.s32.f32 v0  }
0x262: {  	s19 =	simm.s32 $0x40  }
0x263: {  	s19 =	sand.u32 $0x3C0, s19;
	s18 =	simm.s32 $0x80;
	[tilespmem:s17+$0x0] =	vst v0  }
.LBB2_26:
0x264: {  	p0 =	sne.s32 s18, $0x340;
	v0 =	vld [tilespmem:s19+$0x5F00];
	_ =	sdelay $0x4  }
0x265: {  	v0 =	vcvt.s32.f32 v0;
	_ =	sdelay $0x1  }
0x266: {  	s16 =	sadd.s32 $0x40, s16;
	[tilespmem:s19+$0x9300] =	vst v0  }
0x267: {  	v0 =	vld [tilespmem:s16+$0xFFFFFFE0];
	_ =	sdelay $0x4  }
0x268: {  	v0 =	vcvt.s32.f32 v0  }
0x269: {  	s17 =	sadd.s32 $0x40, s17  }
0x26a: {  	[tilespmem:s17+$0xFFFFFFE0] =	vst v0  }
0x26b: {  	v0 =	vld [tilespmem:s16+$0xFFFFFFF0];
	_ =	sdelay $0x4  }
0x26c: {  	v0 =	vcvt.s32.f32 v0;
	_ =	sdelay $0x1  }
0x26d: {  	[tilespmem:s17+$0xFFFFFFF0] =	vst v0  }
0x26e: {  	v0 =	vld [tilespmem:s16+$0x0];
	_ =	sdelay $0x2  }
.Ltmp12:
0x26f: {  	(pc) =	sbr.rel @p0 .LBB2_26-.Ltmp12, $3  }
0x270: {  	_ = 	snop  }
0x271: {  	v0 =	vcvt.s32.f32 v0;
	_ =	sdelay $0x1  }
0x272: {  	s19 =	sand.u32 $0x3C0, s18;
	s18 =	sadd.s32 $0x40, s18;
	[tilespmem:s17+$0x0] =	vst v0  }
0x273: {  	v0 =	vld [tilespmem:s19+$0x5F00];
	_ =	sdelay $0x4  }
0x274: {  	v0 =	vcvt.s32.f32 v0;
	_ =	sdelay $0x1  }
0x275: {  	s16 =	sadd.s32 $0x40, s16;
	[tilespmem:s19+$0x9300] =	vst v0  }
0x276: {  	v0 =	vld [tilespmem:s16+$0xFFFFFFE0];
	_ =	sdelay $0x4  }
0x277: {  	v0 =	vcvt.s32.f32 v0  }
0x278: {  	s17 =	sadd.s32 $0x40, s17  }
0x279: {  	[tilespmem:s17+$0xFFFFFFE0] =	vst v0  }
0x27a: {  	v0 =	vld [tilespmem:s16+$0xFFFFFFF0];
	_ =	sdelay $0x4  }
0x27b: {  	v0 =	vcvt.s32.f32 v0;
	_ =	sdelay $0x1  }
0x27c: {  	[tilespmem:s17+$0xFFFFFFF0] =	vst v0  }
0x27d: {  	v0 =	vld [tilespmem:s16+$0x0];
	_ =	sdelay $0x4  }
0x27e: {  	v0 =	vcvt.s32.f32 v0;
	_ =	sdelay $0x1  }
0x27f: {  	s18 =	simm.s32 $0x9300;
	s19 =	rddreg [dreg:$0x12];
	s16 =	simm.s32 $0x0;
	[tilespmem:s17+$0x0] =	vst v0  }
0x280: {  	[hbm4b:s19+s16] =	stream.linear.scatter [tilespmem:s18], [sflag:$0x11], $0x380, $0x38;
	[tilespmem:$0x9C00] =	vst v63  }
0x281: {  	_ =	swait.ge [sflag:s12], $0x380  }
0x282: {  	[sflag:s12] =	ssyncset.done $0x0  }
0x283: {  	s18 =	sand.u32 $0x3C0, s16;
	[sflag:s12] =	ssyncadd.s32 $0xFFFFFC80  }
0x284: {  	v63 =	vld [tilespmem:s18+$0x6280];
	_ =	sdelay $0x4  }
0x285: {  	v0 =	vcvt.s32.f32 v63;
	_ =	sdelay $0x1  }
0x286: {  	s16 =	simm.s32 $0x62B0;
	[tilespmem:s18+$0x9680] =	vst v0  }
0x287: {  	v0 =	vld [tilespmem:s16+$0xFFFFFFE0];
	_ =	sdelay $0x4  }
0x288: {  	v0 =	vcvt.s32.f32 v0  }
0x289: {  	s17 =	simm.s32 $0x96B0  }
0x28a: {  	[tilespmem:s17+$0xFFFFFFE0] =	vst v0  }
0x28b: {  	v0 =	vld [tilespmem:s16+$0xFFFFFFF0];
	_ =	sdelay $0x4  }
0x28c: {  	v0 =	vcvt.s32.f32 v0;
	_ =	sdelay $0x1  }
0x28d: {  	[tilespmem:s17+$0xFFFFFFF0] =	vst v0  }
0x28e: {  	v0 =	vld [tilespmem:s16+$0x0];
	_ =	sdelay $0x4  }
0x28f: {  	v0 =	vcvt.s32.f32 v0  }
0x290: {  	s19 =	simm.s32 $0x40  }
0x291: {  	s19 =	sand.u32 $0x3C0, s19;
	s18 =	simm.s32 $0x80;
	[tilespmem:s17+$0x0] =	vst v0  }
.LBB2_28:
0x292: {  	p0 =	sne.s32 s18, $0x340;
	v0 =	vld [tilespmem:s19+$0x6280];
	_ =	sdelay $0x4  }
0x293: {  	v0 =	vcvt.s32.f32 v0;
	_ =	sdelay $0x1  }
0x294: {  	s16 =	sadd.s32 $0x40, s16;
	[tilespmem:s19+$0x9680] =	vst v0  }
0x295: {  	v0 =	vld [tilespmem:s16+$0xFFFFFFE0];
	_ =	sdelay $0x4  }
0x296: {  	v0 =	vcvt.s32.f32 v0  }
0x297: {  	s17 =	sadd.s32 $0x40, s17  }
0x298: {  	[tilespmem:s17+$0xFFFFFFE0] =	vst v0  }
0x299: {  	v0 =	vld [tilespmem:s16+$0xFFFFFFF0];
	_ =	sdelay $0x4  }
0x29a: {  	v0 =	vcvt.s32.f32 v0;
	_ =	sdelay $0x1  }
0x29b: {  	[tilespmem:s17+$0xFFFFFFF0] =	vst v0  }
0x29c: {  	v0 =	vld [tilespmem:s16+$0x0];
	_ =	sdelay $0x2  }
.Ltmp13:
0x29d: {  	(pc) =	sbr.rel @p0 .LBB2_28-.Ltmp13, $3  }
0x29e: {  	_ = 	snop  }
0x29f: {  	v0 =	vcvt.s32.f32 v0;
	_ =	sdelay $0x1  }
0x2a0: {  	s19 =	sand.u32 $0x3C0, s18;
	s18 =	sadd.s32 $0x40, s18;
	[tilespmem:s17+$0x0] =	vst v0  }
0x2a1: {  	v0 =	vld [tilespmem:s19+$0x6280];
	_ =	sdelay $0x4  }
0x2a2: {  	v0 =	vcvt.s32.f32 v0;
	_ =	sdelay $0x1  }
0x2a3: {  	s16 =	sadd.s32 $0x40, s16;
	[tilespmem:s19+$0x9680] =	vst v0  }
0x2a4: {  	v0 =	vld [tilespmem:s16+$0xFFFFFFE0];
	_ =	sdelay $0x4  }
0x2a5: {  	v0 =	vcvt.s32.f32 v0  }
0x2a6: {  	s17 =	sadd.s32 $0x40, s17  }
0x2a7: {  	[tilespmem:s17+$0xFFFFFFE0] =	vst v0  }
0x2a8: {  	v0 =	vld [tilespmem:s16+$0xFFFFFFF0];
	_ =	sdelay $0x4  }
0x2a9: {  	v0 =	vcvt.s32.f32 v0;
	_ =	sdelay $0x1  }
0x2aa: {  	[tilespmem:s17+$0xFFFFFFF0] =	vst v0  }
0x2ab: {  	v0 =	vld [tilespmem:s16+$0x0];
	_ =	sdelay $0x4  }
0x2ac: {  	v0 =	vcvt.s32.f32 v0;
	_ =	sdelay $0x1  }
0x2ad: {  	s18 =	simm.s32 $0x9680;
	[tilespmem:s17+$0x0] =	vst v0  }
0x2ae: {  	[hbm4b:s20+s3] =	stream.linear.scatter [tilespmem:s18], [sflag:$0x11], $0x380, $0x38;
	[tilespmem:$0x9C00] =	vst v63  }
0x2af: {  	_ =	swait.ge [sflag:s13], $0x200  }
0x2b0: {  	[sflag:s13] =	ssyncset.done $0x0  }
0x2b1: {  	[sflag:s13] =	ssyncadd.s32 $0xFFFFFE00  }
0x2b2: {  	v8 =	vld [tilespmem:$0x6600]  }
0x2b3: {  	v1 =	vld [tilespmem:$0x6610]  }
0x2b4: {  	v2 =	vld [tilespmem:$0x6620]  }
0x2b5: {  	v3 =	vld [tilespmem:$0x6630]  }
0x2b6: {  	v4 =	vld [tilespmem:$0x6640]  }
0x2b7: {  	v5 =	vld [tilespmem:$0x6650];
	v0 =	vcvt.s32.f32 v8  }
0x2b8: {  	v6 =	vld [tilespmem:$0x6660];
	v1 =	vcvt.s32.f32 v1  }
0x2b9: {  	v10 =	vld [tilespmem:$0x6670];
	v9 =	vcvt.s32.f32 v2;
	[tilespmem:$0x9A00] =	vst v0  }
0x2ba: {  	v12 =	vld [tilespmem:$0x6680];
	v11 =	vcvt.s32.f32 v3;
	[tilespmem:$0x9A10] =	vst v1  }
0x2bb: {  	v14 =	vld [tilespmem:$0x6690];
	v13 =	vcvt.s32.f32 v4;
	[tilespmem:$0x9A20] =	vst v9  }
0x2bc: {  	v16 =	vld [tilespmem:$0x66A0];
	v15 =	vcvt.s32.f32 v5;
	[tilespmem:$0x9A30] =	vst v11  }
0x2bd: {  	v18 =	vld [tilespmem:$0x66B0];
	v17 =	vcvt.s32.f32 v6;
	[tilespmem:$0x9A40] =	vst v13  }
0x2be: {  	v20 =	vld [tilespmem:$0x66C0];
	v19 =	vcvt.s32.f32 v10;
	[tilespmem:$0x9A50] =	vst v15  }
0x2bf: {  	v22 =	vld [tilespmem:$0x66D0];
	v21 =	vcvt.s32.f32 v12;
	[tilespmem:$0x9A60] =	vst v17  }
0x2c0: {  	v24 =	vld [tilespmem:$0x66E0];
	v23 =	vcvt.s32.f32 v14;
	[tilespmem:$0x9A70] =	vst v19  }
0x2c1: {  	v26 =	vld [tilespmem:$0x66F0];
	v25 =	vcvt.s32.f32 v16;
	[tilespmem:$0x9A80] =	vst v21  }
0x2c2: {  	v28 =	vld [tilespmem:$0x6700];
	v27 =	vcvt.s32.f32 v18;
	[tilespmem:$0x9A90] =	vst v23  }
0x2c3: {  	v30 =	vld [tilespmem:$0x6710];
	v29 =	vcvt.s32.f32 v20;
	[tilespmem:$0x9AA0] =	vst v25  }
0x2c4: {  	v32 =	vld [tilespmem:$0x6720];
	v31 =	vcvt.s32.f32 v22;
	[tilespmem:$0x9AB0] =	vst v27  }
0x2c5: {  	v34 =	vld [tilespmem:$0x6730];
	v33 =	vcvt.s32.f32 v24;
	[tilespmem:$0x9AC0] =	vst v29  }
0x2c6: {  	v36 =	vld [tilespmem:$0x6740];
	v35 =	vcvt.s32.f32 v26;
	[tilespmem:$0x9AD0] =	vst v31  }
0x2c7: {  	v38 =	vld [tilespmem:$0x6750];
	v37 =	vcvt.s32.f32 v28;
	[tilespmem:$0x9AE0] =	vst v33  }
0x2c8: {  	v40 =	vld [tilespmem:$0x6760];
	v39 =	vcvt.s32.f32 v30;
	[tilespmem:$0x9AF0] =	vst v35  }
0x2c9: {  	v42 =	vld [tilespmem:$0x6770];
	v41 =	vcvt.s32.f32 v32;
	[tilespmem:$0x9B00] =	vst v37  }
0x2ca: {  	v44 =	vld [tilespmem:$0x6780];
	v43 =	vcvt.s32.f32 v34;
	[tilespmem:$0x9B10] =	vst v39  }
0x2cb: {  	v46 =	vld [tilespmem:$0x6790];
	v45 =	vcvt.s32.f32 v36;
	[tilespmem:$0x9B20] =	vst v41  }
0x2cc: {  	v48 =	vld [tilespmem:$0x67A0];
	v47 =	vcvt.s32.f32 v38;
	[tilespmem:$0x9B30] =	vst v43  }
0x2cd: {  	v50 =	vld [tilespmem:$0x67B0];
	v49 =	vcvt.s32.f32 v40;
	[tilespmem:$0x9B40] =	vst v45  }
0x2ce: {  	v52 =	vld [tilespmem:$0x67C0];
	v51 =	vcvt.s32.f32 v42;
	[tilespmem:$0x9B50] =	vst v47  }
0x2cf: {  	v54 =	vld [tilespmem:$0x67D0];
	v53 =	vcvt.s32.f32 v44;
	[tilespmem:$0x9B60] =	vst v49  }
0x2d0: {  	v56 =	vld [tilespmem:$0x67E0];
	v55 =	vcvt.s32.f32 v46;
	[tilespmem:$0x9B70] =	vst v51  }
0x2d1: {  	v58 =	vld [tilespmem:$0x67F0];
	v57 =	vcvt.s32.f32 v48;
	[tilespmem:$0x9B80] =	vst v53  }
0x2d2: {  	v59 =	vcvt.s32.f32 v50;
	[tilespmem:$0x9B90] =	vst v55  }
0x2d3: {  	v60 =	vcvt.s32.f32 v52;
	[tilespmem:$0x9BA0] =	vst v57  }
0x2d4: {  	v61 =	vcvt.s32.f32 v54;
	[tilespmem:$0x9BB0] =	vst v59  }
0x2d5: {  	v62 =	vcvt.s32.f32 v56;
	[tilespmem:$0x9BC0] =	vst v60  }
0x2d6: {  	v63 =	vcvt.s32.f32 v58;
	[tilespmem:$0x9BD0] =	vst v61  }
0x2d7: {  	[tilespmem:$0x9BE0] =	vst v62  }
0x2d8: {  	s19 =	simm.s32 $0x9A00;
	[tilespmem:$0x9BF0] =	vst v63  }
0x2d9: {  	[hbm4b:s21+s3] =	stream.linear.scatter [tilespmem:s19], [sflag:$0x11], $0x200, $0x38;
	[tilespmem:$0x9C00] =	vst v63  }
0x2da: {  	_ =	swait.ge [sflag:s14], $0x100  }
0x2db: {  	[sflag:s14] =	ssyncset.done $0x0  }
0x2dc: {  	[sflag:s14] =	ssyncadd.s32 $0xFFFFFF00  }
0x2dd: {  	_ =	swait.ge [sflag:s14], $0x380  }
0x2de: {  	[sflag:s14] =	ssyncset.done $0x0  }
0x2df: {  	[sflag:s14] =	ssyncadd.s32 $0xFFFFFC80  }
0x2e0: {  	_ =	swait.ge [sflag:s14], $0x380  }
0x2e1: {  	[sflag:s14] =	ssyncset.done $0x0  }
0x2e2: {  	[sflag:s14] =	ssyncadd.s32 $0xFFFFFC80  }
0x2e3: {  	_ =	swait.ge [sflag:s14], $0x380  }
0x2e4: {  	[sflag:s14] =	ssyncset.done $0x0  }
0x2e5: {  	[sflag:s14] =	ssyncadd.s32 $0xFFFFFC80  }
0x2e6: {  	_ =	swait.ge [sflag:s14], $0x380  }
0x2e7: {  	[sflag:s14] =	ssyncset.done $0x0  }
0x2e8: {  	[sflag:s14] =	ssyncadd.s32 $0xFFFFFC80  }
0x2e9: {  	_ =	swait.ge [sflag:s14], $0x380  }
0x2ea: {  	[sflag:s14] =	ssyncset.done $0x0  }
0x2eb: {  	[sflag:s14] =	ssyncadd.s32 $0xFFFFFC80  }
0x2ec: {  	_ =	swait.ge [sflag:s14], $0x380  }
0x2ed: {  	[sflag:s14] =	ssyncset.done $0x0  }
0x2ee: {  	[sflag:s14] =	ssyncadd.s32 $0xFFFFFC80  }
0x2ef: {  	_ =	swait.ge [sflag:s14], $0x380  }
0x2f0: {  	[sflag:s14] =	ssyncset.done $0x0  }
0x2f1: {  	[sflag:s14] =	ssyncadd.s32 $0xFFFFFC80  }
0x2f2: {  	_ =	swait.ge [sflag:s14], $0x380  }
0x2f3: {  	[sflag:s14] =	ssyncset.done $0x0  }
0x2f4: {  	[sflag:s14] =	ssyncadd.s32 $0xFFFFFC80  }
0x2f5: {  	_ =	swait.ge [sflag:s14], $0x380  }
0x2f6: {  	[sflag:s14] =	ssyncset.done $0x0  }
0x2f7: {  	[sflag:s14] =	ssyncadd.s32 $0xFFFFFC80  }
0x2f8: {  	_ =	swait.ge [sflag:s14], $0x380  }
0x2f9: {  	[sflag:s14] =	ssyncset.done $0x0  }
0x2fa: {  	[sflag:s14] =	ssyncadd.s32 $0xFFFFFC80  }
0x2fb: {  	_ =	swait.ge [sflag:s14], $0x380  }
0x2fc: {  	[sflag:s14] =	ssyncset.done $0x0  }
0x2fd: {  	[sflag:s14] =	ssyncadd.s32 $0xFFFFFC80  }
0x2fe: {  	_ =	swait.ge [sflag:s14], $0x380  }
0x2ff: {  	[sflag:s14] =	ssyncset.done $0x0  }
0x300: {  	[sflag:s14] =	ssyncadd.s32 $0xFFFFFC80  }
0x301: {  	_ =	swait.ge [sflag:s14], $0x380  }
0x302: {  	[sflag:s14] =	ssyncset.done $0x0  }
0x303: {  	s15 =	sadd.s32 $0x1, s15;
	[sflag:s14] =	ssyncadd.s32 $0xFFFFFC80  }
0x304: {  	p0 =	sne.s32 s15, s22;
	_ =	swait.ge [sflag:s14], $0x380  }
.Ltmp14:
0x305: {  	[sflag:s14] =	ssyncset.done $0x0;
	(pc) =	sbr.rel @p0 .LBB2_1-.Ltmp14, $4  }
0x306: {  	[sflag:s14] =	ssyncadd.s32 $0xFFFFFC80  }
0x307: {  	_ =	swait.ge [sflag:s14], $0x200  }
0x308: {  	[sflag:s14] =	ssyncset.done $0x0  }
0x309: {  	[sflag:s14] =	ssyncadd.s32 $0xFFFFFE00  }
0x30a: {  	_ =	sfence.sel $0x180000  }
0x30b: {  	[bflag:$0x0] =	sbarrier.arrive $0xFFFF  }
0x30c: {  	_ =	strace $0x90000047  }
0x30d: {  	s0 =	stileid.u32;
	[bflag:$0x2] =	sbarrier.arrive $0xFFFF  }
0x30e: {  	p0 =	sne.s32 s0, $0x0;
	s0 =	rddreg [dreg:$0x3]  }
0x30f: {  	s0 =	sadd.s32 @!p0 $0x100000, s0  }
0x310: {  	[sflag:s0] =	ssyncadd.tile.s32 @!p0 $0x1;
	_ =	shalt  }
.Lfunc_end2:
_tile_overlayer_lowered:
.L_overlay_start_2:
0x311: {  	(tag) =	ssettag $0x2  }
0x312: {  	s0 =	rddreg [dreg:$0x0];
	s2 =	stileid.u32  }
0x313: {  	s1 =	rddreg [dreg:$0x1];
	p0 =	sne.s32 s2, $0x0  }
0x314: {  	s3 =	rddreg [dreg:$0x2];
	[bflag:$0x3] =	sbarrier.arrive $0xFFFF;
	s2 =	simm.s32 @!p0 $0x1C12  }
0x315: {  	[timem:s3], [sflag:s2] =	dma.local @!p0 [hbm:s0], s1  }
0x316: {  	s0 =	simm.s32 @!p0 $0x12  }
0x317: {  	_ =	swait.ge @!p0 [sflag:s0], s1  }
0x318: {  	s1 =	ssub.s32 @!p0 $0x0, s1;
	[sflag:s0] =	ssyncset.done @!p0 $0x0  }
0x319: {  	[sflag:s0] =	ssyncadd.s32 @!p0 s1  }
0x31a: {  	[bflag:$0x3] =	sbarrier.arrive $0xFFFF  }
0x31b: {  	_ =	shalt  }

</sc_bundles>
